<compile_context>
chip_gen: v7x
topology: tpu7x:2x2x1
jax: 0.10.2.dev20260603
libtpu: 0.0.44.dev20260713+nightly
codegen_flags: <defaults>
</compile_context>

<pallas_src>
import jax
import jax.numpy as jnp
from jax import lax
from jax.experimental import pallas as pl
from jax.experimental.pallas import tpu as pltpu
from jax.experimental.pallas import tpu_sc as plsc

VOCAB = 1_000_000
EMB = 64
BATCH = 16384
NEG_K = 20

NC = 2
NS = 16
LANES = 16
NW = NC * NS
SPW = BATCH // NW
CHUNK = 32
NCHUNK = SPW // CHUNK
EJ = EMB // LANES
ROW = 2 * EMB

IDX_COLS = 128
CIX_ROWS = BATCH // IDX_COLS
PART_COLS = 128
PART_ROWS = BATCH * LANES // PART_COLS
PROWS_PW = PART_ROWS // NW


TBLK = 16384
TGRID = (VOCAB + TBLK - 1) // TBLK


def _fuse_body(wct_ref, wot_ref, t_ref):
    x = jnp.concatenate([wct_ref[...], wot_ref[...]], axis=0)
    t_ref[...] = jnp.transpose(x)


_fuse_call = pl.pallas_call(
    _fuse_body,
    grid=(TGRID,),
    in_specs=[pl.BlockSpec((EMB, TBLK), lambda i: (0, i)),
              pl.BlockSpec((EMB, TBLK), lambda i: (0, i))],
    out_shape=jax.ShapeDtypeStruct((VOCAB, ROW), jnp.float32),
    out_specs=pl.BlockSpec((TBLK, ROW), lambda i: (i, 0)),
)



def _sc_body(cix_hbm, oix_hbm, nix_hbm, t_hbm,
             up_hbm, np_hbm,
             cidx_v, oidx_v, nidx_v, ctr_rows, out_rows, neg_rows,
             up_v, np_v, sem):
    wid = lax.axis_index("s") * NC + lax.axis_index("c")
    irow = wid * (SPW // IDX_COLS)

    pltpu.sync_copy(cix_hbm.at[pl.ds(irow, SPW // IDX_COLS)], cidx_v)
    pltpu.sync_copy(oix_hbm.at[pl.ds(irow, SPW // IDX_COLS)], oidx_v)
    for k in range(NEG_K):
        pltpu.sync_copy(nix_hbm.at[k, pl.ds(irow, SPW // IDX_COLS)],
                        nidx_v.at[k])

    def chunk_body(c, _):
        cb = c * CHUNK
        r = lax.shift_right_logical(c, 2)
        col = lax.mul(lax.rem(c, 4), CHUNK)
        d_ctr = pltpu.make_async_copy(
            t_hbm.at[cidx_v.at[r, pl.ds(col, CHUNK)]], ctr_rows, sem)
        d_out = pltpu.make_async_copy(
            t_hbm.at[oidx_v.at[r, pl.ds(col, CHUNK)]], out_rows, sem)
        d_ctr.start()
        d_out.start()
        d_negs = []
        for k in range(NEG_K):
            d = pltpu.make_async_copy(
                t_hbm.at[nidx_v.at[k, r, pl.ds(col, CHUNK)]],
                neg_rows.at[pl.ds(k * CHUNK, CHUNK)], sem)
            d.start()
            d_negs.append(d)
        d_ctr.wait()
        d_out.wait()
        for d in d_negs:
            d.wait()

        def sample_body(sl, _):
            cj = [ctr_rows[sl, pl.ds(16 * j, 16)] for j in range(EJ)]
            oj = [out_rows[sl, pl.ds(EMB + 16 * j, 16)] for j in range(EJ)]
            u = cj[0] * oj[0]
            for j in range(1, EJ):
                u = u + cj[j] * oj[j]
            acc = [cj[j] * neg_rows[sl, pl.ds(EMB + 16 * j, 16)]
                   for j in range(EJ)]
            for k in range(1, NEG_K):
                for j in range(EJ):
                    acc[j] = acc[j] + cj[j] * neg_rows[k * CHUNK + sl,
                                                       pl.ds(EMB + 16 * j, 16)]
            nv = (acc[0] + acc[1]) + (acc[2] + acc[3])
            s = cb + sl
            pr = lax.shift_right_logical(s, 3)
            pc = lax.mul(lax.rem(s, 8), LANES)
            up_v[pr, pl.ds(pc, LANES)] = u
            np_v[pr, pl.ds(pc, LANES)] = nv
            return 0

        lax.fori_loop(0, CHUNK, sample_body, 0)
        return 0

    lax.fori_loop(0, NCHUNK, chunk_body, 0)

    pltpu.sync_copy(up_v, up_hbm.at[pl.ds(wid * PROWS_PW, PROWS_PW)])
    pltpu.sync_copy(np_v, np_hbm.at[pl.ds(wid * PROWS_PW, PROWS_PW)])


_sc_call = pl.kernel(
    _sc_body,
    out_type=(jax.ShapeDtypeStruct((PART_ROWS, PART_COLS), jnp.float32),
              jax.ShapeDtypeStruct((PART_ROWS, PART_COLS), jnp.float32)),
    mesh=plsc.VectorSubcoreMesh(core_axis_name="c", subcore_axis_name="s",
                                num_cores=NC, num_subcores=NS),
    scratch_types=[
        pltpu.VMEM((SPW // IDX_COLS, IDX_COLS), jnp.int32),
        pltpu.VMEM((SPW // IDX_COLS, IDX_COLS), jnp.int32),
        pltpu.VMEM((NEG_K, SPW // IDX_COLS, IDX_COLS), jnp.int32),
        pltpu.VMEM((CHUNK, ROW), jnp.float32),
        pltpu.VMEM((CHUNK, ROW), jnp.float32),
        pltpu.VMEM((NEG_K * CHUNK, ROW), jnp.float32),
        pltpu.VMEM((PROWS_PW, PART_COLS), jnp.float32),
        pltpu.VMEM((PROWS_PW, PART_COLS), jnp.float32),
        pltpu.SemaphoreType.DMA,
    ],
    compiler_params=pltpu.CompilerParams(use_tc_tiling_on_sc=False),
)



def _log_sigmoid(x):
    return jnp.minimum(x, 0.0) - jnp.log1p(jnp.exp(-jnp.abs(x)))


def _loss_body(u_ref, n_ref, o_ref):
    sel = jnp.float32(1.0) * (
        lax.broadcasted_iota(jnp.int32, (PART_COLS, PART_COLS // LANES), 0)
        // LANES
        == lax.broadcasted_iota(jnp.int32, (PART_COLS, PART_COLS // LANES), 1))
    dn = (((1,), (0,)), ((), ()))
    u = lax.dot_general(u_ref[...], sel, dn,
                        preferred_element_type=jnp.float32)
    n = lax.dot_general(n_ref[...], sel, dn,
                        preferred_element_type=jnp.float32)
    o_ref[0, 0] = -jnp.sum(_log_sigmoid(u) + _log_sigmoid(-n)) / BATCH


_loss_call = pl.pallas_call(
    _loss_body,
    out_shape=jax.ShapeDtypeStruct((1, 1), jnp.float32),
    out_specs=pl.BlockSpec(memory_space=pltpu.SMEM),
)


def kernel(center, outside, negative, W_center, W_outside):
    t_fused = _fuse_call(W_center.T, W_outside.T)
    cix = center.T.reshape(CIX_ROWS, IDX_COLS)
    oix = outside.T.reshape(CIX_ROWS, IDX_COLS)
    nix = negative.T.reshape(NEG_K, CIX_ROWS, IDX_COLS)
    up, npart = _sc_call(cix, oix, nix, t_fused)
    out = _loss_call(up, npart)
    return out[0, 0]

# --- scband reference (transcript-rebuilt; emitter-appended) ---
"""Pipeline reference for scband-skipgram-neg-33526514712939 (READ-ONLY COPY).

The authoritative reference and input builder live on the scoring server;
editing this copy changes nothing except your own understanding.
"""

import jax, jax.numpy as jnp
import numpy as np

VOC = 1000000
EMB = 64
B = 16384
K = 20


def setup_inputs(seed: int = 0) -> dict:
    key = jax.random.key(seed)
    k1, k2, k3, k4, k5 = jax.random.split(key, 5)
    center = jax.random.randint(k1, (B, 1), 0, VOC, dtype=jnp.int32)
    outside = jax.random.randint(k2, (B, 1), 0, VOC, dtype=jnp.int32)
    negative = jax.random.randint(k3, (B, K), 0, VOC, dtype=jnp.int32)
    W_center = jax.random.normal(k4, (VOC, EMB), dtype=jnp.float32) * 0.02
    W_outside = jax.random.normal(k5, (VOC, EMB), dtype=jnp.float32) * 0.02
    return {
        'center': center,
        'outside': outside,
        'negative': negative,
        'W_center': W_center,
        'W_outside': W_outside,
    }


def reference(center, outside, negative, W_center, W_outside):
    # embedding lookups (gathers)
    center_embed = jnp.take(W_center, center, axis=0)    # [B, 1, E]
    outside_embed = jnp.take(W_outside, outside, axis=0)  # [B, 1, E]
    neg_embed = jnp.take(W_outside, negative, axis=0)     # [B, K, E]

    # uovc = outside_embed.bmm(center_embed.transpose(1,2)).squeeze(2) -> [B, 1]
    uovc = jnp.einsum('bie,bje->bi', outside_embed, center_embed)  # [B, 1]
    # ukvc = -neg_embed.bmm(center_embed.transpose(1,2)).squeeze(2) -> [B, K]
    ukvc = -jnp.einsum('bke,bje->bk', neg_embed, center_embed)     # [B, K]
    ukvc_sum = jnp.sum(ukvc, axis=1).reshape(-1, 1)                # [B, 1]

    loss = jax.nn.log_sigmoid(uovc) + jax.nn.log_sigmoid(ukvc_sum)
    return -jnp.mean(loss)

if __name__ == "__main__":
    import jax
    _d = setup_inputs()
    print(jax.jit(kernel)(*tuple(_d.values())))

</pallas_src>

<mosaic_0001>
#map = affine_map<(d0, d1) -> (0, 0)>
#map1 = affine_map<(d0, d1) -> (0, 0, 0)>
module attributes {stable_mosaic.version = 14 : i64} {
  func.func @_sc_body(%arg0: i32, %arg1: i32, %arg2: memref<128x128xi32, #tpu.memory_space<hbm>>, %arg3: memref<128x128xi32, #tpu.memory_space<hbm>>, %arg4: memref<20x128x128xi32, #tpu.memory_space<hbm>>, %arg5: memref<1000000x128xf32, #tpu.memory_space<hbm>>, %arg6: memref<2048x128xf32, #tpu.memory_space<hbm>>, %arg7: memref<2048x128xf32, #tpu.memory_space<hbm>>, %arg8: memref<4x128xi32, #tpu.memory_space<vmem>>, %arg9: memref<4x128xi32, #tpu.memory_space<vmem>>, %arg10: memref<20x4x128xi32, #tpu.memory_space<vmem>>, %arg11: memref<32x128xf32, #tpu.memory_space<vmem>>, %arg12: memref<32x128xf32, #tpu.memory_space<vmem>>, %arg13: memref<640x128xf32, #tpu.memory_space<vmem>>, %arg14: memref<64x128xf32, #tpu.memory_space<vmem>>, %arg15: memref<64x128xf32, #tpu.memory_space<vmem>>, %arg16: memref<!tpu.dma_semaphore, #tpu.memory_space<semaphore_mem>>) attributes {dimension_semantics = [#tpu.dimension_semantics<core_parallel>, #tpu.dimension_semantics<subcore_parallel>], iteration_bounds = array<i64: 2, 16>, scalar_prefetch = 0 : i64, scratch_operands = 9 : i64, tpu.core_type = #tpu.core_type<sc_vector_subcore>, window_params = [{transform_indices = #map}, {transform_indices = #map}, {transform_indices = #map1}, {transform_indices = #map}, {transform_indices = #map}, {transform_indices = #map}]} {
    %mul3A = arith.constant 2 : i32
    %mul3A_0 = arith.muli %arg1, %mul3A : i32
    %add3A = arith.addi %mul3A_0, %arg0 : i32
    %mul3A_1 = arith.constant 4 : i32
    %mul3A_2 = arith.muli %add3A, %mul3A_1 : i32
    "tpu.region"() ({
      %run_scoped3A_52 = tpu.sem_alloc : memref<!tpu.dma_semaphore, #tpu.memory_space<semaphore_mem>>
      %dma_start3A = arith.constant 0 : i32
      %dma_start3A_53 = tpu.memref_slice %arg2[%mul3A_2, %dma_start3A] : memref<128x128xi32, #tpu.memory_space<hbm>> -> memref<4x128xi32, #tpu.memory_space<hbm>>
      %dma_start3A_54 = arith.constant 0 : i32
      %dma_start3A_55 = tpu.memref_slice %arg2[%mul3A_2, %dma_start3A_54] : memref<128x128xi32, #tpu.memory_space<hbm>> -> memref<4x128xi32, #tpu.memory_space<hbm>>
      tpu.enqueue_dma source(%dma_start3A_55 : memref<4x128xi32, #tpu.memory_space<hbm>>) target(%arg8 : memref<4x128xi32, #tpu.memory_space<vmem>>) target_semaphore(%run_scoped3A_52 : memref<!tpu.dma_semaphore, #tpu.memory_space<semaphore_mem>>)
      %dma_wait3A = arith.constant 0 : i32
      %dma_wait3A_56 = tpu.memref_slice %arg2[%mul3A_2, %dma_wait3A] : memref<128x128xi32, #tpu.memory_space<hbm>> -> memref<4x128xi32, #tpu.memory_space<hbm>>
      %dma_wait3A_57 = arith.constant 0 : i32
      %dma_wait3A_58 = tpu.memref_slice %arg2[%mul3A_2, %dma_wait3A_57] : memref<128x128xi32, #tpu.memory_space<hbm>> -> memref<4x128xi32, #tpu.memory_space<hbm>>
      tpu.wait_dma2 semaphore(%run_scoped3A_52 : memref<!tpu.dma_semaphore, #tpu.memory_space<semaphore_mem>>) src(%dma_wait3A_58 : memref<4x128xi32, #tpu.memory_space<hbm>>) dst(%arg8 : memref<4x128xi32, #tpu.memory_space<vmem>>)
      tpu.yield
    }) : () -> ()
    "tpu.region"() ({
      %run_scoped3A_52 = tpu.sem_alloc : memref<!tpu.dma_semaphore, #tpu.memory_space<semaphore_mem>>
      %dma_start3A = arith.constant 0 : i32
      %dma_start3A_53 = tpu.memref_slice %arg3[%mul3A_2, %dma_start3A] : memref<128x128xi32, #tpu.memory_space<hbm>> -> memref<4x128xi32, #tpu.memory_space<hbm>>
      %dma_start3A_54 = arith.constant 0 : i32
      %dma_start3A_55 = tpu.memref_slice %arg3[%mul3A_2, %dma_start3A_54] : memref<128x128xi32, #tpu.memory_space<hbm>> -> memref<4x128xi32, #tpu.memory_space<hbm>>
      tpu.enqueue_dma source(%dma_start3A_55 : memref<4x128xi32, #tpu.memory_space<hbm>>) target(%arg9 : memref<4x128xi32, #tpu.memory_space<vmem>>) target_semaphore(%run_scoped3A_52 : memref<!tpu.dma_semaphore, #tpu.memory_space<semaphore_mem>>)
      %dma_wait3A = arith.constant 0 : i32
      %dma_wait3A_56 = tpu.memref_slice %arg3[%mul3A_2, %dma_wait3A] : memref<128x128xi32, #tpu.memory_space<hbm>> -> memref<4x128xi32, #tpu.memory_space<hbm>>
      %dma_wait3A_57 = arith.constant 0 : i32
      %dma_wait3A_58 = tpu.memref_slice %arg3[%mul3A_2, %dma_wait3A_57] : memref<128x128xi32, #tpu.memory_space<hbm>> -> memref<4x128xi32, #tpu.memory_space<hbm>>
      tpu.wait_dma2 semaphore(%run_scoped3A_52 : memref<!tpu.dma_semaphore, #tpu.memory_space<semaphore_mem>>) src(%dma_wait3A_58 : memref<4x128xi32, #tpu.memory_space<hbm>>) dst(%arg9 : memref<4x128xi32, #tpu.memory_space<vmem>>)
      tpu.yield
    }) : () -> ()
    %run_scoped3A = arith.constant 0 : i32
    %run_scoped3A_3 = arith.constant 0 : i32
    "tpu.region"() ({
      %run_scoped3A_52 = tpu.sem_alloc : memref<!tpu.dma_semaphore, #tpu.memory_space<semaphore_mem>>
      %dma_start3A = arith.constant 0 : i32
      %dma_start3A_53 = arith.constant 0 : i32
      %dma_start3A_54 = tpu.memref_slice %arg10[%run_scoped3A_3, %dma_start3A, %dma_start3A_53] : memref<20x4x128xi32, #tpu.memory_space<vmem>> -> memref<1x4x128xi32, #tpu.memory_space<vmem>>
      %dma_start3A_55 = tpu.memref_squeeze %dma_start3A_54 : memref<1x4x128xi32, #tpu.memory_space<vmem>> -> memref<4x128xi32, #tpu.memory_space<vmem>>
      %dma_start3A_56 = arith.constant 0 : i32
      %dma_start3A_57 = tpu.memref_slice %arg4[%run_scoped3A, %mul3A_2, %dma_start3A_56] : memref<20x128x128xi32, #tpu.memory_space<hbm>> -> memref<1x4x128xi32, #tpu.memory_space<hbm>>
      %dma_start3A_58 = tpu.memref_squeeze %dma_start3A_57 : memref<1x4x128xi32, #tpu.memory_space<hbm>> -> memref<4x128xi32, #tpu.memory_space<hbm>>
      %dma_start3A_59 = arith.constant 0 : i32
      %dma_start3A_60 = arith.constant 0 : i32
      %dma_start3A_61 = tpu.memref_slice %arg10[%run_scoped3A_3, %dma_start3A_59, %dma_start3A_60] : memref<20x4x128xi32, #tpu.memory_space<vmem>> -> memref<1x4x128xi32, #tpu.memory_space<vmem>>
      %dma_start3A_62 = tpu.memref_squeeze %dma_start3A_61 : memref<1x4x128xi32, #tpu.memory_space<vmem>> -> memref<4x128xi32, #tpu.memory_space<vmem>>
      %dma_start3A_63 = arith.constant 0 : i32
      %dma_start3A_64 = tpu.memref_slice %arg4[%run_scoped3A, %mul3A_2, %dma_start3A_63] : memref<20x128x128xi32, #tpu.memory_space<hbm>> -> memref<1x4x128xi32, #tpu.memory_space<hbm>>
      %dma_start3A_65 = tpu.memref_squeeze %dma_start3A_64 : memref<1x4x128xi32, #tpu.memory_space<hbm>> -> memref<4x128xi32, #tpu.memory_space<hbm>>
      tpu.enqueue_dma source(%dma_start3A_65 : memref<4x128xi32, #tpu.memory_space<hbm>>) target(%dma_start3A_62 : memref<4x128xi32, #tpu.memory_space<vmem>>) target_semaphore(%run_scoped3A_52 : memref<!tpu.dma_semaphore, #tpu.memory_space<semaphore_mem>>)
      %dma_wait3A = arith.constant 0 : i32
      %dma_wait3A_66 = arith.constant 0 : i32
      %dma_wait3A_67 = tpu.memref_slice %arg10[%run_scoped3A_3, %dma_wait3A, %dma_wait3A_66] : memref<20x4x128xi32, #tpu.memory_space<vmem>> -> memref<1x4x128xi32, #tpu.memory_space<vmem>>
      %dma_wait3A_68 = tpu.memref_squeeze %dma_wait3A_67 : memref<1x4x128xi32, #tpu.memory_space<vmem>> -> memref<4x128xi32, #tpu.memory_space<vmem>>
      %dma_wait3A_69 = arith.constant 0 : i32
      %dma_wait3A_70 = tpu.memref_slice %arg4[%run_scoped3A, %mul3A_2, %dma_wait3A_69] : memref<20x128x128xi32, #tpu.memory_space<hbm>> -> memref<1x4x128xi32, #tpu.memory_space<hbm>>
      %dma_wait3A_71 = tpu.memref_squeeze %dma_wait3A_70 : memref<1x4x128xi32, #tpu.memory_space<hbm>> -> memref<4x128xi32, #tpu.memory_space<hbm>>
      %dma_wait3A_72 = arith.constant 0 : i32
      %dma_wait3A_73 = arith.constant 0 : i32
      %dma_wait3A_74 = tpu.memref_slice %arg10[%run_scoped3A_3, %dma_wait3A_72, %dma_wait3A_73] : memref<20x4x128xi32, #tpu.memory_space<vmem>> -> memref<1x4x128xi32, #tpu.memory_space<vmem>>
      %dma_wait3A_75 = tpu.memref_squeeze %dma_wait3A_74 : memref<1x4x128xi32, #tpu.memory_space<vmem>> -> memref<4x128xi32, #tpu.memory_space<vmem>>
      %dma_wait3A_76 = arith.constant 0 : i32
      %dma_wait3A_77 = tpu.memref_slice %arg4[%run_scoped3A, %mul3A_2, %dma_wait3A_76] : memref<20x128x128xi32, #tpu.memory_space<hbm>> -> memref<1x4x128xi32, #tpu.memory_space<hbm>>
      %dma_wait3A_78 = tpu.memref_squeeze %dma_wait3A_77 : memref<1x4x128xi32, #tpu.memory_space<hbm>> -> memref<4x128xi32, #tpu.memory_space<hbm>>
      tpu.wait_dma2 semaphore(%run_scoped3A_52 : memref<!tpu.dma_semaphore, #tpu.memory_space<semaphore_mem>>) src(%dma_wait3A_78 : memref<4x128xi32, #tpu.memory_space<hbm>>) dst(%dma_wait3A_75 : memref<4x128xi32, #tpu.memory_space<vmem>>)
      tpu.yield
    }) : () -> ()
    %run_scoped3A_4 = arith.constant 1 : i32
    %run_scoped3A_5 = arith.constant 1 : i32
    "tpu.region"() ({
      %run_scoped3A_52 = tpu.sem_alloc : memref<!tpu.dma_semaphore, #tpu.memory_space<semaphore_mem>>
      %dma_start3A = arith.constant 0 : i32
      %dma_start3A_53 = arith.constant 0 : i32
      %dma_start3A_54 = tpu.memref_slice %arg10[%run_scoped3A_5, %dma_start3A, %dma_start3A_53] : memref<20x4x128xi32, #tpu.memory_space<vmem>> -> memref<1x4x128xi32, #tpu.memory_space<vmem>>
      %dma_start3A_55 = tpu.memref_squeeze %dma_start3A_54 : memref<1x4x128xi32, #tpu.memory_space<vmem>> -> memref<4x128xi32, #tpu.memory_space<vmem>>
      %dma_start3A_56 = arith.constant 0 : i32
      %dma_start3A_57 = tpu.memref_slice %arg4[%run_scoped3A_4, %mul3A_2, %dma_start3A_56] : memref<20x128x128xi32, #tpu.memory_space<hbm>> -> memref<1x4x128xi32, #tpu.memory_space<hbm>>
      %dma_start3A_58 = tpu.memref_squeeze %dma_start3A_57 : memref<1x4x128xi32, #tpu.memory_space<hbm>> -> memref<4x128xi32, #tpu.memory_space<hbm>>
      %dma_start3A_59 = arith.constant 0 : i32
      %dma_start3A_60 = arith.constant 0 : i32
      %dma_start3A_61 = tpu.memref_slice %arg10[%run_scoped3A_5, %dma_start3A_59, %dma_start3A_60] : memref<20x4x128xi32, #tpu.memory_space<vmem>> -> memref<1x4x128xi32, #tpu.memory_space<vmem>>
      %dma_start3A_62 = tpu.memref_squeeze %dma_start3A_61 : memref<1x4x128xi32, #tpu.memory_space<vmem>> -> memref<4x128xi32, #tpu.memory_space<vmem>>
      %dma_start3A_63 = arith.constant 0 : i32
      %dma_start3A_64 = tpu.memref_slice %arg4[%run_scoped3A_4, %mul3A_2, %dma_start3A_63] : memref<20x128x128xi32, #tpu.memory_space<hbm>> -> memref<1x4x128xi32, #tpu.memory_space<hbm>>
      %dma_start3A_65 = tpu.memref_squeeze %dma_start3A_64 : memref<1x4x128xi32, #tpu.memory_space<hbm>> -> memref<4x128xi32, #tpu.memory_space<hbm>>
      tpu.enqueue_dma source(%dma_start3A_65 : memref<4x128xi32, #tpu.memory_space<hbm>>) target(%dma_start3A_62 : memref<4x128xi32, #tpu.memory_space<vmem>>) target_semaphore(%run_scoped3A_52 : memref<!tpu.dma_semaphore, #tpu.memory_space<semaphore_mem>>)
      %dma_wait3A = arith.constant 0 : i32
      %dma_wait3A_66 = arith.constant 0 : i32
      %dma_wait3A_67 = tpu.memref_slice %arg10[%run_scoped3A_5, %dma_wait3A, %dma_wait3A_66] : memref<20x4x128xi32, #tpu.memory_space<vmem>> -> memref<1x4x128xi32, #tpu.memory_space<vmem>>
      %dma_wait3A_68 = tpu.memref_squeeze %dma_wait3A_67 : memref<1x4x128xi32, #tpu.memory_space<vmem>> -> memref<4x128xi32, #tpu.memory_space<vmem>>
      %dma_wait3A_69 = arith.constant 0 : i32
      %dma_wait3A_70 = tpu.memref_slice %arg4[%run_scoped3A_4, %mul3A_2, %dma_wait3A_69] : memref<20x128x128xi32, #tpu.memory_space<hbm>> -> memref<1x4x128xi32, #tpu.memory_space<hbm>>
      %dma_wait3A_71 = tpu.memref_squeeze %dma_wait3A_70 : memref<1x4x128xi32, #tpu.memory_space<hbm>> -> memref<4x128xi32, #tpu.memory_space<hbm>>
      %dma_wait3A_72 = arith.constant 0 : i32
      %dma_wait3A_73 = arith.constant 0 : i32
      %dma_wait3A_74 = tpu.memref_slice %arg10[%run_scoped3A_5, %dma_wait3A_72, %dma_wait3A_73] : memref<20x4x128xi32, #tpu.memory_space<vmem>> -> memref<1x4x128xi32, #tpu.memory_space<vmem>>
      %dma_wait3A_75 = tpu.memref_squeeze %dma_wait3A_74 : memref<1x4x128xi32, #tpu.memory_space<vmem>> -> memref<4x128xi32, #tpu.memory_space<vmem>>
      %dma_wait3A_76 = arith.constant 0 : i32
      %dma_wait3A_77 = tpu.memref_slice %arg4[%run_scoped3A_4, %mul3A_2, %dma_wait3A_76] : memref<20x128x128xi32, #tpu.memory_space<hbm>> -> memref<1x4x128xi32, #tpu.memory_space<hbm>>
      %dma_wait3A_78 = tpu.memref_squeeze %dma_wait3A_77 : memref<1x4x128xi32, #tpu.memory_space<hbm>> -> memref<4x128xi32, #tpu.memory_space<hbm>>
      tpu.wait_dma2 semaphore(%run_scoped3A_52 : memref<!tpu.dma_semaphore, #tpu.memory_space<semaphore_mem>>) src(%dma_wait3A_78 : memref<4x128xi32, #tpu.memory_space<hbm>>) dst(%dma_wait3A_75 : memref<4x128xi32, #tpu.memory_space<vmem>>)
      tpu.yield
    }) : () -> ()
    %run_scoped3A_6 = arith.constant 2 : i32
    %run_scoped3A_7 = arith.constant 2 : i32
    "tpu.region"() ({
      %run_scoped3A_52 = tpu.sem_alloc : memref<!tpu.dma_semaphore, #tpu.memory_space<semaphore_mem>>
      %dma_start3A = arith.constant 0 : i32
      %dma_start3A_53 = arith.constant 0 : i32
      %dma_start3A_54 = tpu.memref_slice %arg10[%run_scoped3A_7, %dma_start3A, %dma_start3A_53] : memref<20x4x128xi32, #tpu.memory_space<vmem>> -> memref<1x4x128xi32, #tpu.memory_space<vmem>>
      %dma_start3A_55 = tpu.memref_squeeze %dma_start3A_54 : memref<1x4x128xi32, #tpu.memory_space<vmem>> -> memref<4x128xi32, #tpu.memory_space<vmem>>
      %dma_start3A_56 = arith.constant 0 : i32
      %dma_start3A_57 = tpu.memref_slice %arg4[%run_scoped3A_6, %mul3A_2, %dma_start3A_56] : memref<20x128x128xi32, #tpu.memory_space<hbm>> -> memref<1x4x128xi32, #tpu.memory_space<hbm>>
      %dma_start3A_58 = tpu.memref_squeeze %dma_start3A_57 : memref<1x4x128xi32, #tpu.memory_space<hbm>> -> memref<4x128xi32, #tpu.memory_space<hbm>>
      %dma_start3A_59 = arith.constant 0 : i32
      %dma_start3A_60 = arith.constant 0 : i32
      %dma_start3A_61 = tpu.memref_slice %arg10[%run_scoped3A_7, %dma_start3A_59, %dma_start3A_60] : memref<20x4x128xi32, #tpu.memory_space<vmem>> -> memref<1x4x128xi32, #tpu.memory_space<vmem>>
      %dma_start3A_62 = tpu.memref_squeeze %dma_start3A_61 : memref<1x4x128xi32, #tpu.memory_space<vmem>> -> memref<4x128xi32, #tpu.memory_space<vmem>>
      %dma_start3A_63 = arith.constant 0 : i32
      %dma_start3A_64 = tpu.memref_slice %arg4[%run_scoped3A_6, %mul3A_2, %dma_start3A_63] : memref<20x128x128xi32, #tpu.memory_space<hbm>> -> memref<1x4x128xi32, #tpu.memory_space<hbm>>
      %dma_start3A_65 = tpu.memref_squeeze %dma_start3A_64 : memref<1x4x128xi32, #tpu.memory_space<hbm>> -> memref<4x128xi32, #tpu.memory_space<hbm>>
      tpu.enqueue_dma source(%dma_start3A_65 : memref<4x128xi32, #tpu.memory_space<hbm>>) target(%dma_start3A_62 : memref<4x128xi32, #tpu.memory_space<vmem>>) target_semaphore(%run_scoped3A_52 : memref<!tpu.dma_semaphore, #tpu.memory_space<semaphore_mem>>)
      %dma_wait3A = arith.constant 0 : i32
      %dma_wait3A_66 = arith.constant 0 : i32
      %dma_wait3A_67 = tpu.memref_slice %arg10[%run_scoped3A_7, %dma_wait3A, %dma_wait3A_66] : memref<20x4x128xi32, #tpu.memory_space<vmem>> -> memref<1x4x128xi32, #tpu.memory_space<vmem>>
      %dma_wait3A_68 = tpu.memref_squeeze %dma_wait3A_67 : memref<1x4x128xi32, #tpu.memory_space<vmem>> -> memref<4x128xi32, #tpu.memory_space<vmem>>
      %dma_wait3A_69 = arith.constant 0 : i32
      %dma_wait3A_70 = tpu.memref_slice %arg4[%run_scoped3A_6, %mul3A_2, %dma_wait3A_69] : memref<20x128x128xi32, #tpu.memory_space<hbm>> -> memref<1x4x128xi32, #tpu.memory_space<hbm>>
      %dma_wait3A_71 = tpu.memref_squeeze %dma_wait3A_70 : memref<1x4x128xi32, #tpu.memory_space<hbm>> -> memref<4x128xi32, #tpu.memory_space<hbm>>
      %dma_wait3A_72 = arith.constant 0 : i32
      %dma_wait3A_73 = arith.constant 0 : i32
      %dma_wait3A_74 = tpu.memref_slice %arg10[%run_scoped3A_7, %dma_wait3A_72, %dma_wait3A_73] : memref<20x4x128xi32, #tpu.memory_space<vmem>> -> memref<1x4x128xi32, #tpu.memory_space<vmem>>
      %dma_wait3A_75 = tpu.memref_squeeze %dma_wait3A_74 : memref<1x4x128xi32, #tpu.memory_space<vmem>> -> memref<4x128xi32, #tpu.memory_space<vmem>>
      %dma_wait3A_76 = arith.constant 0 : i32
      %dma_wait3A_77 = tpu.memref_slice %arg4[%run_scoped3A_6, %mul3A_2, %dma_wait3A_76] : memref<20x128x128xi32, #tpu.memory_space<hbm>> -> memref<1x4x128xi32, #tpu.memory_space<hbm>>
      %dma_wait3A_78 = tpu.memref_squeeze %dma_wait3A_77 : memref<1x4x128xi32, #tpu.memory_space<hbm>> -> memref<4x128xi32, #tpu.memory_space<hbm>>
      tpu.wait_dma2 semaphore(%run_scoped3A_52 : memref<!tpu.dma_semaphore, #tpu.memory_space<semaphore_mem>>) src(%dma_wait3A_78 : memref<4x128xi32, #tpu.memory_space<hbm>>) dst(%dma_wait3A_75 : memref<4x128xi32, #tpu.memory_space<vmem>>)
      tpu.yield
    }) : () -> ()
    %run_scoped3A_8 = arith.constant 3 : i32
    %run_scoped3A_9 = arith.constant 3 : i32
    "tpu.region"() ({
      %run_scoped3A_52 = tpu.sem_alloc : memref<!tpu.dma_semaphore, #tpu.memory_space<semaphore_mem>>
      %dma_start3A = arith.constant 0 : i32
      %dma_start3A_53 = arith.constant 0 : i32
      %dma_start3A_54 = tpu.memref_slice %arg10[%run_scoped3A_9, %dma_start3A, %dma_start3A_53] : memref<20x4x128xi32, #tpu.memory_space<vmem>> -> memref<1x4x128xi32, #tpu.memory_space<vmem>>
      %dma_start3A_55 = tpu.memref_squeeze %dma_start3A_54 : memref<1x4x128xi32, #tpu.memory_space<vmem>> -> memref<4x128xi32, #tpu.memory_space<vmem>>
      %dma_start3A_56 = arith.constant 0 : i32
      %dma_start3A_57 = tpu.memref_slice %arg4[%run_scoped3A_8, %mul3A_2, %dma_start3A_56] : memref<20x128x128xi32, #tpu.memory_space<hbm>> -> memref<1x4x128xi32, #tpu.memory_space<hbm>>
      %dma_start3A_58 = tpu.memref_squeeze %dma_start3A_57 : memref<1x4x128xi32, #tpu.memory_space<hbm>> -> memref<4x128xi32, #tpu.memory_space<hbm>>
      %dma_start3A_59 = arith.constant 0 : i32
      %dma_start3A_60 = arith.constant 0 : i32
      %dma_start3A_61 = tpu.memref_slice %arg10[%run_scoped3A_9, %dma_start3A_59, %dma_start3A_60] : memref<20x4x128xi32, #tpu.memory_space<vmem>> -> memref<1x4x128xi32, #tpu.memory_space<vmem>>
      %dma_start3A_62 = tpu.memref_squeeze %dma_start3A_61 : memref<1x4x128xi32, #tpu.memory_space<vmem>> -> memref<4x128xi32, #tpu.memory_space<vmem>>
      %dma_start3A_63 = arith.constant 0 : i32
      %dma_start3A_64 = tpu.memref_slice %arg4[%run_scoped3A_8, %mul3A_2, %dma_start3A_63] : memref<20x128x128xi32, #tpu.memory_space<hbm>> -> memref<1x4x128xi32, #tpu.memory_space<hbm>>
      %dma_start3A_65 = tpu.memref_squeeze %dma_start3A_64 : memref<1x4x128xi32, #tpu.memory_space<hbm>> -> memref<4x128xi32, #tpu.memory_space<hbm>>
      tpu.enqueue_dma source(%dma_start3A_65 : memref<4x128xi32, #tpu.memory_space<hbm>>) target(%dma_start3A_62 : memref<4x128xi32, #tpu.memory_space<vmem>>) target_semaphore(%run_scoped3A_52 : memref<!tpu.dma_semaphore, #tpu.memory_space<semaphore_mem>>)
      %dma_wait3A = arith.constant 0 : i32
      %dma_wait3A_66 = arith.constant 0 : i32
      %dma_wait3A_67 = tpu.memref_slice %arg10[%run_scoped3A_9, %dma_wait3A, %dma_wait3A_66] : memref<20x4x128xi32, #tpu.memory_space<vmem>> -> memref<1x4x128xi32, #tpu.memory_space<vmem>>
      %dma_wait3A_68 = tpu.memref_squeeze %dma_wait3A_67 : memref<1x4x128xi32, #tpu.memory_space<vmem>> -> memref<4x128xi32, #tpu.memory_space<vmem>>
      %dma_wait3A_69 = arith.constant 0 : i32
      %dma_wait3A_70 = tpu.memref_slice %arg4[%run_scoped3A_8, %mul3A_2, %dma_wait3A_69] : memref<20x128x128xi32, #tpu.memory_space<hbm>> -> memref<1x4x128xi32, #tpu.memory_space<hbm>>
      %dma_wait3A_71 = tpu.memref_squeeze %dma_wait3A_70 : memref<1x4x128xi32, #tpu.memory_space<hbm>> -> memref<4x128xi32, #tpu.memory_space<hbm>>
      %dma_wait3A_72 = arith.constant 0 : i32
      %dma_wait3A_73 = arith.constant 0 : i32
      %dma_wait3A_74 = tpu.memref_slice %arg10[%run_scoped3A_9, %dma_wait3A_72, %dma_wait3A_73] : memref<20x4x128xi32, #tpu.memory_space<vmem>> -> memref<1x4x128xi32, #tpu.memory_space<vmem>>
      %dma_wait3A_75 = tpu.memref_squeeze %dma_wait3A_74 : memref<1x4x128xi32, #tpu.memory_space<vmem>> -> memref<4x128xi32, #tpu.memory_space<vmem>>
      %dma_wait3A_76 = arith.constant 0 : i32
      %dma_wait3A_77 = tpu.memref_slice %arg4[%run_scoped3A_8, %mul3A_2, %dma_wait3A_76] : memref<20x128x128xi32, #tpu.memory_space<hbm>> -> memref<1x4x128xi32, #tpu.memory_space<hbm>>
      %dma_wait3A_78 = tpu.memref_squeeze %dma_wait3A_77 : memref<1x4x128xi32, #tpu.memory_space<hbm>> -> memref<4x128xi32, #tpu.memory_space<hbm>>
      tpu.wait_dma2 semaphore(%run_scoped3A_52 : memref<!tpu.dma_semaphore, #tpu.memory_space<semaphore_mem>>) src(%dma_wait3A_78 : memref<4x128xi32, #tpu.memory_space<hbm>>) dst(%dma_wait3A_75 : memref<4x128xi32, #tpu.memory_space<vmem>>)
      tpu.yield
    }) : () -> ()
    %run_scoped3A_10 = arith.constant 4 : i32
    %run_scoped3A_11 = arith.constant 4 : i32
    "tpu.region"() ({
      %run_scoped3A_52 = tpu.sem_alloc : memref<!tpu.dma_semaphore, #tpu.memory_space<semaphore_mem>>
      %dma_start3A = arith.constant 0 : i32
      %dma_start3A_53 = arith.constant 0 : i32
      %dma_start3A_54 = tpu.memref_slice %arg10[%run_scoped3A_11, %dma_start3A, %dma_start3A_53] : memref<20x4x128xi32, #tpu.memory_space<vmem>> -> memref<1x4x128xi32, #tpu.memory_space<vmem>>
      %dma_start3A_55 = tpu.memref_squeeze %dma_start3A_54 : memref<1x4x128xi32, #tpu.memory_space<vmem>> -> memref<4x128xi32, #tpu.memory_space<vmem>>
      %dma_start3A_56 = arith.constant 0 : i32
      %dma_start3A_57 = tpu.memref_slice %arg4[%run_scoped3A_10, %mul3A_2, %dma_start3A_56] : memref<20x128x128xi32, #tpu.memory_space<hbm>> -> memref<1x4x128xi32, #tpu.memory_space<hbm>>
      %dma_start3A_58 = tpu.memref_squeeze %dma_start3A_57 : memref<1x4x128xi32, #tpu.memory_space<hbm>> -> memref<4x128xi32, #tpu.memory_space<hbm>>
      %dma_start3A_59 = arith.constant 0 : i32
      %dma_start3A_60 = arith.constant 0 : i32
      %dma_start3A_61 = tpu.memref_slice %arg10[%run_scoped3A_11, %dma_start3A_59, %dma_start3A_60] : memref<20x4x128xi32, #tpu.memory_space<vmem>> -> memref<1x4x128xi32, #tpu.memory_space<vmem>>
      %dma_start3A_62 = tpu.memref_squeeze %dma_start3A_61 : memref<1x4x128xi32, #tpu.memory_space<vmem>> -> memref<4x128xi32, #tpu.memory_space<vmem>>
      %dma_start3A_63 = arith.constant 0 : i32
      %dma_start3A_64 = tpu.memref_slice %arg4[%run_scoped3A_10, %mul3A_2, %dma_start3A_63] : memref<20x128x128xi32, #tpu.memory_space<hbm>> -> memref<1x4x128xi32, #tpu.memory_space<hbm>>
      %dma_start3A_65 = tpu.memref_squeeze %dma_start3A_64 : memref<1x4x128xi32, #tpu.memory_space<hbm>> -> memref<4x128xi32, #tpu.memory_space<hbm>>
      tpu.enqueue_dma source(%dma_start3A_65 : memref<4x128xi32, #tpu.memory_space<hbm>>) target(%dma_start3A_62 : memref<4x128xi32, #tpu.memory_space<vmem>>) target_semaphore(%run_scoped3A_52 : memref<!tpu.dma_semaphore, #tpu.memory_space<semaphore_mem>>)
      %dma_wait3A = arith.constant 0 : i32
      %dma_wait3A_66 = arith.constant 0 : i32
      %dma_wait3A_67 = tpu.memref_slice %arg10[%run_scoped3A_11, %dma_wait3A, %dma_wait3A_66] : memref<20x4x128xi32, #tpu.memory_space<vmem>> -> memref<1x4x128xi32, #tpu.memory_space<vmem>>
      %dma_wait3A_68 = tpu.memref_squeeze %dma_wait3A_67 : memref<1x4x128xi32, #tpu.memory_space<vmem>> -> memref<4x128xi32, #tpu.memory_space<vmem>>
      %dma_wait3A_69 = arith.constant 0 : i32
      %dma_wait3A_70 = tpu.memref_slice %arg4[%run_scoped3A_10, %mul3A_2, %dma_wait3A_69] : memref<20x128x128xi32, #tpu.memory_space<hbm>> -> memref<1x4x128xi32, #tpu.memory_space<hbm>>
      %dma_wait3A_71 = tpu.memref_squeeze %dma_wait3A_70 : memref<1x4x128xi32, #tpu.memory_space<hbm>> -> memref<4x128xi32, #tpu.memory_space<hbm>>
      %dma_wait3A_72 = arith.constant 0 : i32
      %dma_wait3A_73 = arith.constant 0 : i32
      %dma_wait3A_74 = tpu.memref_slice %arg10[%run_scoped3A_11, %dma_wait3A_72, %dma_wait3A_73] : memref<20x4x128xi32, #tpu.memory_space<vmem>> -> memref<1x4x128xi32, #tpu.memory_space<vmem>>
      %dma_wait3A_75 = tpu.memref_squeeze %dma_wait3A_74 : memref<1x4x128xi32, #tpu.memory_space<vmem>> -> memref<4x128xi32, #tpu.memory_space<vmem>>
      %dma_wait3A_76 = arith.constant 0 : i32
      %dma_wait3A_77 = tpu.memref_slice %arg4[%run_scoped3A_10, %mul3A_2, %dma_wait3A_76] : memref<20x128x128xi32, #tpu.memory_space<hbm>> -> memref<1x4x128xi32, #tpu.memory_space<hbm>>
      %dma_wait3A_78 = tpu.memref_squeeze %dma_wait3A_77 : memref<1x4x128xi32, #tpu.memory_space<hbm>> -> memref<4x128xi32, #tpu.memory_space<hbm>>
      tpu.wait_dma2 semaphore(%run_scoped3A_52 : memref<!tpu.dma_semaphore, #tpu.memory_space<semaphore_mem>>) src(%dma_wait3A_78 : memref<4x128xi32, #tpu.memory_space<hbm>>) dst(%dma_wait3A_75 : memref<4x128xi32, #tpu.memory_space<vmem>>)
      tpu.yield
    }) : () -> ()
    %run_scoped3A_12 = arith.constant 5 : i32
    %run_scoped3A_13 = arith.constant 5 : i32
    "tpu.region"() ({
      %run_scoped3A_52 = tpu.sem_alloc : memref<!tpu.dma_semaphore, #tpu.memory_space<semaphore_mem>>
      %dma_start3A = arith.constant 0 : i32
      %dma_start3A_53 = arith.constant 0 : i32
      %dma_start3A_54 = tpu.memref_slice %arg10[%run_scoped3A_13, %dma_start3A, %dma_start3A_53] : memref<20x4x128xi32, #tpu.memory_space<vmem>> -> memref<1x4x128xi32, #tpu.memory_space<vmem>>
      %dma_start3A_55 = tpu.memref_squeeze %dma_start3A_54 : memref<1x4x128xi32, #tpu.memory_space<vmem>> -> memref<4x128xi32, #tpu.memory_space<vmem>>
      %dma_start3A_56 = arith.constant 0 : i32
      %dma_start3A_57 = tpu.memref_slice %arg4[%run_scoped3A_12, %mul3A_2, %dma_start3A_56] : memref<20x128x128xi32, #tpu.memory_space<hbm>> -> memref<1x4x128xi32, #tpu.memory_space<hbm>>
      %dma_start3A_58 = tpu.memref_squeeze %dma_start3A_57 : memref<1x4x128xi32, #tpu.memory_space<hbm>> -> memref<4x128xi32, #tpu.memory_space<hbm>>
      %dma_start3A_59 = arith.constant 0 : i32
      %dma_start3A_60 = arith.constant 0 : i32
      %dma_start3A_61 = tpu.memref_slice %arg10[%run_scoped3A_13, %dma_start3A_59, %dma_start3A_60] : memref<20x4x128xi32, #tpu.memory_space<vmem>> -> memref<1x4x128xi32, #tpu.memory_space<vmem>>
      %dma_start3A_62 = tpu.memref_squeeze %dma_start3A_61 : memref<1x4x128xi32, #tpu.memory_space<vmem>> -> memref<4x128xi32, #tpu.memory_space<vmem>>
      %dma_start3A_63 = arith.constant 0 : i32
      %dma_start3A_64 = tpu.memref_slice %arg4[%run_scoped3A_12, %mul3A_2, %dma_start3A_63] : memref<20x128x128xi32, #tpu.memory_space<hbm>> -> memref<1x4x128xi32, #tpu.memory_space<hbm>>
      %dma_start3A_65 = tpu.memref_squeeze %dma_start3A_64 : memref<1x4x128xi32, #tpu.memory_space<hbm>> -> memref<4x128xi32, #tpu.memory_space<hbm>>
      tpu.enqueue_dma source(%dma_start3A_65 : memref<4x128xi32, #tpu.memory_space<hbm>>) target(%dma_start3A_62 : memref<4x128xi32, #tpu.memory_space<vmem>>) target_semaphore(%run_scoped3A_52 : memref<!tpu.dma_semaphore, #tpu.memory_space<semaphore_mem>>)
      %dma_wait3A = arith.constant 0 : i32
      %dma_wait3A_66 = arith.constant 0 : i32
      %dma_wait3A_67 = tpu.memref_slice %arg10[%run_scoped3A_13, %dma_wait3A, %dma_wait3A_66] : memref<20x4x128xi32, #tpu.memory_space<vmem>> -> memref<1x4x128xi32, #tpu.memory_space<vmem>>
      %dma_wait3A_68 = tpu.memref_squeeze %dma_wait3A_67 : memref<1x4x128xi32, #tpu.memory_space<vmem>> -> memref<4x128xi32, #tpu.memory_space<vmem>>
      %dma_wait3A_69 = arith.constant 0 : i32
      %dma_wait3A_70 = tpu.memref_slice %arg4[%run_scoped3A_12, %mul3A_2, %dma_wait3A_69] : memref<20x128x128xi32, #tpu.memory_space<hbm>> -> memref<1x4x128xi32, #tpu.memory_space<hbm>>
      %dma_wait3A_71 = tpu.memref_squeeze %dma_wait3A_70 : memref<1x4x128xi32, #tpu.memory_space<hbm>> -> memref<4x128xi32, #tpu.memory_space<hbm>>
      %dma_wait3A_72 = arith.constant 0 : i32
      %dma_wait3A_73 = arith.constant 0 : i32
      %dma_wait3A_74 = tpu.memref_slice %arg10[%run_scoped3A_13, %dma_wait3A_72, %dma_wait3A_73] : memref<20x4x128xi32, #tpu.memory_space<vmem>> -> memref<1x4x128xi32, #tpu.memory_space<vmem>>
      %dma_wait3A_75 = tpu.memref_squeeze %dma_wait3A_74 : memref<1x4x128xi32, #tpu.memory_space<vmem>> -> memref<4x128xi32, #tpu.memory_space<vmem>>
      %dma_wait3A_76 = arith.constant 0 : i32
      %dma_wait3A_77 = tpu.memref_slice %arg4[%run_scoped3A_12, %mul3A_2, %dma_wait3A_76] : memref<20x128x128xi32, #tpu.memory_space<hbm>> -> memref<1x4x128xi32, #tpu.memory_space<hbm>>
      %dma_wait3A_78 = tpu.memref_squeeze %dma_wait3A_77 : memref<1x4x128xi32, #tpu.memory_space<hbm>> -> memref<4x128xi32, #tpu.memory_space<hbm>>
      tpu.wait_dma2 semaphore(%run_scoped3A_52 : memref<!tpu.dma_semaphore, #tpu.memory_space<semaphore_mem>>) src(%dma_wait3A_78 : memref<4x128xi32, #tpu.memory_space<hbm>>) dst(%dma_wait3A_75 : memref<4x128xi32, #tpu.memory_space<vmem>>)
      tpu.yield
    }) : () -> ()
    %run_scoped3A_14 = arith.constant 6 : i32
    %run_scoped3A_15 = arith.constant 6 : i32
    "tpu.region"() ({
      %run_scoped3A_52 = tpu.sem_alloc : memref<!tpu.dma_semaphore, #tpu.memory_space<semaphore_mem>>
      %dma_start3A = arith.constant 0 : i32
      %dma_start3A_53 = arith.constant 0 : i32
      %dma_start3A_54 = tpu.memref_slice %arg10[%run_scoped3A_15, %dma_start3A, %dma_start3A_53] : memref<20x4x128xi32, #tpu.memory_space<vmem>> -> memref<1x4x128xi32, #tpu.memory_space<vmem>>
      %dma_start3A_55 = tpu.memref_squeeze %dma_start3A_54 : memref<1x4x128xi32, #tpu.memory_space<vmem>> -> memref<4x128xi32, #tpu.memory_space<vmem>>
      %dma_start3A_56 = arith.constant 0 : i32
      %dma_start3A_57 = tpu.memref_slice %arg4[%run_scoped3A_14, %mul3A_2, %dma_start3A_56] : memref<20x128x128xi32, #tpu.memory_space<hbm>> -> memref<1x4x128xi32, #tpu.memory_space<hbm>>
      %dma_start3A_58 = tpu.memref_squeeze %dma_start3A_57 : memref<1x4x128xi32, #tpu.memory_space<hbm>> -> memref<4x128xi32, #tpu.memory_space<hbm>>
      %dma_start3A_59 = arith.constant 0 : i32
      %dma_start3A_60 = arith.constant 0 : i32
      %dma_start3A_61 = tpu.memref_slice %arg10[%run_scoped3A_15, %dma_start3A_59, %dma_start3A_60] : memref<20x4x128xi32, #tpu.memory_space<vmem>> -> memref<1x4x128xi32, #tpu.memory_space<vmem>>
      %dma_start3A_62 = tpu.memref_squeeze %dma_start3A_61 : memref<1x4x128xi32, #tpu.memory_space<vmem>> -> memref<4x128xi32, #tpu.memory_space<vmem>>
      %dma_start3A_63 = arith.constant 0 : i32
      %dma_start3A_64 = tpu.memref_slice %arg4[%run_scoped3A_14, %mul3A_2, %dma_start3A_63] : memref<20x128x128xi32, #tpu.memory_space<hbm>> -> memref<1x4x128xi32, #tpu.memory_space<hbm>>
      %dma_start3A_65 = tpu.memref_squeeze %dma_start3A_64 : memref<1x4x128xi32, #tpu.memory_space<hbm>> -> memref<4x128xi32, #tpu.memory_space<hbm>>
      tpu.enqueue_dma source(%dma_start3A_65 : memref<4x128xi32, #tpu.memory_space<hbm>>) target(%dma_start3A_62 : memref<4x128xi32, #tpu.memory_space<vmem>>) target_semaphore(%run_scoped3A_52 : memref<!tpu.dma_semaphore, #tpu.memory_space<semaphore_mem>>)
      %dma_wait3A = arith.constant 0 : i32
      %dma_wait3A_66 = arith.constant 0 : i32
      %dma_wait3A_67 = tpu.memref_slice %arg10[%run_scoped3A_15, %dma_wait3A, %dma_wait3A_66] : memref<20x4x128xi32, #tpu.memory_space<vmem>> -> memref<1x4x128xi32, #tpu.memory_space<vmem>>
      %dma_wait3A_68 = tpu.memref_squeeze %dma_wait3A_67 : memref<1x4x128xi32, #tpu.memory_space<vmem>> -> memref<4x128xi32, #tpu.memory_space<vmem>>
      %dma_wait3A_69 = arith.constant 0 : i32
      %dma_wait3A_70 = tpu.memref_slice %arg4[%run_scoped3A_14, %mul3A_2, %dma_wait3A_69] : memref<20x128x128xi32, #tpu.memory_space<hbm>> -> memref<1x4x128xi32, #tpu.memory_space<hbm>>
      %dma_wait3A_71 = tpu.memref_squeeze %dma_wait3A_70 : memref<1x4x128xi32, #tpu.memory_space<hbm>> -> memref<4x128xi32, #tpu.memory_space<hbm>>
      %dma_wait3A_72 = arith.constant 0 : i32
      %dma_wait3A_73 = arith.constant 0 : i32
      %dma_wait3A_74 = tpu.memref_slice %arg10[%run_scoped3A_15, %dma_wait3A_72, %dma_wait3A_73] : memref<20x4x128xi32, #tpu.memory_space<vmem>> -> memref<1x4x128xi32, #tpu.memory_space<vmem>>
      %dma_wait3A_75 = tpu.memref_squeeze %dma_wait3A_74 : memref<1x4x128xi32, #tpu.memory_space<vmem>> -> memref<4x128xi32, #tpu.memory_space<vmem>>
      %dma_wait3A_76 = arith.constant 0 : i32
      %dma_wait3A_77 = tpu.memref_slice %arg4[%run_scoped3A_14, %mul3A_2, %dma_wait3A_76] : memref<20x128x128xi32, #tpu.memory_space<hbm>> -> memref<1x4x128xi32, #tpu.memory_space<hbm>>
      %dma_wait3A_78 = tpu.memref_squeeze %dma_wait3A_77 : memref<1x4x128xi32, #tpu.memory_space<hbm>> -> memref<4x128xi32, #tpu.memory_space<hbm>>
      tpu.wait_dma2 semaphore(%run_scoped3A_52 : memref<!tpu.dma_semaphore, #tpu.memory_space<semaphore_mem>>) src(%dma_wait3A_78 : memref<4x128xi32, #tpu.memory_space<hbm>>) dst(%dma_wait3A_75 : memref<4x128xi32, #tpu.memory_space<vmem>>)
      tpu.yield
    }) : () -> ()
    %run_scoped3A_16 = arith.constant 7 : i32
    %run_scoped3A_17 = arith.constant 7 : i32
    "tpu.region"() ({
      %run_scoped3A_52 = tpu.sem_alloc : memref<!tpu.dma_semaphore, #tpu.memory_space<semaphore_mem>>
      %dma_start3A = arith.constant 0 : i32
      %dma_start3A_53 = arith.constant 0 : i32
      %dma_start3A_54 = tpu.memref_slice %arg10[%run_scoped3A_17, %dma_start3A, %dma_start3A_53] : memref<20x4x128xi32, #tpu.memory_space<vmem>> -> memref<1x4x128xi32, #tpu.memory_space<vmem>>
      %dma_start3A_55 = tpu.memref_squeeze %dma_start3A_54 : memref<1x4x128xi32, #tpu.memory_space<vmem>> -> memref<4x128xi32, #tpu.memory_space<vmem>>
      %dma_start3A_56 = arith.constant 0 : i32
      %dma_start3A_57 = tpu.memref_slice %arg4[%run_scoped3A_16, %mul3A_2, %dma_start3A_56] : memref<20x128x128xi32, #tpu.memory_space<hbm>> -> memref<1x4x128xi32, #tpu.memory_space<hbm>>
      %dma_start3A_58 = tpu.memref_squeeze %dma_start3A_57 : memref<1x4x128xi32, #tpu.memory_space<hbm>> -> memref<4x128xi32, #tpu.memory_space<hbm>>
      %dma_start3A_59 = arith.constant 0 : i32
      %dma_start3A_60 = arith.constant 0 : i32
      %dma_start3A_61 = tpu.memref_slice %arg10[%run_scoped3A_17, %dma_start3A_59, %dma_start3A_60] : memref<20x4x128xi32, #tpu.memory_space<vmem>> -> memref<1x4x128xi32, #tpu.memory_space<vmem>>
      %dma_start3A_62 = tpu.memref_squeeze %dma_start3A_61 : memref<1x4x128xi32, #tpu.memory_space<vmem>> -> memref<4x128xi32, #tpu.memory_space<vmem>>
      %dma_start3A_63 = arith.constant 0 : i32
      %dma_start3A_64 = tpu.memref_slice %arg4[%run_scoped3A_16, %mul3A_2, %dma_start3A_63] : memref<20x128x128xi32, #tpu.memory_space<hbm>> -> memref<1x4x128xi32, #tpu.memory_space<hbm>>
      %dma_start3A_65 = tpu.memref_squeeze %dma_start3A_64 : memref<1x4x128xi32, #tpu.memory_space<hbm>> -> memref<4x128xi32, #tpu.memory_space<hbm>>
      tpu.enqueue_dma source(%dma_start3A_65 : memref<4x128xi32, #tpu.memory_space<hbm>>) target(%dma_start3A_62 : memref<4x128xi32, #tpu.memory_space<vmem>>) target_semaphore(%run_scoped3A_52 : memref<!tpu.dma_semaphore, #tpu.memory_space<semaphore_mem>>)
      %dma_wait3A = arith.constant 0 : i32
      %dma_wait3A_66 = arith.constant 0 : i32
      %dma_wait3A_67 = tpu.memref_slice %arg10[%run_scoped3A_17, %dma_wait3A, %dma_wait3A_66] : memref<20x4x128xi32, #tpu.memory_space<vmem>> -> memref<1x4x128xi32, #tpu.memory_space<vmem>>
      %dma_wait3A_68 = tpu.memref_squeeze %dma_wait3A_67 : memref<1x4x128xi32, #tpu.memory_space<vmem>> -> memref<4x128xi32, #tpu.memory_space<vmem>>
      %dma_wait3A_69 = arith.constant 0 : i32
      %dma_wait3A_70 = tpu.memref_slice %arg4[%run_scoped3A_16, %mul3A_2, %dma_wait3A_69] : memref<20x128x128xi32, #tpu.memory_space<hbm>> -> memref<1x4x128xi32, #tpu.memory_space<hbm>>
      %dma_wait3A_71 = tpu.memref_squeeze %dma_wait3A_70 : memref<1x4x128xi32, #tpu.memory_space<hbm>> -> memref<4x128xi32, #tpu.memory_space<hbm>>
      %dma_wait3A_72 = arith.constant 0 : i32
      %dma_wait3A_73 = arith.constant 0 : i32
      %dma_wait3A_74 = tpu.memref_slice %arg10[%run_scoped3A_17, %dma_wait3A_72, %dma_wait3A_73] : memref<20x4x128xi32, #tpu.memory_space<vmem>> -> memref<1x4x128xi32, #tpu.memory_space<vmem>>
      %dma_wait3A_75 = tpu.memref_squeeze %dma_wait3A_74 : memref<1x4x128xi32, #tpu.memory_space<vmem>> -> memref<4x128xi32, #tpu.memory_space<vmem>>
      %dma_wait3A_76 = arith.constant 0 : i32
      %dma_wait3A_77 = tpu.memref_slice %arg4[%run_scoped3A_16, %mul3A_2, %dma_wait3A_76] : memref<20x128x128xi32, #tpu.memory_space<hbm>> -> memref<1x4x128xi32, #tpu.memory_space<hbm>>
      %dma_wait3A_78 = tpu.memref_squeeze %dma_wait3A_77 : memref<1x4x128xi32, #tpu.memory_space<hbm>> -> memref<4x128xi32, #tpu.memory_space<hbm>>
      tpu.wait_dma2 semaphore(%run_scoped3A_52 : memref<!tpu.dma_semaphore, #tpu.memory_space<semaphore_mem>>) src(%dma_wait3A_78 : memref<4x128xi32, #tpu.memory_space<hbm>>) dst(%dma_wait3A_75 : memref<4x128xi32, #tpu.memory_space<vmem>>)
      tpu.yield
    }) : () -> ()
    %run_scoped3A_18 = arith.constant 8 : i32
    %run_scoped3A_19 = arith.constant 8 : i32
    "tpu.region"() ({
      %run_scoped3A_52 = tpu.sem_alloc : memref<!tpu.dma_semaphore, #tpu.memory_space<semaphore_mem>>
      %dma_start3A = arith.constant 0 : i32
      %dma_start3A_53 = arith.constant 0 : i32
      %dma_start3A_54 = tpu.memref_slice %arg10[%run_scoped3A_19, %dma_start3A, %dma_start3A_53] : memref<20x4x128xi32, #tpu.memory_space<vmem>> -> memref<1x4x128xi32, #tpu.memory_space<vmem>>
      %dma_start3A_55 = tpu.memref_squeeze %dma_start3A_54 : memref<1x4x128xi32, #tpu.memory_space<vmem>> -> memref<4x128xi32, #tpu.memory_space<vmem>>
      %dma_start3A_56 = arith.constant 0 : i32
      %dma_start3A_57 = tpu.memref_slice %arg4[%run_scoped3A_18, %mul3A_2, %dma_start3A_56] : memref<20x128x128xi32, #tpu.memory_space<hbm>> -> memref<1x4x128xi32, #tpu.memory_space<hbm>>
      %dma_start3A_58 = tpu.memref_squeeze %dma_start3A_57 : memref<1x4x128xi32, #tpu.memory_space<hbm>> -> memref<4x128xi32, #tpu.memory_space<hbm>>
      %dma_start3A_59 = arith.constant 0 : i32
      %dma_start3A_60 = arith.constant 0 : i32
      %dma_start3A_61 = tpu.memref_slice %arg10[%run_scoped3A_19, %dma_start3A_59, %dma_start3A_60] : memref<20x4x128xi32, #tpu.memory_space<vmem>> -> memref<1x4x128xi32, #tpu.memory_space<vmem>>
      %dma_start3A_62 = tpu.memref_squeeze %dma_start3A_61 : memref<1x4x128xi32, #tpu.memory_space<vmem>> -> memref<4x128xi32, #tpu.memory_space<vmem>>
      %dma_start3A_63 = arith.constant 0 : i32
      %dma_start3A_64 = tpu.memref_slice %arg4[%run_scoped3A_18, %mul3A_2, %dma_start3A_63] : memref<20x128x128xi32, #tpu.memory_space<hbm>> -> memref<1x4x128xi32, #tpu.memory_space<hbm>>
      %dma_start3A_65 = tpu.memref_squeeze %dma_start3A_64 : memref<1x4x128xi32, #tpu.memory_space<hbm>> -> memref<4x128xi32, #tpu.memory_space<hbm>>
      tpu.enqueue_dma source(%dma_start3A_65 : memref<4x128xi32, #tpu.memory_space<hbm>>) target(%dma_start3A_62 : memref<4x128xi32, #tpu.memory_space<vmem>>) target_semaphore(%run_scoped3A_52 : memref<!tpu.dma_semaphore, #tpu.memory_space<semaphore_mem>>)
      %dma_wait3A = arith.constant 0 : i32
      %dma_wait3A_66 = arith.constant 0 : i32
      %dma_wait3A_67 = tpu.memref_slice %arg10[%run_scoped3A_19, %dma_wait3A, %dma_wait3A_66] : memref<20x4x128xi32, #tpu.memory_space<vmem>> -> memref<1x4x128xi32, #tpu.memory_space<vmem>>
      %dma_wait3A_68 = tpu.memref_squeeze %dma_wait3A_67 : memref<1x4x128xi32, #tpu.memory_space<vmem>> -> memref<4x128xi32, #tpu.memory_space<vmem>>
      %dma_wait3A_69 = arith.constant 0 : i32
      %dma_wait3A_70 = tpu.memref_slice %arg4[%run_scoped3A_18, %mul3A_2, %dma_wait3A_69] : memref<20x128x128xi32, #tpu.memory_space<hbm>> -> memref<1x4x128xi32, #tpu.memory_space<hbm>>
      %dma_wait3A_71 = tpu.memref_squeeze %dma_wait3A_70 : memref<1x4x128xi32, #tpu.memory_space<hbm>> -> memref<4x128xi32, #tpu.memory_space<hbm>>
      %dma_wait3A_72 = arith.constant 0 : i32
      %dma_wait3A_73 = arith.constant 0 : i32
      %dma_wait3A_74 = tpu.memref_slice %arg10[%run_scoped3A_19, %dma_wait3A_72, %dma_wait3A_73] : memref<20x4x128xi32, #tpu.memory_space<vmem>> -> memref<1x4x128xi32, #tpu.memory_space<vmem>>
      %dma_wait3A_75 = tpu.memref_squeeze %dma_wait3A_74 : memref<1x4x128xi32, #tpu.memory_space<vmem>> -> memref<4x128xi32, #tpu.memory_space<vmem>>
      %dma_wait3A_76 = arith.constant 0 : i32
      %dma_wait3A_77 = tpu.memref_slice %arg4[%run_scoped3A_18, %mul3A_2, %dma_wait3A_76] : memref<20x128x128xi32, #tpu.memory_space<hbm>> -> memref<1x4x128xi32, #tpu.memory_space<hbm>>
      %dma_wait3A_78 = tpu.memref_squeeze %dma_wait3A_77 : memref<1x4x128xi32, #tpu.memory_space<hbm>> -> memref<4x128xi32, #tpu.memory_space<hbm>>
      tpu.wait_dma2 semaphore(%run_scoped3A_52 : memref<!tpu.dma_semaphore, #tpu.memory_space<semaphore_mem>>) src(%dma_wait3A_78 : memref<4x128xi32, #tpu.memory_space<hbm>>) dst(%dma_wait3A_75 : memref<4x128xi32, #tpu.memory_space<vmem>>)
      tpu.yield
    }) : () -> ()
    %run_scoped3A_20 = arith.constant 9 : i32
    %run_scoped3A_21 = arith.constant 9 : i32
    "tpu.region"() ({
      %run_scoped3A_52 = tpu.sem_alloc : memref<!tpu.dma_semaphore, #tpu.memory_space<semaphore_mem>>
      %dma_start3A = arith.constant 0 : i32
      %dma_start3A_53 = arith.constant 0 : i32
      %dma_start3A_54 = tpu.memref_slice %arg10[%run_scoped3A_21, %dma_start3A, %dma_start3A_53] : memref<20x4x128xi32, #tpu.memory_space<vmem>> -> memref<1x4x128xi32, #tpu.memory_space<vmem>>
      %dma_start3A_55 = tpu.memref_squeeze %dma_start3A_54 : memref<1x4x128xi32, #tpu.memory_space<vmem>> -> memref<4x128xi32, #tpu.memory_space<vmem>>
      %dma_start3A_56 = arith.constant 0 : i32
      %dma_start3A_57 = tpu.memref_slice %arg4[%run_scoped3A_20, %mul3A_2, %dma_start3A_56] : memref<20x128x128xi32, #tpu.memory_space<hbm>> -> memref<1x4x128xi32, #tpu.memory_space<hbm>>
      %dma_start3A_58 = tpu.memref_squeeze %dma_start3A_57 : memref<1x4x128xi32, #tpu.memory_space<hbm>> -> memref<4x128xi32, #tpu.memory_space<hbm>>
      %dma_start3A_59 = arith.constant 0 : i32
      %dma_start3A_60 = arith.constant 0 : i32
      %dma_start3A_61 = tpu.memref_slice %arg10[%run_scoped3A_21, %dma_start3A_59, %dma_start3A_60] : memref<20x4x128xi32, #tpu.memory_space<vmem>> -> memref<1x4x128xi32, #tpu.memory_space<vmem>>
      %dma_start3A_62 = tpu.memref_squeeze %dma_start3A_61 : memref<1x4x128xi32, #tpu.memory_space<vmem>> -> memref<4x128xi32, #tpu.memory_space<vmem>>
      %dma_start3A_63 = arith.constant 0 : i32
      %dma_start3A_64 = tpu.memref_slice %arg4[%run_scoped3A_20, %mul3A_2, %dma_start3A_63] : memref<20x128x128xi32, #tpu.memory_space<hbm>> -> memref<1x4x128xi32, #tpu.memory_space<hbm>>
      %dma_start3A_65 = tpu.memref_squeeze %dma_start3A_64 : memref<1x4x128xi32, #tpu.memory_space<hbm>> -> memref<4x128xi32, #tpu.memory_space<hbm>>
      tpu.enqueue_dma source(%dma_start3A_65 : memref<4x128xi32, #tpu.memory_space<hbm>>) target(%dma_start3A_62 : memref<4x128xi32, #tpu.memory_space<vmem>>) target_semaphore(%run_scoped3A_52 : memref<!tpu.dma_semaphore, #tpu.memory_space<semaphore_mem>>)
      %dma_wait3A = arith.constant 0 : i32
      %dma_wait3A_66 = arith.constant 0 : i32
      %dma_wait3A_67 = tpu.memref_slice %arg10[%run_scoped3A_21, %dma_wait3A, %dma_wait3A_66] : memref<20x4x128xi32, #tpu.memory_space<vmem>> -> memref<1x4x128xi32, #tpu.memory_space<vmem>>
      %dma_wait3A_68 = tpu.memref_squeeze %dma_wait3A_67 : memref<1x4x128xi32, #tpu.memory_space<vmem>> -> memref<4x128xi32, #tpu.memory_space<vmem>>
      %dma_wait3A_69 = arith.constant 0 : i32
      %dma_wait3A_70 = tpu.memref_slice %arg4[%run_scoped3A_20, %mul3A_2, %dma_wait3A_69] : memref<20x128x128xi32, #tpu.memory_space<hbm>> -> memref<1x4x128xi32, #tpu.memory_space<hbm>>
      %dma_wait3A_71 = tpu.memref_squeeze %dma_wait3A_70 : memref<1x4x128xi32, #tpu.memory_space<hbm>> -> memref<4x128xi32, #tpu.memory_space<hbm>>
      %dma_wait3A_72 = arith.constant 0 : i32
      %dma_wait3A_73 = arith.constant 0 : i32
      %dma_wait3A_74 = tpu.memref_slice %arg10[%run_scoped3A_21, %dma_wait3A_72, %dma_wait3A_73] : memref<20x4x128xi32, #tpu.memory_space<vmem>> -> memref<1x4x128xi32, #tpu.memory_space<vmem>>
      %dma_wait3A_75 = tpu.memref_squeeze %dma_wait3A_74 : memref<1x4x128xi32, #tpu.memory_space<vmem>> -> memref<4x128xi32, #tpu.memory_space<vmem>>
      %dma_wait3A_76 = arith.constant 0 : i32
      %dma_wait3A_77 = tpu.memref_slice %arg4[%run_scoped3A_20, %mul3A_2, %dma_wait3A_76] : memref<20x128x128xi32, #tpu.memory_space<hbm>> -> memref<1x4x128xi32, #tpu.memory_space<hbm>>
      %dma_wait3A_78 = tpu.memref_squeeze %dma_wait3A_77 : memref<1x4x128xi32, #tpu.memory_space<hbm>> -> memref<4x128xi32, #tpu.memory_space<hbm>>
      tpu.wait_dma2 semaphore(%run_scoped3A_52 : memref<!tpu.dma_semaphore, #tpu.memory_space<semaphore_mem>>) src(%dma_wait3A_78 : memref<4x128xi32, #tpu.memory_space<hbm>>) dst(%dma_wait3A_75 : memref<4x128xi32, #tpu.memory_space<vmem>>)
      tpu.yield
    }) : () -> ()
    %run_scoped3A_22 = arith.constant 10 : i32
    %run_scoped3A_23 = arith.constant 10 : i32
    "tpu.region"() ({
      %run_scoped3A_52 = tpu.sem_alloc : memref<!tpu.dma_semaphore, #tpu.memory_space<semaphore_mem>>
      %dma_start3A = arith.constant 0 : i32
      %dma_start3A_53 = arith.constant 0 : i32
      %dma_start3A_54 = tpu.memref_slice %arg10[%run_scoped3A_23, %dma_start3A, %dma_start3A_53] : memref<20x4x128xi32, #tpu.memory_space<vmem>> -> memref<1x4x128xi32, #tpu.memory_space<vmem>>
      %dma_start3A_55 = tpu.memref_squeeze %dma_start3A_54 : memref<1x4x128xi32, #tpu.memory_space<vmem>> -> memref<4x128xi32, #tpu.memory_space<vmem>>
      %dma_start3A_56 = arith.constant 0 : i32
      %dma_start3A_57 = tpu.memref_slice %arg4[%run_scoped3A_22, %mul3A_2, %dma_start3A_56] : memref<20x128x128xi32, #tpu.memory_space<hbm>> -> memref<1x4x128xi32, #tpu.memory_space<hbm>>
      %dma_start3A_58 = tpu.memref_squeeze %dma_start3A_57 : memref<1x4x128xi32, #tpu.memory_space<hbm>> -> memref<4x128xi32, #tpu.memory_space<hbm>>
      %dma_start3A_59 = arith.constant 0 : i32
      %dma_start3A_60 = arith.constant 0 : i32
      %dma_start3A_61 = tpu.memref_slice %arg10[%run_scoped3A_23, %dma_start3A_59, %dma_start3A_60] : memref<20x4x128xi32, #tpu.memory_space<vmem>> -> memref<1x4x128xi32, #tpu.memory_space<vmem>>
      %dma_start3A_62 = tpu.memref_squeeze %dma_start3A_61 : memref<1x4x128xi32, #tpu.memory_space<vmem>> -> memref<4x128xi32, #tpu.memory_space<vmem>>
      %dma_start3A_63 = arith.constant 0 : i32
      %dma_start3A_64 = tpu.memref_slice %arg4[%run_scoped3A_22, %mul3A_2, %dma_start3A_63] : memref<20x128x128xi32, #tpu.memory_space<hbm>> -> memref<1x4x128xi32, #tpu.memory_space<hbm>>
      %dma_start3A_65 = tpu.memref_squeeze %dma_start3A_64 : memref<1x4x128xi32, #tpu.memory_space<hbm>> -> memref<4x128xi32, #tpu.memory_space<hbm>>
      tpu.enqueue_dma source(%dma_start3A_65 : memref<4x128xi32, #tpu.memory_space<hbm>>) target(%dma_start3A_62 : memref<4x128xi32, #tpu.memory_space<vmem>>) target_semaphore(%run_scoped3A_52 : memref<!tpu.dma_semaphore, #tpu.memory_space<semaphore_mem>>)
      %dma_wait3A = arith.constant 0 : i32
      %dma_wait3A_66 = arith.constant 0 : i32
      %dma_wait3A_67 = tpu.memref_slice %arg10[%run_scoped3A_23, %dma_wait3A, %dma_wait3A_66] : memref<20x4x128xi32, #tpu.memory_space<vmem>> -> memref<1x4x128xi32, #tpu.memory_space<vmem>>
      %dma_wait3A_68 = tpu.memref_squeeze %dma_wait3A_67 : memref<1x4x128xi32, #tpu.memory_space<vmem>> -> memref<4x128xi32, #tpu.memory_space<vmem>>
      %dma_wait3A_69 = arith.constant 0 : i32
      %dma_wait3A_70 = tpu.memref_slice %arg4[%run_scoped3A_22, %mul3A_2, %dma_wait3A_69] : memref<20x128x128xi32, #tpu.memory_space<hbm>> -> memref<1x4x128xi32, #tpu.memory_space<hbm>>
      %dma_wait3A_71 = tpu.memref_squeeze %dma_wait3A_70 : memref<1x4x128xi32, #tpu.memory_space<hbm>> -> memref<4x128xi32, #tpu.memory_space<hbm>>
      %dma_wait3A_72 = arith.constant 0 : i32
      %dma_wait3A_73 = arith.constant 0 : i32
      %dma_wait3A_74 = tpu.memref_slice %arg10[%run_scoped3A_23, %dma_wait3A_72, %dma_wait3A_73] : memref<20x4x128xi32, #tpu.memory_space<vmem>> -> memref<1x4x128xi32, #tpu.memory_space<vmem>>
      %dma_wait3A_75 = tpu.memref_squeeze %dma_wait3A_74 : memref<1x4x128xi32, #tpu.memory_space<vmem>> -> memref<4x128xi32, #tpu.memory_space<vmem>>
      %dma_wait3A_76 = arith.constant 0 : i32
      %dma_wait3A_77 = tpu.memref_slice %arg4[%run_scoped3A_22, %mul3A_2, %dma_wait3A_76] : memref<20x128x128xi32, #tpu.memory_space<hbm>> -> memref<1x4x128xi32, #tpu.memory_space<hbm>>
      %dma_wait3A_78 = tpu.memref_squeeze %dma_wait3A_77 : memref<1x4x128xi32, #tpu.memory_space<hbm>> -> memref<4x128xi32, #tpu.memory_space<hbm>>
      tpu.wait_dma2 semaphore(%run_scoped3A_52 : memref<!tpu.dma_semaphore, #tpu.memory_space<semaphore_mem>>) src(%dma_wait3A_78 : memref<4x128xi32, #tpu.memory_space<hbm>>) dst(%dma_wait3A_75 : memref<4x128xi32, #tpu.memory_space<vmem>>)
      tpu.yield
    }) : () -> ()
    %run_scoped3A_24 = arith.constant 11 : i32
    %run_scoped3A_25 = arith.constant 11 : i32
    "tpu.region"() ({
      %run_scoped3A_52 = tpu.sem_alloc : memref<!tpu.dma_semaphore, #tpu.memory_space<semaphore_mem>>
      %dma_start3A = arith.constant 0 : i32
      %dma_start3A_53 = arith.constant 0 : i32
      %dma_start3A_54 = tpu.memref_slice %arg10[%run_scoped3A_25, %dma_start3A, %dma_start3A_53] : memref<20x4x128xi32, #tpu.memory_space<vmem>> -> memref<1x4x128xi32, #tpu.memory_space<vmem>>
      %dma_start3A_55 = tpu.memref_squeeze %dma_start3A_54 : memref<1x4x128xi32, #tpu.memory_space<vmem>> -> memref<4x128xi32, #tpu.memory_space<vmem>>
      %dma_start3A_56 = arith.constant 0 : i32
      %dma_start3A_57 = tpu.memref_slice %arg4[%run_scoped3A_24, %mul3A_2, %dma_start3A_56] : memref<20x128x128xi32, #tpu.memory_space<hbm>> -> memref<1x4x128xi32, #tpu.memory_space<hbm>>
      %dma_start3A_58 = tpu.memref_squeeze %dma_start3A_57 : memref<1x4x128xi32, #tpu.memory_space<hbm>> -> memref<4x128xi32, #tpu.memory_space<hbm>>
      %dma_start3A_59 = arith.constant 0 : i32
      %dma_start3A_60 = arith.constant 0 : i32
      %dma_start3A_61 = tpu.memref_slice %arg10[%run_scoped3A_25, %dma_start3A_59, %dma_start3A_60] : memref<20x4x128xi32, #tpu.memory_space<vmem>> -> memref<1x4x128xi32, #tpu.memory_space<vmem>>
      %dma_start3A_62 = tpu.memref_squeeze %dma_start3A_61 : memref<1x4x128xi32, #tpu.memory_space<vmem>> -> memref<4x128xi32, #tpu.memory_space<vmem>>
      %dma_start3A_63 = arith.constant 0 : i32
      %dma_start3A_64 = tpu.memref_slice %arg4[%run_scoped3A_24, %mul3A_2, %dma_start3A_63] : memref<20x128x128xi32, #tpu.memory_space<hbm>> -> memref<1x4x128xi32, #tpu.memory_space<hbm>>
      %dma_start3A_65 = tpu.memref_squeeze %dma_start3A_64 : memref<1x4x128xi32, #tpu.memory_space<hbm>> -> memref<4x128xi32, #tpu.memory_space<hbm>>
      tpu.enqueue_dma source(%dma_start3A_65 : memref<4x128xi32, #tpu.memory_space<hbm>>) target(%dma_start3A_62 : memref<4x128xi32, #tpu.memory_space<vmem>>) target_semaphore(%run_scoped3A_52 : memref<!tpu.dma_semaphore, #tpu.memory_space<semaphore_mem>>)
      %dma_wait3A = arith.constant 0 : i32
      %dma_wait3A_66 = arith.constant 0 : i32
      %dma_wait3A_67 = tpu.memref_slice %arg10[%run_scoped3A_25, %dma_wait3A, %dma_wait3A_66] : memref<20x4x128xi32, #tpu.memory_space<vmem>> -> memref<1x4x128xi32, #tpu.memory_space<vmem>>
      %dma_wait3A_68 = tpu.memref_squeeze %dma_wait3A_67 : memref<1x4x128xi32, #tpu.memory_space<vmem>> -> memref<4x128xi32, #tpu.memory_space<vmem>>
      %dma_wait3A_69 = arith.constant 0 : i32
      %dma_wait3A_70 = tpu.memref_slice %arg4[%run_scoped3A_24, %mul3A_2, %dma_wait3A_69] : memref<20x128x128xi32, #tpu.memory_space<hbm>> -> memref<1x4x128xi32, #tpu.memory_space<hbm>>
      %dma_wait3A_71 = tpu.memref_squeeze %dma_wait3A_70 : memref<1x4x128xi32, #tpu.memory_space<hbm>> -> memref<4x128xi32, #tpu.memory_space<hbm>>
      %dma_wait3A_72 = arith.constant 0 : i32
      %dma_wait3A_73 = arith.constant 0 : i32
      %dma_wait3A_74 = tpu.memref_slice %arg10[%run_scoped3A_25, %dma_wait3A_72, %dma_wait3A_73] : memref<20x4x128xi32, #tpu.memory_space<vmem>> -> memref<1x4x128xi32, #tpu.memory_space<vmem>>
      %dma_wait3A_75 = tpu.memref_squeeze %dma_wait3A_74 : memref<1x4x128xi32, #tpu.memory_space<vmem>> -> memref<4x128xi32, #tpu.memory_space<vmem>>
      %dma_wait3A_76 = arith.constant 0 : i32
      %dma_wait3A_77 = tpu.memref_slice %arg4[%run_scoped3A_24, %mul3A_2, %dma_wait3A_76] : memref<20x128x128xi32, #tpu.memory_space<hbm>> -> memref<1x4x128xi32, #tpu.memory_space<hbm>>
      %dma_wait3A_78 = tpu.memref_squeeze %dma_wait3A_77 : memref<1x4x128xi32, #tpu.memory_space<hbm>> -> memref<4x128xi32, #tpu.memory_space<hbm>>
      tpu.wait_dma2 semaphore(%run_scoped3A_52 : memref<!tpu.dma_semaphore, #tpu.memory_space<semaphore_mem>>) src(%dma_wait3A_78 : memref<4x128xi32, #tpu.memory_space<hbm>>) dst(%dma_wait3A_75 : memref<4x128xi32, #tpu.memory_space<vmem>>)
      tpu.yield
    }) : () -> ()
    %run_scoped3A_26 = arith.constant 12 : i32
    %run_scoped3A_27 = arith.constant 12 : i32
    "tpu.region"() ({
      %run_scoped3A_52 = tpu.sem_alloc : memref<!tpu.dma_semaphore, #tpu.memory_space<semaphore_mem>>
      %dma_start3A = arith.constant 0 : i32
      %dma_start3A_53 = arith.constant 0 : i32
      %dma_start3A_54 = tpu.memref_slice %arg10[%run_scoped3A_27, %dma_start3A, %dma_start3A_53] : memref<20x4x128xi32, #tpu.memory_space<vmem>> -> memref<1x4x128xi32, #tpu.memory_space<vmem>>
      %dma_start3A_55 = tpu.memref_squeeze %dma_start3A_54 : memref<1x4x128xi32, #tpu.memory_space<vmem>> -> memref<4x128xi32, #tpu.memory_space<vmem>>
      %dma_start3A_56 = arith.constant 0 : i32
      %dma_start3A_57 = tpu.memref_slice %arg4[%run_scoped3A_26, %mul3A_2, %dma_start3A_56] : memref<20x128x128xi32, #tpu.memory_space<hbm>> -> memref<1x4x128xi32, #tpu.memory_space<hbm>>
      %dma_start3A_58 = tpu.memref_squeeze %dma_start3A_57 : memref<1x4x128xi32, #tpu.memory_space<hbm>> -> memref<4x128xi32, #tpu.memory_space<hbm>>
      %dma_start3A_59 = arith.constant 0 : i32
      %dma_start3A_60 = arith.constant 0 : i32
      %dma_start3A_61 = tpu.memref_slice %arg10[%run_scoped3A_27, %dma_start3A_59, %dma_start3A_60] : memref<20x4x128xi32, #tpu.memory_space<vmem>> -> memref<1x4x128xi32, #tpu.memory_space<vmem>>
      %dma_start3A_62 = tpu.memref_squeeze %dma_start3A_61 : memref<1x4x128xi32, #tpu.memory_space<vmem>> -> memref<4x128xi32, #tpu.memory_space<vmem>>
      %dma_start3A_63 = arith.constant 0 : i32
      %dma_start3A_64 = tpu.memref_slice %arg4[%run_scoped3A_26, %mul3A_2, %dma_start3A_63] : memref<20x128x128xi32, #tpu.memory_space<hbm>> -> memref<1x4x128xi32, #tpu.memory_space<hbm>>
      %dma_start3A_65 = tpu.memref_squeeze %dma_start3A_64 : memref<1x4x128xi32, #tpu.memory_space<hbm>> -> memref<4x128xi32, #tpu.memory_space<hbm>>
      tpu.enqueue_dma source(%dma_start3A_65 : memref<4x128xi32, #tpu.memory_space<hbm>>) target(%dma_start3A_62 : memref<4x128xi32, #tpu.memory_space<vmem>>) target_semaphore(%run_scoped3A_52 : memref<!tpu.dma_semaphore, #tpu.memory_space<semaphore_mem>>)
      %dma_wait3A = arith.constant 0 : i32
      %dma_wait3A_66 = arith.constant 0 : i32
      %dma_wait3A_67 = tpu.memref_slice %arg10[%run_scoped3A_27, %dma_wait3A, %dma_wait3A_66] : memref<20x4x128xi32, #tpu.memory_space<vmem>> -> memref<1x4x128xi32, #tpu.memory_space<vmem>>
      %dma_wait3A_68 = tpu.memref_squeeze %dma_wait3A_67 : memref<1x4x128xi32, #tpu.memory_space<vmem>> -> memref<4x128xi32, #tpu.memory_space<vmem>>
      %dma_wait3A_69 = arith.constant 0 : i32
      %dma_wait3A_70 = tpu.memref_slice %arg4[%run_scoped3A_26, %mul3A_2, %dma_wait3A_69] : memref<20x128x128xi32, #tpu.memory_space<hbm>> -> memref<1x4x128xi32, #tpu.memory_space<hbm>>
      %dma_wait3A_71 = tpu.memref_squeeze %dma_wait3A_70 : memref<1x4x128xi32, #tpu.memory_space<hbm>> -> memref<4x128xi32, #tpu.memory_space<hbm>>
      %dma_wait3A_72 = arith.constant 0 : i32
      %dma_wait3A_73 = arith.constant 0 : i32
      %dma_wait3A_74 = tpu.memref_slice %arg10[%run_scoped3A_27, %dma_wait3A_72, %dma_wait3A_73] : memref<20x4x128xi32, #tpu.memory_space<vmem>> -> memref<1x4x128xi32, #tpu.memory_space<vmem>>
      %dma_wait3A_75 = tpu.memref_squeeze %dma_wait3A_74 : memref<1x4x128xi32, #tpu.memory_space<vmem>> -> memref<4x128xi32, #tpu.memory_space<vmem>>
      %dma_wait3A_76 = arith.constant 0 : i32
      %dma_wait3A_77 = tpu.memref_slice %arg4[%run_scoped3A_26, %mul3A_2, %dma_wait3A_76] : memref<20x128x128xi32, #tpu.memory_space<hbm>> -> memref<1x4x128xi32, #tpu.memory_space<hbm>>
      %dma_wait3A_78 = tpu.memref_squeeze %dma_wait3A_77 : memref<1x4x128xi32, #tpu.memory_space<hbm>> -> memref<4x128xi32, #tpu.memory_space<hbm>>
      tpu.wait_dma2 semaphore(%run_scoped3A_52 : memref<!tpu.dma_semaphore, #tpu.memory_space<semaphore_mem>>) src(%dma_wait3A_78 : memref<4x128xi32, #tpu.memory_space<hbm>>) dst(%dma_wait3A_75 : memref<4x128xi32, #tpu.memory_space<vmem>>)
      tpu.yield
    }) : () -> ()
    %run_scoped3A_28 = arith.constant 13 : i32
    %run_scoped3A_29 = arith.constant 13 : i32
    "tpu.region"() ({
      %run_scoped3A_52 = tpu.sem_alloc : memref<!tpu.dma_semaphore, #tpu.memory_space<semaphore_mem>>
      %dma_start3A = arith.constant 0 : i32
      %dma_start3A_53 = arith.constant 0 : i32
      %dma_start3A_54 = tpu.memref_slice %arg10[%run_scoped3A_29, %dma_start3A, %dma_start3A_53] : memref<20x4x128xi32, #tpu.memory_space<vmem>> -> memref<1x4x128xi32, #tpu.memory_space<vmem>>
      %dma_start3A_55 = tpu.memref_squeeze %dma_start3A_54 : memref<1x4x128xi32, #tpu.memory_space<vmem>> -> memref<4x128xi32, #tpu.memory_space<vmem>>
      %dma_start3A_56 = arith.constant 0 : i32
      %dma_start3A_57 = tpu.memref_slice %arg4[%run_scoped3A_28, %mul3A_2, %dma_start3A_56] : memref<20x128x128xi32, #tpu.memory_space<hbm>> -> memref<1x4x128xi32, #tpu.memory_space<hbm>>
      %dma_start3A_58 = tpu.memref_squeeze %dma_start3A_57 : memref<1x4x128xi32, #tpu.memory_space<hbm>> -> memref<4x128xi32, #tpu.memory_space<hbm>>
      %dma_start3A_59 = arith.constant 0 : i32
      %dma_start3A_60 = arith.constant 0 : i32
      %dma_start3A_61 = tpu.memref_slice %arg10[%run_scoped3A_29, %dma_start3A_59, %dma_start3A_60] : memref<20x4x128xi32, #tpu.memory_space<vmem>> -> memref<1x4x128xi32, #tpu.memory_space<vmem>>
      %dma_start3A_62 = tpu.memref_squeeze %dma_start3A_61 : memref<1x4x128xi32, #tpu.memory_space<vmem>> -> memref<4x128xi32, #tpu.memory_space<vmem>>
      %dma_start3A_63 = arith.constant 0 : i32
      %dma_start3A_64 = tpu.memref_slice %arg4[%run_scoped3A_28, %mul3A_2, %dma_start3A_63] : memref<20x128x128xi32, #tpu.memory_space<hbm>> -> memref<1x4x128xi32, #tpu.memory_space<hbm>>
      %dma_start3A_65 = tpu.memref_squeeze %dma_start3A_64 : memref<1x4x128xi32, #tpu.memory_space<hbm>> -> memref<4x128xi32, #tpu.memory_space<hbm>>
      tpu.enqueue_dma source(%dma_start3A_65 : memref<4x128xi32, #tpu.memory_space<hbm>>) target(%dma_start3A_62 : memref<4x128xi32, #tpu.memory_space<vmem>>) target_semaphore(%run_scoped3A_52 : memref<!tpu.dma_semaphore, #tpu.memory_space<semaphore_mem>>)
      %dma_wait3A = arith.constant 0 : i32
      %dma_wait3A_66 = arith.constant 0 : i32
      %dma_wait3A_67 = tpu.memref_slice %arg10[%run_scoped3A_29, %dma_wait3A, %dma_wait3A_66] : memref<20x4x128xi32, #tpu.memory_space<vmem>> -> memref<1x4x128xi32, #tpu.memory_space<vmem>>
      %dma_wait3A_68 = tpu.memref_squeeze %dma_wait3A_67 : memref<1x4x128xi32, #tpu.memory_space<vmem>> -> memref<4x128xi32, #tpu.memory_space<vmem>>
      %dma_wait3A_69 = arith.constant 0 : i32
      %dma_wait3A_70 = tpu.memref_slice %arg4[%run_scoped3A_28, %mul3A_2, %dma_wait3A_69] : memref<20x128x128xi32, #tpu.memory_space<hbm>> -> memref<1x4x128xi32, #tpu.memory_space<hbm>>
      %dma_wait3A_71 = tpu.memref_squeeze %dma_wait3A_70 : memref<1x4x128xi32, #tpu.memory_space<hbm>> -> memref<4x128xi32, #tpu.memory_space<hbm>>
      %dma_wait3A_72 = arith.constant 0 : i32
      %dma_wait3A_73 = arith.constant 0 : i32
      %dma_wait3A_74 = tpu.memref_slice %arg10[%run_scoped3A_29, %dma_wait3A_72, %dma_wait3A_73] : memref<20x4x128xi32, #tpu.memory_space<vmem>> -> memref<1x4x128xi32, #tpu.memory_space<vmem>>
      %dma_wait3A_75 = tpu.memref_squeeze %dma_wait3A_74 : memref<1x4x128xi32, #tpu.memory_space<vmem>> -> memref<4x128xi32, #tpu.memory_space<vmem>>
      %dma_wait3A_76 = arith.constant 0 : i32
      %dma_wait3A_77 = tpu.memref_slice %arg4[%run_scoped3A_28, %mul3A_2, %dma_wait3A_76] : memref<20x128x128xi32, #tpu.memory_space<hbm>> -> memref<1x4x128xi32, #tpu.memory_space<hbm>>
      %dma_wait3A_78 = tpu.memref_squeeze %dma_wait3A_77 : memref<1x4x128xi32, #tpu.memory_space<hbm>> -> memref<4x128xi32, #tpu.memory_space<hbm>>
      tpu.wait_dma2 semaphore(%run_scoped3A_52 : memref<!tpu.dma_semaphore, #tpu.memory_space<semaphore_mem>>) src(%dma_wait3A_78 : memref<4x128xi32, #tpu.memory_space<hbm>>) dst(%dma_wait3A_75 : memref<4x128xi32, #tpu.memory_space<vmem>>)
      tpu.yield
    }) : () -> ()
    %run_scoped3A_30 = arith.constant 14 : i32
    %run_scoped3A_31 = arith.constant 14 : i32
    "tpu.region"() ({
      %run_scoped3A_52 = tpu.sem_alloc : memref<!tpu.dma_semaphore, #tpu.memory_space<semaphore_mem>>
      %dma_start3A = arith.constant 0 : i32
      %dma_start3A_53 = arith.constant 0 : i32
      %dma_start3A_54 = tpu.memref_slice %arg10[%run_scoped3A_31, %dma_start3A, %dma_start3A_53] : memref<20x4x128xi32, #tpu.memory_space<vmem>> -> memref<1x4x128xi32, #tpu.memory_space<vmem>>
      %dma_start3A_55 = tpu.memref_squeeze %dma_start3A_54 : memref<1x4x128xi32, #tpu.memory_space<vmem>> -> memref<4x128xi32, #tpu.memory_space<vmem>>
      %dma_start3A_56 = arith.constant 0 : i32
      %dma_start3A_57 = tpu.memref_slice %arg4[%run_scoped3A_30, %mul3A_2, %dma_start3A_56] : memref<20x128x128xi32, #tpu.memory_space<hbm>> -> memref<1x4x128xi32, #tpu.memory_space<hbm>>
      %dma_start3A_58 = tpu.memref_squeeze %dma_start3A_57 : memref<1x4x128xi32, #tpu.memory_space<hbm>> -> memref<4x128xi32, #tpu.memory_space<hbm>>
      %dma_start3A_59 = arith.constant 0 : i32
      %dma_start3A_60 = arith.constant 0 : i32
      %dma_start3A_61 = tpu.memref_slice %arg10[%run_scoped3A_31, %dma_start3A_59, %dma_start3A_60] : memref<20x4x128xi32, #tpu.memory_space<vmem>> -> memref<1x4x128xi32, #tpu.memory_space<vmem>>
      %dma_start3A_62 = tpu.memref_squeeze %dma_start3A_61 : memref<1x4x128xi32, #tpu.memory_space<vmem>> -> memref<4x128xi32, #tpu.memory_space<vmem>>
      %dma_start3A_63 = arith.constant 0 : i32
      %dma_start3A_64 = tpu.memref_slice %arg4[%run_scoped3A_30, %mul3A_2, %dma_start3A_63] : memref<20x128x128xi32, #tpu.memory_space<hbm>> -> memref<1x4x128xi32, #tpu.memory_space<hbm>>
      %dma_start3A_65 = tpu.memref_squeeze %dma_start3A_64 : memref<1x4x128xi32, #tpu.memory_space<hbm>> -> memref<4x128xi32, #tpu.memory_space<hbm>>
      tpu.enqueue_dma source(%dma_start3A_65 : memref<4x128xi32, #tpu.memory_space<hbm>>) target(%dma_start3A_62 : memref<4x128xi32, #tpu.memory_space<vmem>>) target_semaphore(%run_scoped3A_52 : memref<!tpu.dma_semaphore, #tpu.memory_space<semaphore_mem>>)
      %dma_wait3A = arith.constant 0 : i32
      %dma_wait3A_66 = arith.constant 0 : i32
      %dma_wait3A_67 = tpu.memref_slice %arg10[%run_scoped3A_31, %dma_wait3A, %dma_wait3A_66] : memref<20x4x128xi32, #tpu.memory_space<vmem>> -> memref<1x4x128xi32, #tpu.memory_space<vmem>>
      %dma_wait3A_68 = tpu.memref_squeeze %dma_wait3A_67 : memref<1x4x128xi32, #tpu.memory_space<vmem>> -> memref<4x128xi32, #tpu.memory_space<vmem>>
      %dma_wait3A_69 = arith.constant 0 : i32
      %dma_wait3A_70 = tpu.memref_slice %arg4[%run_scoped3A_30, %mul3A_2, %dma_wait3A_69] : memref<20x128x128xi32, #tpu.memory_space<hbm>> -> memref<1x4x128xi32, #tpu.memory_space<hbm>>
      %dma_wait3A_71 = tpu.memref_squeeze %dma_wait3A_70 : memref<1x4x128xi32, #tpu.memory_space<hbm>> -> memref<4x128xi32, #tpu.memory_space<hbm>>
      %dma_wait3A_72 = arith.constant 0 : i32
      %dma_wait3A_73 = arith.constant 0 : i32
      %dma_wait3A_74 = tpu.memref_slice %arg10[%run_scoped3A_31, %dma_wait3A_72, %dma_wait3A_73] : memref<20x4x128xi32, #tpu.memory_space<vmem>> -> memref<1x4x128xi32, #tpu.memory_space<vmem>>
      %dma_wait3A_75 = tpu.memref_squeeze %dma_wait3A_74 : memref<1x4x128xi32, #tpu.memory_space<vmem>> -> memref<4x128xi32, #tpu.memory_space<vmem>>
      %dma_wait3A_76 = arith.constant 0 : i32
      %dma_wait3A_77 = tpu.memref_slice %arg4[%run_scoped3A_30, %mul3A_2, %dma_wait3A_76] : memref<20x128x128xi32, #tpu.memory_space<hbm>> -> memref<1x4x128xi32, #tpu.memory_space<hbm>>
      %dma_wait3A_78 = tpu.memref_squeeze %dma_wait3A_77 : memref<1x4x128xi32, #tpu.memory_space<hbm>> -> memref<4x128xi32, #tpu.memory_space<hbm>>
      tpu.wait_dma2 semaphore(%run_scoped3A_52 : memref<!tpu.dma_semaphore, #tpu.memory_space<semaphore_mem>>) src(%dma_wait3A_78 : memref<4x128xi32, #tpu.memory_space<hbm>>) dst(%dma_wait3A_75 : memref<4x128xi32, #tpu.memory_space<vmem>>)
      tpu.yield
    }) : () -> ()
    %run_scoped3A_32 = arith.constant 15 : i32
    %run_scoped3A_33 = arith.constant 15 : i32
    "tpu.region"() ({
      %run_scoped3A_52 = tpu.sem_alloc : memref<!tpu.dma_semaphore, #tpu.memory_space<semaphore_mem>>
      %dma_start3A = arith.constant 0 : i32
      %dma_start3A_53 = arith.constant 0 : i32
      %dma_start3A_54 = tpu.memref_slice %arg10[%run_scoped3A_33, %dma_start3A, %dma_start3A_53] : memref<20x4x128xi32, #tpu.memory_space<vmem>> -> memref<1x4x128xi32, #tpu.memory_space<vmem>>
      %dma_start3A_55 = tpu.memref_squeeze %dma_start3A_54 : memref<1x4x128xi32, #tpu.memory_space<vmem>> -> memref<4x128xi32, #tpu.memory_space<vmem>>
      %dma_start3A_56 = arith.constant 0 : i32
      %dma_start3A_57 = tpu.memref_slice %arg4[%run_scoped3A_32, %mul3A_2, %dma_start3A_56] : memref<20x128x128xi32, #tpu.memory_space<hbm>> -> memref<1x4x128xi32, #tpu.memory_space<hbm>>
      %dma_start3A_58 = tpu.memref_squeeze %dma_start3A_57 : memref<1x4x128xi32, #tpu.memory_space<hbm>> -> memref<4x128xi32, #tpu.memory_space<hbm>>
      %dma_start3A_59 = arith.constant 0 : i32
      %dma_start3A_60 = arith.constant 0 : i32
      %dma_start3A_61 = tpu.memref_slice %arg10[%run_scoped3A_33, %dma_start3A_59, %dma_start3A_60] : memref<20x4x128xi32, #tpu.memory_space<vmem>> -> memref<1x4x128xi32, #tpu.memory_space<vmem>>
      %dma_start3A_62 = tpu.memref_squeeze %dma_start3A_61 : memref<1x4x128xi32, #tpu.memory_space<vmem>> -> memref<4x128xi32, #tpu.memory_space<vmem>>
      %dma_start3A_63 = arith.constant 0 : i32
      %dma_start3A_64 = tpu.memref_slice %arg4[%run_scoped3A_32, %mul3A_2, %dma_start3A_63] : memref<20x128x128xi32, #tpu.memory_space<hbm>> -> memref<1x4x128xi32, #tpu.memory_space<hbm>>
      %dma_start3A_65 = tpu.memref_squeeze %dma_start3A_64 : memref<1x4x128xi32, #tpu.memory_space<hbm>> -> memref<4x128xi32, #tpu.memory_space<hbm>>
      tpu.enqueue_dma source(%dma_start3A_65 : memref<4x128xi32, #tpu.memory_space<hbm>>) target(%dma_start3A_62 : memref<4x128xi32, #tpu.memory_space<vmem>>) target_semaphore(%run_scoped3A_52 : memref<!tpu.dma_semaphore, #tpu.memory_space<semaphore_mem>>)
      %dma_wait3A = arith.constant 0 : i32
      %dma_wait3A_66 = arith.constant 0 : i32
      %dma_wait3A_67 = tpu.memref_slice %arg10[%run_scoped3A_33, %dma_wait3A, %dma_wait3A_66] : memref<20x4x128xi32, #tpu.memory_space<vmem>> -> memref<1x4x128xi32, #tpu.memory_space<vmem>>
      %dma_wait3A_68 = tpu.memref_squeeze %dma_wait3A_67 : memref<1x4x128xi32, #tpu.memory_space<vmem>> -> memref<4x128xi32, #tpu.memory_space<vmem>>
      %dma_wait3A_69 = arith.constant 0 : i32
      %dma_wait3A_70 = tpu.memref_slice %arg4[%run_scoped3A_32, %mul3A_2, %dma_wait3A_69] : memref<20x128x128xi32, #tpu.memory_space<hbm>> -> memref<1x4x128xi32, #tpu.memory_space<hbm>>
      %dma_wait3A_71 = tpu.memref_squeeze %dma_wait3A_70 : memref<1x4x128xi32, #tpu.memory_space<hbm>> -> memref<4x128xi32, #tpu.memory_space<hbm>>
      %dma_wait3A_72 = arith.constant 0 : i32
      %dma_wait3A_73 = arith.constant 0 : i32
      %dma_wait3A_74 = tpu.memref_slice %arg10[%run_scoped3A_33, %dma_wait3A_72, %dma_wait3A_73] : memref<20x4x128xi32, #tpu.memory_space<vmem>> -> memref<1x4x128xi32, #tpu.memory_space<vmem>>
      %dma_wait3A_75 = tpu.memref_squeeze %dma_wait3A_74 : memref<1x4x128xi32, #tpu.memory_space<vmem>> -> memref<4x128xi32, #tpu.memory_space<vmem>>
      %dma_wait3A_76 = arith.constant 0 : i32
      %dma_wait3A_77 = tpu.memref_slice %arg4[%run_scoped3A_32, %mul3A_2, %dma_wait3A_76] : memref<20x128x128xi32, #tpu.memory_space<hbm>> -> memref<1x4x128xi32, #tpu.memory_space<hbm>>
      %dma_wait3A_78 = tpu.memref_squeeze %dma_wait3A_77 : memref<1x4x128xi32, #tpu.memory_space<hbm>> -> memref<4x128xi32, #tpu.memory_space<hbm>>
      tpu.wait_dma2 semaphore(%run_scoped3A_52 : memref<!tpu.dma_semaphore, #tpu.memory_space<semaphore_mem>>) src(%dma_wait3A_78 : memref<4x128xi32, #tpu.memory_space<hbm>>) dst(%dma_wait3A_75 : memref<4x128xi32, #tpu.memory_space<vmem>>)
      tpu.yield
    }) : () -> ()
    %run_scoped3A_34 = arith.constant 16 : i32
    %run_scoped3A_35 = arith.constant 16 : i32
    "tpu.region"() ({
      %run_scoped3A_52 = tpu.sem_alloc : memref<!tpu.dma_semaphore, #tpu.memory_space<semaphore_mem>>
      %dma_start3A = arith.constant 0 : i32
      %dma_start3A_53 = arith.constant 0 : i32
      %dma_start3A_54 = tpu.memref_slice %arg10[%run_scoped3A_35, %dma_start3A, %dma_start3A_53] : memref<20x4x128xi32, #tpu.memory_space<vmem>> -> memref<1x4x128xi32, #tpu.memory_space<vmem>>
      %dma_start3A_55 = tpu.memref_squeeze %dma_start3A_54 : memref<1x4x128xi32, #tpu.memory_space<vmem>> -> memref<4x128xi32, #tpu.memory_space<vmem>>
      %dma_start3A_56 = arith.constant 0 : i32
      %dma_start3A_57 = tpu.memref_slice %arg4[%run_scoped3A_34, %mul3A_2, %dma_start3A_56] : memref<20x128x128xi32, #tpu.memory_space<hbm>> -> memref<1x4x128xi32, #tpu.memory_space<hbm>>
      %dma_start3A_58 = tpu.memref_squeeze %dma_start3A_57 : memref<1x4x128xi32, #tpu.memory_space<hbm>> -> memref<4x128xi32, #tpu.memory_space<hbm>>
      %dma_start3A_59 = arith.constant 0 : i32
      %dma_start3A_60 = arith.constant 0 : i32
      %dma_start3A_61 = tpu.memref_slice %arg10[%run_scoped3A_35, %dma_start3A_59, %dma_start3A_60] : memref<20x4x128xi32, #tpu.memory_space<vmem>> -> memref<1x4x128xi32, #tpu.memory_space<vmem>>
      %dma_start3A_62 = tpu.memref_squeeze %dma_start3A_61 : memref<1x4x128xi32, #tpu.memory_space<vmem>> -> memref<4x128xi32, #tpu.memory_space<vmem>>
      %dma_start3A_63 = arith.constant 0 : i32
      %dma_start3A_64 = tpu.memref_slice %arg4[%run_scoped3A_34, %mul3A_2, %dma_start3A_63] : memref<20x128x128xi32, #tpu.memory_space<hbm>> -> memref<1x4x128xi32, #tpu.memory_space<hbm>>
      %dma_start3A_65 = tpu.memref_squeeze %dma_start3A_64 : memref<1x4x128xi32, #tpu.memory_space<hbm>> -> memref<4x128xi32, #tpu.memory_space<hbm>>
      tpu.enqueue_dma source(%dma_start3A_65 : memref<4x128xi32, #tpu.memory_space<hbm>>) target(%dma_start3A_62 : memref<4x128xi32, #tpu.memory_space<vmem>>) target_semaphore(%run_scoped3A_52 : memref<!tpu.dma_semaphore, #tpu.memory_space<semaphore_mem>>)
      %dma_wait3A = arith.constant 0 : i32
      %dma_wait3A_66 = arith.constant 0 : i32
      %dma_wait3A_67 = tpu.memref_slice %arg10[%run_scoped3A_35, %dma_wait3A, %dma_wait3A_66] : memref<20x4x128xi32, #tpu.memory_space<vmem>> -> memref<1x4x128xi32, #tpu.memory_space<vmem>>
      %dma_wait3A_68 = tpu.memref_squeeze %dma_wait3A_67 : memref<1x4x128xi32, #tpu.memory_space<vmem>> -> memref<4x128xi32, #tpu.memory_space<vmem>>
      %dma_wait3A_69 = arith.constant 0 : i32
      %dma_wait3A_70 = tpu.memref_slice %arg4[%run_scoped3A_34, %mul3A_2, %dma_wait3A_69] : memref<20x128x128xi32, #tpu.memory_space<hbm>> -> memref<1x4x128xi32, #tpu.memory_space<hbm>>
      %dma_wait3A_71 = tpu.memref_squeeze %dma_wait3A_70 : memref<1x4x128xi32, #tpu.memory_space<hbm>> -> memref<4x128xi32, #tpu.memory_space<hbm>>
      %dma_wait3A_72 = arith.constant 0 : i32
      %dma_wait3A_73 = arith.constant 0 : i32
      %dma_wait3A_74 = tpu.memref_slice %arg10[%run_scoped3A_35, %dma_wait3A_72, %dma_wait3A_73] : memref<20x4x128xi32, #tpu.memory_space<vmem>> -> memref<1x4x128xi32, #tpu.memory_space<vmem>>
      %dma_wait3A_75 = tpu.memref_squeeze %dma_wait3A_74 : memref<1x4x128xi32, #tpu.memory_space<vmem>> -> memref<4x128xi32, #tpu.memory_space<vmem>>
      %dma_wait3A_76 = arith.constant 0 : i32
      %dma_wait3A_77 = tpu.memref_slice %arg4[%run_scoped3A_34, %mul3A_2, %dma_wait3A_76] : memref<20x128x128xi32, #tpu.memory_space<hbm>> -> memref<1x4x128xi32, #tpu.memory_space<hbm>>
      %dma_wait3A_78 = tpu.memref_squeeze %dma_wait3A_77 : memref<1x4x128xi32, #tpu.memory_space<hbm>> -> memref<4x128xi32, #tpu.memory_space<hbm>>
      tpu.wait_dma2 semaphore(%run_scoped3A_52 : memref<!tpu.dma_semaphore, #tpu.memory_space<semaphore_mem>>) src(%dma_wait3A_78 : memref<4x128xi32, #tpu.memory_space<hbm>>) dst(%dma_wait3A_75 : memref<4x128xi32, #tpu.memory_space<vmem>>)
      tpu.yield
    }) : () -> ()
    %run_scoped3A_36 = arith.constant 17 : i32
    %run_scoped3A_37 = arith.constant 17 : i32
    "tpu.region"() ({
      %run_scoped3A_52 = tpu.sem_alloc : memref<!tpu.dma_semaphore, #tpu.memory_space<semaphore_mem>>
      %dma_start3A = arith.constant 0 : i32
      %dma_start3A_53 = arith.constant 0 : i32
      %dma_start3A_54 = tpu.memref_slice %arg10[%run_scoped3A_37, %dma_start3A, %dma_start3A_53] : memref<20x4x128xi32, #tpu.memory_space<vmem>> -> memref<1x4x128xi32, #tpu.memory_space<vmem>>
      %dma_start3A_55 = tpu.memref_squeeze %dma_start3A_54 : memref<1x4x128xi32, #tpu.memory_space<vmem>> -> memref<4x128xi32, #tpu.memory_space<vmem>>
      %dma_start3A_56 = arith.constant 0 : i32
      %dma_start3A_57 = tpu.memref_slice %arg4[%run_scoped3A_36, %mul3A_2, %dma_start3A_56] : memref<20x128x128xi32, #tpu.memory_space<hbm>> -> memref<1x4x128xi32, #tpu.memory_space<hbm>>
      %dma_start3A_58 = tpu.memref_squeeze %dma_start3A_57 : memref<1x4x128xi32, #tpu.memory_space<hbm>> -> memref<4x128xi32, #tpu.memory_space<hbm>>
      %dma_start3A_59 = arith.constant 0 : i32
      %dma_start3A_60 = arith.constant 0 : i32
      %dma_start3A_61 = tpu.memref_slice %arg10[%run_scoped3A_37, %dma_start3A_59, %dma_start3A_60] : memref<20x4x128xi32, #tpu.memory_space<vmem>> -> memref<1x4x128xi32, #tpu.memory_space<vmem>>
      %dma_start3A_62 = tpu.memref_squeeze %dma_start3A_61 : memref<1x4x128xi32, #tpu.memory_space<vmem>> -> memref<4x128xi32, #tpu.memory_space<vmem>>
      %dma_start3A_63 = arith.constant 0 : i32
      %dma_start3A_64 = tpu.memref_slice %arg4[%run_scoped3A_36, %mul3A_2, %dma_start3A_63] : memref<20x128x128xi32, #tpu.memory_space<hbm>> -> memref<1x4x128xi32, #tpu.memory_space<hbm>>
      %dma_start3A_65 = tpu.memref_squeeze %dma_start3A_64 : memref<1x4x128xi32, #tpu.memory_space<hbm>> -> memref<4x128xi32, #tpu.memory_space<hbm>>
      tpu.enqueue_dma source(%dma_start3A_65 : memref<4x128xi32, #tpu.memory_space<hbm>>) target(%dma_start3A_62 : memref<4x128xi32, #tpu.memory_space<vmem>>) target_semaphore(%run_scoped3A_52 : memref<!tpu.dma_semaphore, #tpu.memory_space<semaphore_mem>>)
      %dma_wait3A = arith.constant 0 : i32
      %dma_wait3A_66 = arith.constant 0 : i32
      %dma_wait3A_67 = tpu.memref_slice %arg10[%run_scoped3A_37, %dma_wait3A, %dma_wait3A_66] : memref<20x4x128xi32, #tpu.memory_space<vmem>> -> memref<1x4x128xi32, #tpu.memory_space<vmem>>
      %dma_wait3A_68 = tpu.memref_squeeze %dma_wait3A_67 : memref<1x4x128xi32, #tpu.memory_space<vmem>> -> memref<4x128xi32, #tpu.memory_space<vmem>>
      %dma_wait3A_69 = arith.constant 0 : i32
      %dma_wait3A_70 = tpu.memref_slice %arg4[%run_scoped3A_36, %mul3A_2, %dma_wait3A_69] : memref<20x128x128xi32, #tpu.memory_space<hbm>> -> memref<1x4x128xi32, #tpu.memory_space<hbm>>
      %dma_wait3A_71 = tpu.memref_squeeze %dma_wait3A_70 : memref<1x4x128xi32, #tpu.memory_space<hbm>> -> memref<4x128xi32, #tpu.memory_space<hbm>>
      %dma_wait3A_72 = arith.constant 0 : i32
      %dma_wait3A_73 = arith.constant 0 : i32
      %dma_wait3A_74 = tpu.memref_slice %arg10[%run_scoped3A_37, %dma_wait3A_72, %dma_wait3A_73] : memref<20x4x128xi32, #tpu.memory_space<vmem>> -> memref<1x4x128xi32, #tpu.memory_space<vmem>>
      %dma_wait3A_75 = tpu.memref_squeeze %dma_wait3A_74 : memref<1x4x128xi32, #tpu.memory_space<vmem>> -> memref<4x128xi32, #tpu.memory_space<vmem>>
      %dma_wait3A_76 = arith.constant 0 : i32
      %dma_wait3A_77 = tpu.memref_slice %arg4[%run_scoped3A_36, %mul3A_2, %dma_wait3A_76] : memref<20x128x128xi32, #tpu.memory_space<hbm>> -> memref<1x4x128xi32, #tpu.memory_space<hbm>>
      %dma_wait3A_78 = tpu.memref_squeeze %dma_wait3A_77 : memref<1x4x128xi32, #tpu.memory_space<hbm>> -> memref<4x128xi32, #tpu.memory_space<hbm>>
      tpu.wait_dma2 semaphore(%run_scoped3A_52 : memref<!tpu.dma_semaphore, #tpu.memory_space<semaphore_mem>>) src(%dma_wait3A_78 : memref<4x128xi32, #tpu.memory_space<hbm>>) dst(%dma_wait3A_75 : memref<4x128xi32, #tpu.memory_space<vmem>>)
      tpu.yield
    }) : () -> ()
    %run_scoped3A_38 = arith.constant 18 : i32
    %run_scoped3A_39 = arith.constant 18 : i32
    "tpu.region"() ({
      %run_scoped3A_52 = tpu.sem_alloc : memref<!tpu.dma_semaphore, #tpu.memory_space<semaphore_mem>>
      %dma_start3A = arith.constant 0 : i32
      %dma_start3A_53 = arith.constant 0 : i32
      %dma_start3A_54 = tpu.memref_slice %arg10[%run_scoped3A_39, %dma_start3A, %dma_start3A_53] : memref<20x4x128xi32, #tpu.memory_space<vmem>> -> memref<1x4x128xi32, #tpu.memory_space<vmem>>
      %dma_start3A_55 = tpu.memref_squeeze %dma_start3A_54 : memref<1x4x128xi32, #tpu.memory_space<vmem>> -> memref<4x128xi32, #tpu.memory_space<vmem>>
      %dma_start3A_56 = arith.constant 0 : i32
      %dma_start3A_57 = tpu.memref_slice %arg4[%run_scoped3A_38, %mul3A_2, %dma_start3A_56] : memref<20x128x128xi32, #tpu.memory_space<hbm>> -> memref<1x4x128xi32, #tpu.memory_space<hbm>>
      %dma_start3A_58 = tpu.memref_squeeze %dma_start3A_57 : memref<1x4x128xi32, #tpu.memory_space<hbm>> -> memref<4x128xi32, #tpu.memory_space<hbm>>
      %dma_start3A_59 = arith.constant 0 : i32
      %dma_start3A_60 = arith.constant 0 : i32
      %dma_start3A_61 = tpu.memref_slice %arg10[%run_scoped3A_39, %dma_start3A_59, %dma_start3A_60] : memref<20x4x128xi32, #tpu.memory_space<vmem>> -> memref<1x4x128xi32, #tpu.memory_space<vmem>>
      %dma_start3A_62 = tpu.memref_squeeze %dma_start3A_61 : memref<1x4x128xi32, #tpu.memory_space<vmem>> -> memref<4x128xi32, #tpu.memory_space<vmem>>
      %dma_start3A_63 = arith.constant 0 : i32
      %dma_start3A_64 = tpu.memref_slice %arg4[%run_scoped3A_38, %mul3A_2, %dma_start3A_63] : memref<20x128x128xi32, #tpu.memory_space<hbm>> -> memref<1x4x128xi32, #tpu.memory_space<hbm>>
      %dma_start3A_65 = tpu.memref_squeeze %dma_start3A_64 : memref<1x4x128xi32, #tpu.memory_space<hbm>> -> memref<4x128xi32, #tpu.memory_space<hbm>>
      tpu.enqueue_dma source(%dma_start3A_65 : memref<4x128xi32, #tpu.memory_space<hbm>>) target(%dma_start3A_62 : memref<4x128xi32, #tpu.memory_space<vmem>>) target_semaphore(%run_scoped3A_52 : memref<!tpu.dma_semaphore, #tpu.memory_space<semaphore_mem>>)
      %dma_wait3A = arith.constant 0 : i32
      %dma_wait3A_66 = arith.constant 0 : i32
      %dma_wait3A_67 = tpu.memref_slice %arg10[%run_scoped3A_39, %dma_wait3A, %dma_wait3A_66] : memref<20x4x128xi32, #tpu.memory_space<vmem>> -> memref<1x4x128xi32, #tpu.memory_space<vmem>>
      %dma_wait3A_68 = tpu.memref_squeeze %dma_wait3A_67 : memref<1x4x128xi32, #tpu.memory_space<vmem>> -> memref<4x128xi32, #tpu.memory_space<vmem>>
      %dma_wait3A_69 = arith.constant 0 : i32
      %dma_wait3A_70 = tpu.memref_slice %arg4[%run_scoped3A_38, %mul3A_2, %dma_wait3A_69] : memref<20x128x128xi32, #tpu.memory_space<hbm>> -> memref<1x4x128xi32, #tpu.memory_space<hbm>>
      %dma_wait3A_71 = tpu.memref_squeeze %dma_wait3A_70 : memref<1x4x128xi32, #tpu.memory_space<hbm>> -> memref<4x128xi32, #tpu.memory_space<hbm>>
      %dma_wait3A_72 = arith.constant 0 : i32
      %dma_wait3A_73 = arith.constant 0 : i32
      %dma_wait3A_74 = tpu.memref_slice %arg10[%run_scoped3A_39, %dma_wait3A_72, %dma_wait3A_73] : memref<20x4x128xi32, #tpu.memory_space<vmem>> -> memref<1x4x128xi32, #tpu.memory_space<vmem>>
      %dma_wait3A_75 = tpu.memref_squeeze %dma_wait3A_74 : memref<1x4x128xi32, #tpu.memory_space<vmem>> -> memref<4x128xi32, #tpu.memory_space<vmem>>
      %dma_wait3A_76 = arith.constant 0 : i32
      %dma_wait3A_77 = tpu.memref_slice %arg4[%run_scoped3A_38, %mul3A_2, %dma_wait3A_76] : memref<20x128x128xi32, #tpu.memory_space<hbm>> -> memref<1x4x128xi32, #tpu.memory_space<hbm>>
      %dma_wait3A_78 = tpu.memref_squeeze %dma_wait3A_77 : memref<1x4x128xi32, #tpu.memory_space<hbm>> -> memref<4x128xi32, #tpu.memory_space<hbm>>
      tpu.wait_dma2 semaphore(%run_scoped3A_52 : memref<!tpu.dma_semaphore, #tpu.memory_space<semaphore_mem>>) src(%dma_wait3A_78 : memref<4x128xi32, #tpu.memory_space<hbm>>) dst(%dma_wait3A_75 : memref<4x128xi32, #tpu.memory_space<vmem>>)
      tpu.yield
    }) : () -> ()
    %run_scoped3A_40 = arith.constant 19 : i32
    %run_scoped3A_41 = arith.constant 19 : i32
    "tpu.region"() ({
      %run_scoped3A_52 = tpu.sem_alloc : memref<!tpu.dma_semaphore, #tpu.memory_space<semaphore_mem>>
      %dma_start3A = arith.constant 0 : i32
      %dma_start3A_53 = arith.constant 0 : i32
      %dma_start3A_54 = tpu.memref_slice %arg10[%run_scoped3A_41, %dma_start3A, %dma_start3A_53] : memref<20x4x128xi32, #tpu.memory_space<vmem>> -> memref<1x4x128xi32, #tpu.memory_space<vmem>>
      %dma_start3A_55 = tpu.memref_squeeze %dma_start3A_54 : memref<1x4x128xi32, #tpu.memory_space<vmem>> -> memref<4x128xi32, #tpu.memory_space<vmem>>
      %dma_start3A_56 = arith.constant 0 : i32
      %dma_start3A_57 = tpu.memref_slice %arg4[%run_scoped3A_40, %mul3A_2, %dma_start3A_56] : memref<20x128x128xi32, #tpu.memory_space<hbm>> -> memref<1x4x128xi32, #tpu.memory_space<hbm>>
      %dma_start3A_58 = tpu.memref_squeeze %dma_start3A_57 : memref<1x4x128xi32, #tpu.memory_space<hbm>> -> memref<4x128xi32, #tpu.memory_space<hbm>>
      %dma_start3A_59 = arith.constant 0 : i32
      %dma_start3A_60 = arith.constant 0 : i32
      %dma_start3A_61 = tpu.memref_slice %arg10[%run_scoped3A_41, %dma_start3A_59, %dma_start3A_60] : memref<20x4x128xi32, #tpu.memory_space<vmem>> -> memref<1x4x128xi32, #tpu.memory_space<vmem>>
      %dma_start3A_62 = tpu.memref_squeeze %dma_start3A_61 : memref<1x4x128xi32, #tpu.memory_space<vmem>> -> memref<4x128xi32, #tpu.memory_space<vmem>>
      %dma_start3A_63 = arith.constant 0 : i32
      %dma_start3A_64 = tpu.memref_slice %arg4[%run_scoped3A_40, %mul3A_2, %dma_start3A_63] : memref<20x128x128xi32, #tpu.memory_space<hbm>> -> memref<1x4x128xi32, #tpu.memory_space<hbm>>
      %dma_start3A_65 = tpu.memref_squeeze %dma_start3A_64 : memref<1x4x128xi32, #tpu.memory_space<hbm>> -> memref<4x128xi32, #tpu.memory_space<hbm>>
      tpu.enqueue_dma source(%dma_start3A_65 : memref<4x128xi32, #tpu.memory_space<hbm>>) target(%dma_start3A_62 : memref<4x128xi32, #tpu.memory_space<vmem>>) target_semaphore(%run_scoped3A_52 : memref<!tpu.dma_semaphore, #tpu.memory_space<semaphore_mem>>)
      %dma_wait3A = arith.constant 0 : i32
      %dma_wait3A_66 = arith.constant 0 : i32
      %dma_wait3A_67 = tpu.memref_slice %arg10[%run_scoped3A_41, %dma_wait3A, %dma_wait3A_66] : memref<20x4x128xi32, #tpu.memory_space<vmem>> -> memref<1x4x128xi32, #tpu.memory_space<vmem>>
      %dma_wait3A_68 = tpu.memref_squeeze %dma_wait3A_67 : memref<1x4x128xi32, #tpu.memory_space<vmem>> -> memref<4x128xi32, #tpu.memory_space<vmem>>
      %dma_wait3A_69 = arith.constant 0 : i32
      %dma_wait3A_70 = tpu.memref_slice %arg4[%run_scoped3A_40, %mul3A_2, %dma_wait3A_69] : memref<20x128x128xi32, #tpu.memory_space<hbm>> -> memref<1x4x128xi32, #tpu.memory_space<hbm>>
      %dma_wait3A_71 = tpu.memref_squeeze %dma_wait3A_70 : memref<1x4x128xi32, #tpu.memory_space<hbm>> -> memref<4x128xi32, #tpu.memory_space<hbm>>
      %dma_wait3A_72 = arith.constant 0 : i32
      %dma_wait3A_73 = arith.constant 0 : i32
      %dma_wait3A_74 = tpu.memref_slice %arg10[%run_scoped3A_41, %dma_wait3A_72, %dma_wait3A_73] : memref<20x4x128xi32, #tpu.memory_space<vmem>> -> memref<1x4x128xi32, #tpu.memory_space<vmem>>
      %dma_wait3A_75 = tpu.memref_squeeze %dma_wait3A_74 : memref<1x4x128xi32, #tpu.memory_space<vmem>> -> memref<4x128xi32, #tpu.memory_space<vmem>>
      %dma_wait3A_76 = arith.constant 0 : i32
      %dma_wait3A_77 = tpu.memref_slice %arg4[%run_scoped3A_40, %mul3A_2, %dma_wait3A_76] : memref<20x128x128xi32, #tpu.memory_space<hbm>> -> memref<1x4x128xi32, #tpu.memory_space<hbm>>
      %dma_wait3A_78 = tpu.memref_squeeze %dma_wait3A_77 : memref<1x4x128xi32, #tpu.memory_space<hbm>> -> memref<4x128xi32, #tpu.memory_space<hbm>>
      tpu.wait_dma2 semaphore(%run_scoped3A_52 : memref<!tpu.dma_semaphore, #tpu.memory_space<semaphore_mem>>) src(%dma_wait3A_78 : memref<4x128xi32, #tpu.memory_space<hbm>>) dst(%dma_wait3A_75 : memref<4x128xi32, #tpu.memory_space<vmem>>)
      tpu.yield
    }) : () -> ()
    %scan3A = arith.constant 0 : i32
    %scan3A_42 = arith.constant 0 : i32
    %scan3A_43 = arith.constant 16 : i32
    %scan3A_44 = arith.addi %scan3A_42, %scan3A_43 : i32
    %scan3A_45 = arith.constant 1 : i32
    %scan3A_46 = scf.for %scan3A_52 = %scan3A_42 to %scan3A_44 step %scan3A_45 iter_args(%scan3A_53 = %scan3A) -> (i32)  : i32 {
      %mul3A_54 = arith.constant 32 : i32
      %mul3A_55 = arith.muli %scan3A_52, %mul3A_54 : i32
      %shift_right_logical3A = arith.constant 2 : i32
      %shift_right_logical3A_56 = arith.shrui %scan3A_52, %shift_right_logical3A : i32
      %rem3A = arith.constant 4 : i32
      %rem3A_57 = arith.remsi %scan3A_52, %rem3A : i32
      %mul3A_58 = arith.constant 32 : i32
      %mul3A_59 = arith.muli %rem3A_57, %mul3A_58 : i32
      %dma_start3A = tpu.memref_slice %arg8[%shift_right_logical3A_56, %mul3A_59] : memref<4x128xi32, #tpu.memory_space<vmem>> -> memref<1x32xi32, #tpu.memory_space<vmem>>
      %dma_start3A_60 = tpu.memref_squeeze %dma_start3A : memref<1x32xi32, #tpu.memory_space<vmem>> -> memref<32xi32, #tpu.memory_space<vmem>>
      %dma_start3A_61 = arith.constant 0 : i32
      %dma_start3A_62 = arith.constant 0 : i32
      %dma_start3A_63 = tpu.memref_slice %arg5[%dma_start3A_61, %dma_start3A_62] : memref<1000000x128xf32, #tpu.memory_space<hbm>> -> memref<1000000x128xf32, #tpu.memory_space<hbm>>
      tpu.enqueue_indirect_dma source(%dma_start3A_63 : memref<1000000x128xf32, #tpu.memory_space<hbm>>) target(%arg11 : memref<32x128xf32, #tpu.memory_space<vmem>>) offsets(%dma_start3A_60 : memref<32xi32, #tpu.memory_space<vmem>>) semaphore(%arg16 : memref<!tpu.dma_semaphore, #tpu.memory_space<semaphore_mem>>)
      %dma_start3A_64 = tpu.memref_slice %arg9[%shift_right_logical3A_56, %mul3A_59] : memref<4x128xi32, #tpu.memory_space<vmem>> -> memref<1x32xi32, #tpu.memory_space<vmem>>
      %dma_start3A_65 = tpu.memref_squeeze %dma_start3A_64 : memref<1x32xi32, #tpu.memory_space<vmem>> -> memref<32xi32, #tpu.memory_space<vmem>>
      %dma_start3A_66 = arith.constant 0 : i32
      %dma_start3A_67 = arith.constant 0 : i32
      %dma_start3A_68 = tpu.memref_slice %arg5[%dma_start3A_66, %dma_start3A_67] : memref<1000000x128xf32, #tpu.memory_space<hbm>> -> memref<1000000x128xf32, #tpu.memory_space<hbm>>
      tpu.enqueue_indirect_dma source(%dma_start3A_68 : memref<1000000x128xf32, #tpu.memory_space<hbm>>) target(%arg12 : memref<32x128xf32, #tpu.memory_space<vmem>>) offsets(%dma_start3A_65 : memref<32xi32, #tpu.memory_space<vmem>>) semaphore(%arg16 : memref<!tpu.dma_semaphore, #tpu.memory_space<semaphore_mem>>)
      %dma_start3A_69 = arith.constant 0 : i32
      %dma_start3A_70 = arith.constant 0 : i32
      %dma_start3A_71 = arith.constant 0 : i32
      %dma_start3A_72 = tpu.memref_slice %arg13[%dma_start3A_70, %dma_start3A_71] : memref<640x128xf32, #tpu.memory_space<vmem>> -> memref<32x128xf32, #tpu.memory_space<vmem>>
      %dma_start3A_73 = tpu.memref_slice %arg10[%dma_start3A_69, %shift_right_logical3A_56, %mul3A_59] : memref<20x4x128xi32, #tpu.memory_space<vmem>> -> memref<1x1x32xi32, #tpu.memory_space<vmem>>
      %dma_start3A_74 = tpu.memref_squeeze %dma_start3A_73 : memref<1x1x32xi32, #tpu.memory_space<vmem>> -> memref<32xi32, #tpu.memory_space<vmem>>
      %dma_start3A_75 = arith.constant 0 : i32
      %dma_start3A_76 = arith.constant 0 : i32
      %dma_start3A_77 = tpu.memref_slice %arg5[%dma_start3A_75, %dma_start3A_76] : memref<1000000x128xf32, #tpu.memory_space<hbm>> -> memref<1000000x128xf32, #tpu.memory_space<hbm>>
      tpu.enqueue_indirect_dma source(%dma_start3A_77 : memref<1000000x128xf32, #tpu.memory_space<hbm>>) target(%dma_start3A_72 : memref<32x128xf32, #tpu.memory_space<vmem>>) offsets(%dma_start3A_74 : memref<32xi32, #tpu.memory_space<vmem>>) semaphore(%arg16 : memref<!tpu.dma_semaphore, #tpu.memory_space<semaphore_mem>>)
      %dma_start3A_78 = arith.constant 1 : i32
      %dma_start3A_79 = arith.constant 32 : i32
      %dma_start3A_80 = arith.constant 0 : i32
      %dma_start3A_81 = tpu.memref_slice %arg13[%dma_start3A_79, %dma_start3A_80] : memref<640x128xf32, #tpu.memory_space<vmem>> -> memref<32x128xf32, #tpu.memory_space<vmem>>
      %dma_start3A_82 = tpu.memref_slice %arg10[%dma_start3A_78, %shift_right_logical3A_56, %mul3A_59] : memref<20x4x128xi32, #tpu.memory_space<vmem>> -> memref<1x1x32xi32, #tpu.memory_space<vmem>>
      %dma_start3A_83 = tpu.memref_squeeze %dma_start3A_82 : memref<1x1x32xi32, #tpu.memory_space<vmem>> -> memref<32xi32, #tpu.memory_space<vmem>>
      %dma_start3A_84 = arith.constant 0 : i32
      %dma_start3A_85 = arith.constant 0 : i32
      %dma_start3A_86 = tpu.memref_slice %arg5[%dma_start3A_84, %dma_start3A_85] : memref<1000000x128xf32, #tpu.memory_space<hbm>> -> memref<1000000x128xf32, #tpu.memory_space<hbm>>
      tpu.enqueue_indirect_dma source(%dma_start3A_86 : memref<1000000x128xf32, #tpu.memory_space<hbm>>) target(%dma_start3A_81 : memref<32x128xf32, #tpu.memory_space<vmem>>) offsets(%dma_start3A_83 : memref<32xi32, #tpu.memory_space<vmem>>) semaphore(%arg16 : memref<!tpu.dma_semaphore, #tpu.memory_space<semaphore_mem>>)
      %dma_start3A_87 = arith.constant 2 : i32
      %dma_start3A_88 = arith.constant 64 : i32
      %dma_start3A_89 = arith.constant 0 : i32
      %dma_start3A_90 = tpu.memref_slice %arg13[%dma_start3A_88, %dma_start3A_89] : memref<640x128xf32, #tpu.memory_space<vmem>> -> memref<32x128xf32, #tpu.memory_space<vmem>>
      %dma_start3A_91 = tpu.memref_slice %arg10[%dma_start3A_87, %shift_right_logical3A_56, %mul3A_59] : memref<20x4x128xi32, #tpu.memory_space<vmem>> -> memref<1x1x32xi32, #tpu.memory_space<vmem>>
      %dma_start3A_92 = tpu.memref_squeeze %dma_start3A_91 : memref<1x1x32xi32, #tpu.memory_space<vmem>> -> memref<32xi32, #tpu.memory_space<vmem>>
      %dma_start3A_93 = arith.constant 0 : i32
      %dma_start3A_94 = arith.constant 0 : i32
      %dma_start3A_95 = tpu.memref_slice %arg5[%dma_start3A_93, %dma_start3A_94] : memref<1000000x128xf32, #tpu.memory_space<hbm>> -> memref<1000000x128xf32, #tpu.memory_space<hbm>>
      tpu.enqueue_indirect_dma source(%dma_start3A_95 : memref<1000000x128xf32, #tpu.memory_space<hbm>>) target(%dma_start3A_90 : memref<32x128xf32, #tpu.memory_space<vmem>>) offsets(%dma_start3A_92 : memref<32xi32, #tpu.memory_space<vmem>>) semaphore(%arg16 : memref<!tpu.dma_semaphore, #tpu.memory_space<semaphore_mem>>)
      %dma_start3A_96 = arith.constant 3 : i32
      %dma_start3A_97 = arith.constant 96 : i32
      %dma_start3A_98 = arith.constant 0 : i32
      %dma_start3A_99 = tpu.memref_slice %arg13[%dma_start3A_97, %dma_start3A_98] : memref<640x128xf32, #tpu.memory_space<vmem>> -> memref<32x128xf32, #tpu.memory_space<vmem>>
      %dma_start3A_100 = tpu.memref_slice %arg10[%dma_start3A_96, %shift_right_logical3A_56, %mul3A_59] : memref<20x4x128xi32, #tpu.memory_space<vmem>> -> memref<1x1x32xi32, #tpu.memory_space<vmem>>
      %dma_start3A_101 = tpu.memref_squeeze %dma_start3A_100 : memref<1x1x32xi32, #tpu.memory_space<vmem>> -> memref<32xi32, #tpu.memory_space<vmem>>
      %dma_start3A_102 = arith.constant 0 : i32
      %dma_start3A_103 = arith.constant 0 : i32
      %dma_start3A_104 = tpu.memref_slice %arg5[%dma_start3A_102, %dma_start3A_103] : memref<1000000x128xf32, #tpu.memory_space<hbm>> -> memref<1000000x128xf32, #tpu.memory_space<hbm>>
      tpu.enqueue_indirect_dma source(%dma_start3A_104 : memref<1000000x128xf32, #tpu.memory_space<hbm>>) target(%dma_start3A_99 : memref<32x128xf32, #tpu.memory_space<vmem>>) offsets(%dma_start3A_101 : memref<32xi32, #tpu.memory_space<vmem>>) semaphore(%arg16 : memref<!tpu.dma_semaphore, #tpu.memory_space<semaphore_mem>>)
      %dma_start3A_105 = arith.constant 4 : i32
      %dma_start3A_106 = arith.constant 128 : i32
      %dma_start3A_107 = arith.constant 0 : i32
      %dma_start3A_108 = tpu.memref_slice %arg13[%dma_start3A_106, %dma_start3A_107] : memref<640x128xf32, #tpu.memory_space<vmem>> -> memref<32x128xf32, #tpu.memory_space<vmem>>
      %dma_start3A_109 = tpu.memref_slice %arg10[%dma_start3A_105, %shift_right_logical3A_56, %mul3A_59] : memref<20x4x128xi32, #tpu.memory_space<vmem>> -> memref<1x1x32xi32, #tpu.memory_space<vmem>>
      %dma_start3A_110 = tpu.memref_squeeze %dma_start3A_109 : memref<1x1x32xi32, #tpu.memory_space<vmem>> -> memref<32xi32, #tpu.memory_space<vmem>>
      %dma_start3A_111 = arith.constant 0 : i32
      %dma_start3A_112 = arith.constant 0 : i32
      %dma_start3A_113 = tpu.memref_slice %arg5[%dma_start3A_111, %dma_start3A_112] : memref<1000000x128xf32, #tpu.memory_space<hbm>> -> memref<1000000x128xf32, #tpu.memory_space<hbm>>
      tpu.enqueue_indirect_dma source(%dma_start3A_113 : memref<1000000x128xf32, #tpu.memory_space<hbm>>) target(%dma_start3A_108 : memref<32x128xf32, #tpu.memory_space<vmem>>) offsets(%dma_start3A_110 : memref<32xi32, #tpu.memory_space<vmem>>) semaphore(%arg16 : memref<!tpu.dma_semaphore, #tpu.memory_space<semaphore_mem>>)
      %dma_start3A_114 = arith.constant 5 : i32
      %dma_start3A_115 = arith.constant 160 : i32
      %dma_start3A_116 = arith.constant 0 : i32
      %dma_start3A_117 = tpu.memref_slice %arg13[%dma_start3A_115, %dma_start3A_116] : memref<640x128xf32, #tpu.memory_space<vmem>> -> memref<32x128xf32, #tpu.memory_space<vmem>>
      %dma_start3A_118 = tpu.memref_slice %arg10[%dma_start3A_114, %shift_right_logical3A_56, %mul3A_59] : memref<20x4x128xi32, #tpu.memory_space<vmem>> -> memref<1x1x32xi32, #tpu.memory_space<vmem>>
      %dma_start3A_119 = tpu.memref_squeeze %dma_start3A_118 : memref<1x1x32xi32, #tpu.memory_space<vmem>> -> memref<32xi32, #tpu.memory_space<vmem>>
      %dma_start3A_120 = arith.constant 0 : i32
      %dma_start3A_121 = arith.constant 0 : i32
      %dma_start3A_122 = tpu.memref_slice %arg5[%dma_start3A_120, %dma_start3A_121] : memref<1000000x128xf32, #tpu.memory_space<hbm>> -> memref<1000000x128xf32, #tpu.memory_space<hbm>>
      tpu.enqueue_indirect_dma source(%dma_start3A_122 : memref<1000000x128xf32, #tpu.memory_space<hbm>>) target(%dma_start3A_117 : memref<32x128xf32, #tpu.memory_space<vmem>>) offsets(%dma_start3A_119 : memref<32xi32, #tpu.memory_space<vmem>>) semaphore(%arg16 : memref<!tpu.dma_semaphore, #tpu.memory_space<semaphore_mem>>)
      %dma_start3A_123 = arith.constant 6 : i32
      %dma_start3A_124 = arith.constant 192 : i32
      %dma_start3A_125 = arith.constant 0 : i32
      %dma_start3A_126 = tpu.memref_slice %arg13[%dma_start3A_124, %dma_start3A_125] : memref<640x128xf32, #tpu.memory_space<vmem>> -> memref<32x128xf32, #tpu.memory_space<vmem>>
      %dma_start3A_127 = tpu.memref_slice %arg10[%dma_start3A_123, %shift_right_logical3A_56, %mul3A_59] : memref<20x4x128xi32, #tpu.memory_space<vmem>> -> memref<1x1x32xi32, #tpu.memory_space<vmem>>
      %dma_start3A_128 = tpu.memref_squeeze %dma_start3A_127 : memref<1x1x32xi32, #tpu.memory_space<vmem>> -> memref<32xi32, #tpu.memory_space<vmem>>
      %dma_start3A_129 = arith.constant 0 : i32
      %dma_start3A_130 = arith.constant 0 : i32
      %dma_start3A_131 = tpu.memref_slice %arg5[%dma_start3A_129, %dma_start3A_130] : memref<1000000x128xf32, #tpu.memory_space<hbm>> -> memref<1000000x128xf32, #tpu.memory_space<hbm>>
      tpu.enqueue_indirect_dma source(%dma_start3A_131 : memref<1000000x128xf32, #tpu.memory_space<hbm>>) target(%dma_start3A_126 : memref<32x128xf32, #tpu.memory_space<vmem>>) offsets(%dma_start3A_128 : memref<32xi32, #tpu.memory_space<vmem>>) semaphore(%arg16 : memref<!tpu.dma_semaphore, #tpu.memory_space<semaphore_mem>>)
      %dma_start3A_132 = arith.constant 7 : i32
      %dma_start3A_133 = arith.constant 224 : i32
      %dma_start3A_134 = arith.constant 0 : i32
      %dma_start3A_135 = tpu.memref_slice %arg13[%dma_start3A_133, %dma_start3A_134] : memref<640x128xf32, #tpu.memory_space<vmem>> -> memref<32x128xf32, #tpu.memory_space<vmem>>
      %dma_start3A_136 = tpu.memref_slice %arg10[%dma_start3A_132, %shift_right_logical3A_56, %mul3A_59] : memref<20x4x128xi32, #tpu.memory_space<vmem>> -> memref<1x1x32xi32, #tpu.memory_space<vmem>>
      %dma_start3A_137 = tpu.memref_squeeze %dma_start3A_136 : memref<1x1x32xi32, #tpu.memory_space<vmem>> -> memref<32xi32, #tpu.memory_space<vmem>>
      %dma_start3A_138 = arith.constant 0 : i32
      %dma_start3A_139 = arith.constant 0 : i32
      %dma_start3A_140 = tpu.memref_slice %arg5[%dma_start3A_138, %dma_start3A_139] : memref<1000000x128xf32, #tpu.memory_space<hbm>> -> memref<1000000x128xf32, #tpu.memory_space<hbm>>
      tpu.enqueue_indirect_dma source(%dma_start3A_140 : memref<1000000x128xf32, #tpu.memory_space<hbm>>) target(%dma_start3A_135 : memref<32x128xf32, #tpu.memory_space<vmem>>) offsets(%dma_start3A_137 : memref<32xi32, #tpu.memory_space<vmem>>) semaphore(%arg16 : memref<!tpu.dma_semaphore, #tpu.memory_space<semaphore_mem>>)
      %dma_start3A_141 = arith.constant 8 : i32
      %dma_start3A_142 = arith.constant 256 : i32
      %dma_start3A_143 = arith.constant 0 : i32
      %dma_start3A_144 = tpu.memref_slice %arg13[%dma_start3A_142, %dma_start3A_143] : memref<640x128xf32, #tpu.memory_space<vmem>> -> memref<32x128xf32, #tpu.memory_space<vmem>>
      %dma_start3A_145 = tpu.memref_slice %arg10[%dma_start3A_141, %shift_right_logical3A_56, %mul3A_59] : memref<20x4x128xi32, #tpu.memory_space<vmem>> -> memref<1x1x32xi32, #tpu.memory_space<vmem>>
      %dma_start3A_146 = tpu.memref_squeeze %dma_start3A_145 : memref<1x1x32xi32, #tpu.memory_space<vmem>> -> memref<32xi32, #tpu.memory_space<vmem>>
      %dma_start3A_147 = arith.constant 0 : i32
      %dma_start3A_148 = arith.constant 0 : i32
      %dma_start3A_149 = tpu.memref_slice %arg5[%dma_start3A_147, %dma_start3A_148] : memref<1000000x128xf32, #tpu.memory_space<hbm>> -> memref<1000000x128xf32, #tpu.memory_space<hbm>>
      tpu.enqueue_indirect_dma source(%dma_start3A_149 : memref<1000000x128xf32, #tpu.memory_space<hbm>>) target(%dma_start3A_144 : memref<32x128xf32, #tpu.memory_space<vmem>>) offsets(%dma_start3A_146 : memref<32xi32, #tpu.memory_space<vmem>>) semaphore(%arg16 : memref<!tpu.dma_semaphore, #tpu.memory_space<semaphore_mem>>)
      %dma_start3A_150 = arith.constant 9 : i32
      %dma_start3A_151 = arith.constant 288 : i32
      %dma_start3A_152 = arith.constant 0 : i32
      %dma_start3A_153 = tpu.memref_slice %arg13[%dma_start3A_151, %dma_start3A_152] : memref<640x128xf32, #tpu.memory_space<vmem>> -> memref<32x128xf32, #tpu.memory_space<vmem>>
      %dma_start3A_154 = tpu.memref_slice %arg10[%dma_start3A_150, %shift_right_logical3A_56, %mul3A_59] : memref<20x4x128xi32, #tpu.memory_space<vmem>> -> memref<1x1x32xi32, #tpu.memory_space<vmem>>
      %dma_start3A_155 = tpu.memref_squeeze %dma_start3A_154 : memref<1x1x32xi32, #tpu.memory_space<vmem>> -> memref<32xi32, #tpu.memory_space<vmem>>
      %dma_start3A_156 = arith.constant 0 : i32
      %dma_start3A_157 = arith.constant 0 : i32
      %dma_start3A_158 = tpu.memref_slice %arg5[%dma_start3A_156, %dma_start3A_157] : memref<1000000x128xf32, #tpu.memory_space<hbm>> -> memref<1000000x128xf32, #tpu.memory_space<hbm>>
      tpu.enqueue_indirect_dma source(%dma_start3A_158 : memref<1000000x128xf32, #tpu.memory_space<hbm>>) target(%dma_start3A_153 : memref<32x128xf32, #tpu.memory_space<vmem>>) offsets(%dma_start3A_155 : memref<32xi32, #tpu.memory_space<vmem>>) semaphore(%arg16 : memref<!tpu.dma_semaphore, #tpu.memory_space<semaphore_mem>>)
      %dma_start3A_159 = arith.constant 10 : i32
      %dma_start3A_160 = arith.constant 320 : i32
      %dma_start3A_161 = arith.constant 0 : i32
      %dma_start3A_162 = tpu.memref_slice %arg13[%dma_start3A_160, %dma_start3A_161] : memref<640x128xf32, #tpu.memory_space<vmem>> -> memref<32x128xf32, #tpu.memory_space<vmem>>
      %dma_start3A_163 = tpu.memref_slice %arg10[%dma_start3A_159, %shift_right_logical3A_56, %mul3A_59] : memref<20x4x128xi32, #tpu.memory_space<vmem>> -> memref<1x1x32xi32, #tpu.memory_space<vmem>>
      %dma_start3A_164 = tpu.memref_squeeze %dma_start3A_163 : memref<1x1x32xi32, #tpu.memory_space<vmem>> -> memref<32xi32, #tpu.memory_space<vmem>>
      %dma_start3A_165 = arith.constant 0 : i32
      %dma_start3A_166 = arith.constant 0 : i32
      %dma_start3A_167 = tpu.memref_slice %arg5[%dma_start3A_165, %dma_start3A_166] : memref<1000000x128xf32, #tpu.memory_space<hbm>> -> memref<1000000x128xf32, #tpu.memory_space<hbm>>
      tpu.enqueue_indirect_dma source(%dma_start3A_167 : memref<1000000x128xf32, #tpu.memory_space<hbm>>) target(%dma_start3A_162 : memref<32x128xf32, #tpu.memory_space<vmem>>) offsets(%dma_start3A_164 : memref<32xi32, #tpu.memory_space<vmem>>) semaphore(%arg16 : memref<!tpu.dma_semaphore, #tpu.memory_space<semaphore_mem>>)
      %dma_start3A_168 = arith.constant 11 : i32
      %dma_start3A_169 = arith.constant 352 : i32
      %dma_start3A_170 = arith.constant 0 : i32
      %dma_start3A_171 = tpu.memref_slice %arg13[%dma_start3A_169, %dma_start3A_170] : memref<640x128xf32, #tpu.memory_space<vmem>> -> memref<32x128xf32, #tpu.memory_space<vmem>>
      %dma_start3A_172 = tpu.memref_slice %arg10[%dma_start3A_168, %shift_right_logical3A_56, %mul3A_59] : memref<20x4x128xi32, #tpu.memory_space<vmem>> -> memref<1x1x32xi32, #tpu.memory_space<vmem>>
      %dma_start3A_173 = tpu.memref_squeeze %dma_start3A_172 : memref<1x1x32xi32, #tpu.memory_space<vmem>> -> memref<32xi32, #tpu.memory_space<vmem>>
      %dma_start3A_174 = arith.constant 0 : i32
      %dma_start3A_175 = arith.constant 0 : i32
      %dma_start3A_176 = tpu.memref_slice %arg5[%dma_start3A_174, %dma_start3A_175] : memref<1000000x128xf32, #tpu.memory_space<hbm>> -> memref<1000000x128xf32, #tpu.memory_space<hbm>>
      tpu.enqueue_indirect_dma source(%dma_start3A_176 : memref<1000000x128xf32, #tpu.memory_space<hbm>>) target(%dma_start3A_171 : memref<32x128xf32, #tpu.memory_space<vmem>>) offsets(%dma_start3A_173 : memref<32xi32, #tpu.memory_space<vmem>>) semaphore(%arg16 : memref<!tpu.dma_semaphore, #tpu.memory_space<semaphore_mem>>)
      %dma_start3A_177 = arith.constant 12 : i32
      %dma_start3A_178 = arith.constant 384 : i32
      %dma_start3A_179 = arith.constant 0 : i32
      %dma_start3A_180 = tpu.memref_slice %arg13[%dma_start3A_178, %dma_start3A_179] : memref<640x128xf32, #tpu.memory_space<vmem>> -> memref<32x128xf32, #tpu.memory_space<vmem>>
      %dma_start3A_181 = tpu.memref_slice %arg10[%dma_start3A_177, %shift_right_logical3A_56, %mul3A_59] : memref<20x4x128xi32, #tpu.memory_space<vmem>> -> memref<1x1x32xi32, #tpu.memory_space<vmem>>
      %dma_start3A_182 = tpu.memref_squeeze %dma_start3A_181 : memref<1x1x32xi32, #tpu.memory_space<vmem>> -> memref<32xi32, #tpu.memory_space<vmem>>
      %dma_start3A_183 = arith.constant 0 : i32
      %dma_start3A_184 = arith.constant 0 : i32
      %dma_start3A_185 = tpu.memref_slice %arg5[%dma_start3A_183, %dma_start3A_184] : memref<1000000x128xf32, #tpu.memory_space<hbm>> -> memref<1000000x128xf32, #tpu.memory_space<hbm>>
      tpu.enqueue_indirect_dma source(%dma_start3A_185 : memref<1000000x128xf32, #tpu.memory_space<hbm>>) target(%dma_start3A_180 : memref<32x128xf32, #tpu.memory_space<vmem>>) offsets(%dma_start3A_182 : memref<32xi32, #tpu.memory_space<vmem>>) semaphore(%arg16 : memref<!tpu.dma_semaphore, #tpu.memory_space<semaphore_mem>>)
      %dma_start3A_186 = arith.constant 13 : i32
      %dma_start3A_187 = arith.constant 416 : i32
      %dma_start3A_188 = arith.constant 0 : i32
      %dma_start3A_189 = tpu.memref_slice %arg13[%dma_start3A_187, %dma_start3A_188] : memref<640x128xf32, #tpu.memory_space<vmem>> -> memref<32x128xf32, #tpu.memory_space<vmem>>
      %dma_start3A_190 = tpu.memref_slice %arg10[%dma_start3A_186, %shift_right_logical3A_56, %mul3A_59] : memref<20x4x128xi32, #tpu.memory_space<vmem>> -> memref<1x1x32xi32, #tpu.memory_space<vmem>>
      %dma_start3A_191 = tpu.memref_squeeze %dma_start3A_190 : memref<1x1x32xi32, #tpu.memory_space<vmem>> -> memref<32xi32, #tpu.memory_space<vmem>>
      %dma_start3A_192 = arith.constant 0 : i32
      %dma_start3A_193 = arith.constant 0 : i32
      %dma_start3A_194 = tpu.memref_slice %arg5[%dma_start3A_192, %dma_start3A_193] : memref<1000000x128xf32, #tpu.memory_space<hbm>> -> memref<1000000x128xf32, #tpu.memory_space<hbm>>
      tpu.enqueue_indirect_dma source(%dma_start3A_194 : memref<1000000x128xf32, #tpu.memory_space<hbm>>) target(%dma_start3A_189 : memref<32x128xf32, #tpu.memory_space<vmem>>) offsets(%dma_start3A_191 : memref<32xi32, #tpu.memory_space<vmem>>) semaphore(%arg16 : memref<!tpu.dma_semaphore, #tpu.memory_space<semaphore_mem>>)
      %dma_start3A_195 = arith.constant 14 : i32
      %dma_start3A_196 = arith.constant 448 : i32
      %dma_start3A_197 = arith.constant 0 : i32
      %dma_start3A_198 = tpu.memref_slice %arg13[%dma_start3A_196, %dma_start3A_197] : memref<640x128xf32, #tpu.memory_space<vmem>> -> memref<32x128xf32, #tpu.memory_space<vmem>>
      %dma_start3A_199 = tpu.memref_slice %arg10[%dma_start3A_195, %shift_right_logical3A_56, %mul3A_59] : memref<20x4x128xi32, #tpu.memory_space<vmem>> -> memref<1x1x32xi32, #tpu.memory_space<vmem>>
      %dma_start3A_200 = tpu.memref_squeeze %dma_start3A_199 : memref<1x1x32xi32, #tpu.memory_space<vmem>> -> memref<32xi32, #tpu.memory_space<vmem>>
      %dma_start3A_201 = arith.constant 0 : i32
      %dma_start3A_202 = arith.constant 0 : i32
      %dma_start3A_203 = tpu.memref_slice %arg5[%dma_start3A_201, %dma_start3A_202] : memref<1000000x128xf32, #tpu.memory_space<hbm>> -> memref<1000000x128xf32, #tpu.memory_space<hbm>>
      tpu.enqueue_indirect_dma source(%dma_start3A_203 : memref<1000000x128xf32, #tpu.memory_space<hbm>>) target(%dma_start3A_198 : memref<32x128xf32, #tpu.memory_space<vmem>>) offsets(%dma_start3A_200 : memref<32xi32, #tpu.memory_space<vmem>>) semaphore(%arg16 : memref<!tpu.dma_semaphore, #tpu.memory_space<semaphore_mem>>)
      %dma_start3A_204 = arith.constant 15 : i32
      %dma_start3A_205 = arith.constant 480 : i32
      %dma_start3A_206 = arith.constant 0 : i32
      %dma_start3A_207 = tpu.memref_slice %arg13[%dma_start3A_205, %dma_start3A_206] : memref<640x128xf32, #tpu.memory_space<vmem>> -> memref<32x128xf32, #tpu.memory_space<vmem>>
      %dma_start3A_208 = tpu.memref_slice %arg10[%dma_start3A_204, %shift_right_logical3A_56, %mul3A_59] : memref<20x4x128xi32, #tpu.memory_space<vmem>> -> memref<1x1x32xi32, #tpu.memory_space<vmem>>
      %dma_start3A_209 = tpu.memref_squeeze %dma_start3A_208 : memref<1x1x32xi32, #tpu.memory_space<vmem>> -> memref<32xi32, #tpu.memory_space<vmem>>
      %dma_start3A_210 = arith.constant 0 : i32
      %dma_start3A_211 = arith.constant 0 : i32
      %dma_start3A_212 = tpu.memref_slice %arg5[%dma_start3A_210, %dma_start3A_211] : memref<1000000x128xf32, #tpu.memory_space<hbm>> -> memref<1000000x128xf32, #tpu.memory_space<hbm>>
      tpu.enqueue_indirect_dma source(%dma_start3A_212 : memref<1000000x128xf32, #tpu.memory_space<hbm>>) target(%dma_start3A_207 : memref<32x128xf32, #tpu.memory_space<vmem>>) offsets(%dma_start3A_209 : memref<32xi32, #tpu.memory_space<vmem>>) semaphore(%arg16 : memref<!tpu.dma_semaphore, #tpu.memory_space<semaphore_mem>>)
      %dma_start3A_213 = arith.constant 16 : i32
      %dma_start3A_214 = arith.constant 512 : i32
      %dma_start3A_215 = arith.constant 0 : i32
      %dma_start3A_216 = tpu.memref_slice %arg13[%dma_start3A_214, %dma_start3A_215] : memref<640x128xf32, #tpu.memory_space<vmem>> -> memref<32x128xf32, #tpu.memory_space<vmem>>
      %dma_start3A_217 = tpu.memref_slice %arg10[%dma_start3A_213, %shift_right_logical3A_56, %mul3A_59] : memref<20x4x128xi32, #tpu.memory_space<vmem>> -> memref<1x1x32xi32, #tpu.memory_space<vmem>>
      %dma_start3A_218 = tpu.memref_squeeze %dma_start3A_217 : memref<1x1x32xi32, #tpu.memory_space<vmem>> -> memref<32xi32, #tpu.memory_space<vmem>>
      %dma_start3A_219 = arith.constant 0 : i32
      %dma_start3A_220 = arith.constant 0 : i32
      %dma_start3A_221 = tpu.memref_slice %arg5[%dma_start3A_219, %dma_start3A_220] : memref<1000000x128xf32, #tpu.memory_space<hbm>> -> memref<1000000x128xf32, #tpu.memory_space<hbm>>
      tpu.enqueue_indirect_dma source(%dma_start3A_221 : memref<1000000x128xf32, #tpu.memory_space<hbm>>) target(%dma_start3A_216 : memref<32x128xf32, #tpu.memory_space<vmem>>) offsets(%dma_start3A_218 : memref<32xi32, #tpu.memory_space<vmem>>) semaphore(%arg16 : memref<!tpu.dma_semaphore, #tpu.memory_space<semaphore_mem>>)
      %dma_start3A_222 = arith.constant 17 : i32
      %dma_start3A_223 = arith.constant 544 : i32
      %dma_start3A_224 = arith.constant 0 : i32
      %dma_start3A_225 = tpu.memref_slice %arg13[%dma_start3A_223, %dma_start3A_224] : memref<640x128xf32, #tpu.memory_space<vmem>> -> memref<32x128xf32, #tpu.memory_space<vmem>>
      %dma_start3A_226 = tpu.memref_slice %arg10[%dma_start3A_222, %shift_right_logical3A_56, %mul3A_59] : memref<20x4x128xi32, #tpu.memory_space<vmem>> -> memref<1x1x32xi32, #tpu.memory_space<vmem>>
      %dma_start3A_227 = tpu.memref_squeeze %dma_start3A_226 : memref<1x1x32xi32, #tpu.memory_space<vmem>> -> memref<32xi32, #tpu.memory_space<vmem>>
      %dma_start3A_228 = arith.constant 0 : i32
      %dma_start3A_229 = arith.constant 0 : i32
      %dma_start3A_230 = tpu.memref_slice %arg5[%dma_start3A_228, %dma_start3A_229] : memref<1000000x128xf32, #tpu.memory_space<hbm>> -> memref<1000000x128xf32, #tpu.memory_space<hbm>>
      tpu.enqueue_indirect_dma source(%dma_start3A_230 : memref<1000000x128xf32, #tpu.memory_space<hbm>>) target(%dma_start3A_225 : memref<32x128xf32, #tpu.memory_space<vmem>>) offsets(%dma_start3A_227 : memref<32xi32, #tpu.memory_space<vmem>>) semaphore(%arg16 : memref<!tpu.dma_semaphore, #tpu.memory_space<semaphore_mem>>)
      %dma_start3A_231 = arith.constant 18 : i32
      %dma_start3A_232 = arith.constant 576 : i32
      %dma_start3A_233 = arith.constant 0 : i32
      %dma_start3A_234 = tpu.memref_slice %arg13[%dma_start3A_232, %dma_start3A_233] : memref<640x128xf32, #tpu.memory_space<vmem>> -> memref<32x128xf32, #tpu.memory_space<vmem>>
      %dma_start3A_235 = tpu.memref_slice %arg10[%dma_start3A_231, %shift_right_logical3A_56, %mul3A_59] : memref<20x4x128xi32, #tpu.memory_space<vmem>> -> memref<1x1x32xi32, #tpu.memory_space<vmem>>
      %dma_start3A_236 = tpu.memref_squeeze %dma_start3A_235 : memref<1x1x32xi32, #tpu.memory_space<vmem>> -> memref<32xi32, #tpu.memory_space<vmem>>
      %dma_start3A_237 = arith.constant 0 : i32
      %dma_start3A_238 = arith.constant 0 : i32
      %dma_start3A_239 = tpu.memref_slice %arg5[%dma_start3A_237, %dma_start3A_238] : memref<1000000x128xf32, #tpu.memory_space<hbm>> -> memref<1000000x128xf32, #tpu.memory_space<hbm>>
      tpu.enqueue_indirect_dma source(%dma_start3A_239 : memref<1000000x128xf32, #tpu.memory_space<hbm>>) target(%dma_start3A_234 : memref<32x128xf32, #tpu.memory_space<vmem>>) offsets(%dma_start3A_236 : memref<32xi32, #tpu.memory_space<vmem>>) semaphore(%arg16 : memref<!tpu.dma_semaphore, #tpu.memory_space<semaphore_mem>>)
      %dma_start3A_240 = arith.constant 19 : i32
      %dma_start3A_241 = arith.constant 608 : i32
      %dma_start3A_242 = arith.constant 0 : i32
      %dma_start3A_243 = tpu.memref_slice %arg13[%dma_start3A_241, %dma_start3A_242] : memref<640x128xf32, #tpu.memory_space<vmem>> -> memref<32x128xf32, #tpu.memory_space<vmem>>
      %dma_start3A_244 = tpu.memref_slice %arg10[%dma_start3A_240, %shift_right_logical3A_56, %mul3A_59] : memref<20x4x128xi32, #tpu.memory_space<vmem>> -> memref<1x1x32xi32, #tpu.memory_space<vmem>>
      %dma_start3A_245 = tpu.memref_squeeze %dma_start3A_244 : memref<1x1x32xi32, #tpu.memory_space<vmem>> -> memref<32xi32, #tpu.memory_space<vmem>>
      %dma_start3A_246 = arith.constant 0 : i32
      %dma_start3A_247 = arith.constant 0 : i32
      %dma_start3A_248 = tpu.memref_slice %arg5[%dma_start3A_246, %dma_start3A_247] : memref<1000000x128xf32, #tpu.memory_space<hbm>> -> memref<1000000x128xf32, #tpu.memory_space<hbm>>
      tpu.enqueue_indirect_dma source(%dma_start3A_248 : memref<1000000x128xf32, #tpu.memory_space<hbm>>) target(%dma_start3A_243 : memref<32x128xf32, #tpu.memory_space<vmem>>) offsets(%dma_start3A_245 : memref<32xi32, #tpu.memory_space<vmem>>) semaphore(%arg16 : memref<!tpu.dma_semaphore, #tpu.memory_space<semaphore_mem>>)
      %dma_wait3A = tpu.memref_slice %arg8[%shift_right_logical3A_56, %mul3A_59] : memref<4x128xi32, #tpu.memory_space<vmem>> -> memref<1x32xi32, #tpu.memory_space<vmem>>
      %dma_wait3A_249 = tpu.memref_squeeze %dma_wait3A : memref<1x32xi32, #tpu.memory_space<vmem>> -> memref<32xi32, #tpu.memory_space<vmem>>
      %dma_wait3A_250 = arith.constant 0 : i32
      %dma_wait3A_251 = arith.constant 0 : i32
      %dma_wait3A_252 = tpu.memref_slice %arg5[%dma_wait3A_250, %dma_wait3A_251] : memref<1000000x128xf32, #tpu.memory_space<hbm>> -> memref<1000000x128xf32, #tpu.memory_space<hbm>>
      tpu.wait_indirect_dma semaphore(%arg16 : memref<!tpu.dma_semaphore, #tpu.memory_space<semaphore_mem>>) src(%dma_wait3A_252 : memref<1000000x128xf32, #tpu.memory_space<hbm>>) dst(%arg11 : memref<32x128xf32, #tpu.memory_space<vmem>>)
      %dma_wait3A_253 = tpu.memref_slice %arg9[%shift_right_logical3A_56, %mul3A_59] : memref<4x128xi32, #tpu.memory_space<vmem>> -> memref<1x32xi32, #tpu.memory_space<vmem>>
      %dma_wait3A_254 = tpu.memref_squeeze %dma_wait3A_253 : memref<1x32xi32, #tpu.memory_space<vmem>> -> memref<32xi32, #tpu.memory_space<vmem>>
      %dma_wait3A_255 = arith.constant 0 : i32
      %dma_wait3A_256 = arith.constant 0 : i32
      %dma_wait3A_257 = tpu.memref_slice %arg5[%dma_wait3A_255, %dma_wait3A_256] : memref<1000000x128xf32, #tpu.memory_space<hbm>> -> memref<1000000x128xf32, #tpu.memory_space<hbm>>
      tpu.wait_indirect_dma semaphore(%arg16 : memref<!tpu.dma_semaphore, #tpu.memory_space<semaphore_mem>>) src(%dma_wait3A_257 : memref<1000000x128xf32, #tpu.memory_space<hbm>>) dst(%arg12 : memref<32x128xf32, #tpu.memory_space<vmem>>)
      %dma_wait3A_258 = arith.constant 0 : i32
      %dma_wait3A_259 = arith.constant 0 : i32
      %dma_wait3A_260 = arith.constant 0 : i32
      %dma_wait3A_261 = tpu.memref_slice %arg13[%dma_wait3A_259, %dma_wait3A_260] : memref<640x128xf32, #tpu.memory_space<vmem>> -> memref<32x128xf32, #tpu.memory_space<vmem>>
      %dma_wait3A_262 = tpu.memref_slice %arg10[%dma_wait3A_258, %shift_right_logical3A_56, %mul3A_59] : memref<20x4x128xi32, #tpu.memory_space<vmem>> -> memref<1x1x32xi32, #tpu.memory_space<vmem>>
      %dma_wait3A_263 = tpu.memref_squeeze %dma_wait3A_262 : memref<1x1x32xi32, #tpu.memory_space<vmem>> -> memref<32xi32, #tpu.memory_space<vmem>>
      %dma_wait3A_264 = arith.constant 0 : i32
      %dma_wait3A_265 = arith.constant 0 : i32
      %dma_wait3A_266 = tpu.memref_slice %arg5[%dma_wait3A_264, %dma_wait3A_265] : memref<1000000x128xf32, #tpu.memory_space<hbm>> -> memref<1000000x128xf32, #tpu.memory_space<hbm>>
      tpu.wait_indirect_dma semaphore(%arg16 : memref<!tpu.dma_semaphore, #tpu.memory_space<semaphore_mem>>) src(%dma_wait3A_266 : memref<1000000x128xf32, #tpu.memory_space<hbm>>) dst(%dma_wait3A_261 : memref<32x128xf32, #tpu.memory_space<vmem>>)
      %dma_wait3A_267 = arith.constant 1 : i32
      %dma_wait3A_268 = arith.constant 32 : i32
      %dma_wait3A_269 = arith.constant 0 : i32
      %dma_wait3A_270 = tpu.memref_slice %arg13[%dma_wait3A_268, %dma_wait3A_269] : memref<640x128xf32, #tpu.memory_space<vmem>> -> memref<32x128xf32, #tpu.memory_space<vmem>>
      %dma_wait3A_271 = tpu.memref_slice %arg10[%dma_wait3A_267, %shift_right_logical3A_56, %mul3A_59] : memref<20x4x128xi32, #tpu.memory_space<vmem>> -> memref<1x1x32xi32, #tpu.memory_space<vmem>>
      %dma_wait3A_272 = tpu.memref_squeeze %dma_wait3A_271 : memref<1x1x32xi32, #tpu.memory_space<vmem>> -> memref<32xi32, #tpu.memory_space<vmem>>
      %dma_wait3A_273 = arith.constant 0 : i32
      %dma_wait3A_274 = arith.constant 0 : i32
      %dma_wait3A_275 = tpu.memref_slice %arg5[%dma_wait3A_273, %dma_wait3A_274] : memref<1000000x128xf32, #tpu.memory_space<hbm>> -> memref<1000000x128xf32, #tpu.memory_space<hbm>>
      tpu.wait_indirect_dma semaphore(%arg16 : memref<!tpu.dma_semaphore, #tpu.memory_space<semaphore_mem>>) src(%dma_wait3A_275 : memref<1000000x128xf32, #tpu.memory_space<hbm>>) dst(%dma_wait3A_270 : memref<32x128xf32, #tpu.memory_space<vmem>>)
      %dma_wait3A_276 = arith.constant 2 : i32
      %dma_wait3A_277 = arith.constant 64 : i32
      %dma_wait3A_278 = arith.constant 0 : i32
      %dma_wait3A_279 = tpu.memref_slice %arg13[%dma_wait3A_277, %dma_wait3A_278] : memref<640x128xf32, #tpu.memory_space<vmem>> -> memref<32x128xf32, #tpu.memory_space<vmem>>
      %dma_wait3A_280 = tpu.memref_slice %arg10[%dma_wait3A_276, %shift_right_logical3A_56, %mul3A_59] : memref<20x4x128xi32, #tpu.memory_space<vmem>> -> memref<1x1x32xi32, #tpu.memory_space<vmem>>
      %dma_wait3A_281 = tpu.memref_squeeze %dma_wait3A_280 : memref<1x1x32xi32, #tpu.memory_space<vmem>> -> memref<32xi32, #tpu.memory_space<vmem>>
      %dma_wait3A_282 = arith.constant 0 : i32
      %dma_wait3A_283 = arith.constant 0 : i32
      %dma_wait3A_284 = tpu.memref_slice %arg5[%dma_wait3A_282, %dma_wait3A_283] : memref<1000000x128xf32, #tpu.memory_space<hbm>> -> memref<1000000x128xf32, #tpu.memory_space<hbm>>
      tpu.wait_indirect_dma semaphore(%arg16 : memref<!tpu.dma_semaphore, #tpu.memory_space<semaphore_mem>>) src(%dma_wait3A_284 : memref<1000000x128xf32, #tpu.memory_space<hbm>>) dst(%dma_wait3A_279 : memref<32x128xf32, #tpu.memory_space<vmem>>)
      %dma_wait3A_285 = arith.constant 3 : i32
      %dma_wait3A_286 = arith.constant 96 : i32
      %dma_wait3A_287 = arith.constant 0 : i32
      %dma_wait3A_288 = tpu.memref_slice %arg13[%dma_wait3A_286, %dma_wait3A_287] : memref<640x128xf32, #tpu.memory_space<vmem>> -> memref<32x128xf32, #tpu.memory_space<vmem>>
      %dma_wait3A_289 = tpu.memref_slice %arg10[%dma_wait3A_285, %shift_right_logical3A_56, %mul3A_59] : memref<20x4x128xi32, #tpu.memory_space<vmem>> -> memref<1x1x32xi32, #tpu.memory_space<vmem>>
      %dma_wait3A_290 = tpu.memref_squeeze %dma_wait3A_289 : memref<1x1x32xi32, #tpu.memory_space<vmem>> -> memref<32xi32, #tpu.memory_space<vmem>>
      %dma_wait3A_291 = arith.constant 0 : i32
      %dma_wait3A_292 = arith.constant 0 : i32
      %dma_wait3A_293 = tpu.memref_slice %arg5[%dma_wait3A_291, %dma_wait3A_292] : memref<1000000x128xf32, #tpu.memory_space<hbm>> -> memref<1000000x128xf32, #tpu.memory_space<hbm>>
      tpu.wait_indirect_dma semaphore(%arg16 : memref<!tpu.dma_semaphore, #tpu.memory_space<semaphore_mem>>) src(%dma_wait3A_293 : memref<1000000x128xf32, #tpu.memory_space<hbm>>) dst(%dma_wait3A_288 : memref<32x128xf32, #tpu.memory_space<vmem>>)
      %dma_wait3A_294 = arith.constant 4 : i32
      %dma_wait3A_295 = arith.constant 128 : i32
      %dma_wait3A_296 = arith.constant 0 : i32
      %dma_wait3A_297 = tpu.memref_slice %arg13[%dma_wait3A_295, %dma_wait3A_296] : memref<640x128xf32, #tpu.memory_space<vmem>> -> memref<32x128xf32, #tpu.memory_space<vmem>>
      %dma_wait3A_298 = tpu.memref_slice %arg10[%dma_wait3A_294, %shift_right_logical3A_56, %mul3A_59] : memref<20x4x128xi32, #tpu.memory_space<vmem>> -> memref<1x1x32xi32, #tpu.memory_space<vmem>>
      %dma_wait3A_299 = tpu.memref_squeeze %dma_wait3A_298 : memref<1x1x32xi32, #tpu.memory_space<vmem>> -> memref<32xi32, #tpu.memory_space<vmem>>
      %dma_wait3A_300 = arith.constant 0 : i32
      %dma_wait3A_301 = arith.constant 0 : i32
      %dma_wait3A_302 = tpu.memref_slice %arg5[%dma_wait3A_300, %dma_wait3A_301] : memref<1000000x128xf32, #tpu.memory_space<hbm>> -> memref<1000000x128xf32, #tpu.memory_space<hbm>>
      tpu.wait_indirect_dma semaphore(%arg16 : memref<!tpu.dma_semaphore, #tpu.memory_space<semaphore_mem>>) src(%dma_wait3A_302 : memref<1000000x128xf32, #tpu.memory_space<hbm>>) dst(%dma_wait3A_297 : memref<32x128xf32, #tpu.memory_space<vmem>>)
      %dma_wait3A_303 = arith.constant 5 : i32
      %dma_wait3A_304 = arith.constant 160 : i32
      %dma_wait3A_305 = arith.constant 0 : i32
      %dma_wait3A_306 = tpu.memref_slice %arg13[%dma_wait3A_304, %dma_wait3A_305] : memref<640x128xf32, #tpu.memory_space<vmem>> -> memref<32x128xf32, #tpu.memory_space<vmem>>
      %dma_wait3A_307 = tpu.memref_slice %arg10[%dma_wait3A_303, %shift_right_logical3A_56, %mul3A_59] : memref<20x4x128xi32, #tpu.memory_space<vmem>> -> memref<1x1x32xi32, #tpu.memory_space<vmem>>
      %dma_wait3A_308 = tpu.memref_squeeze %dma_wait3A_307 : memref<1x1x32xi32, #tpu.memory_space<vmem>> -> memref<32xi32, #tpu.memory_space<vmem>>
      %dma_wait3A_309 = arith.constant 0 : i32
      %dma_wait3A_310 = arith.constant 0 : i32
      %dma_wait3A_311 = tpu.memref_slice %arg5[%dma_wait3A_309, %dma_wait3A_310] : memref<1000000x128xf32, #tpu.memory_space<hbm>> -> memref<1000000x128xf32, #tpu.memory_space<hbm>>
      tpu.wait_indirect_dma semaphore(%arg16 : memref<!tpu.dma_semaphore, #tpu.memory_space<semaphore_mem>>) src(%dma_wait3A_311 : memref<1000000x128xf32, #tpu.memory_space<hbm>>) dst(%dma_wait3A_306 : memref<32x128xf32, #tpu.memory_space<vmem>>)
      %dma_wait3A_312 = arith.constant 6 : i32
      %dma_wait3A_313 = arith.constant 192 : i32
      %dma_wait3A_314 = arith.constant 0 : i32
      %dma_wait3A_315 = tpu.memref_slice %arg13[%dma_wait3A_313, %dma_wait3A_314] : memref<640x128xf32, #tpu.memory_space<vmem>> -> memref<32x128xf32, #tpu.memory_space<vmem>>
      %dma_wait3A_316 = tpu.memref_slice %arg10[%dma_wait3A_312, %shift_right_logical3A_56, %mul3A_59] : memref<20x4x128xi32, #tpu.memory_space<vmem>> -> memref<1x1x32xi32, #tpu.memory_space<vmem>>
      %dma_wait3A_317 = tpu.memref_squeeze %dma_wait3A_316 : memref<1x1x32xi32, #tpu.memory_space<vmem>> -> memref<32xi32, #tpu.memory_space<vmem>>
      %dma_wait3A_318 = arith.constant 0 : i32
      %dma_wait3A_319 = arith.constant 0 : i32
      %dma_wait3A_320 = tpu.memref_slice %arg5[%dma_wait3A_318, %dma_wait3A_319] : memref<1000000x128xf32, #tpu.memory_space<hbm>> -> memref<1000000x128xf32, #tpu.memory_space<hbm>>
      tpu.wait_indirect_dma semaphore(%arg16 : memref<!tpu.dma_semaphore, #tpu.memory_space<semaphore_mem>>) src(%dma_wait3A_320 : memref<1000000x128xf32, #tpu.memory_space<hbm>>) dst(%dma_wait3A_315 : memref<32x128xf32, #tpu.memory_space<vmem>>)
      %dma_wait3A_321 = arith.constant 7 : i32
      %dma_wait3A_322 = arith.constant 224 : i32
      %dma_wait3A_323 = arith.constant 0 : i32
      %dma_wait3A_324 = tpu.memref_slice %arg13[%dma_wait3A_322, %dma_wait3A_323] : memref<640x128xf32, #tpu.memory_space<vmem>> -> memref<32x128xf32, #tpu.memory_space<vmem>>
      %dma_wait3A_325 = tpu.memref_slice %arg10[%dma_wait3A_321, %shift_right_logical3A_56, %mul3A_59] : memref<20x4x128xi32, #tpu.memory_space<vmem>> -> memref<1x1x32xi32, #tpu.memory_space<vmem>>
      %dma_wait3A_326 = tpu.memref_squeeze %dma_wait3A_325 : memref<1x1x32xi32, #tpu.memory_space<vmem>> -> memref<32xi32, #tpu.memory_space<vmem>>
      %dma_wait3A_327 = arith.constant 0 : i32
      %dma_wait3A_328 = arith.constant 0 : i32
      %dma_wait3A_329 = tpu.memref_slice %arg5[%dma_wait3A_327, %dma_wait3A_328] : memref<1000000x128xf32, #tpu.memory_space<hbm>> -> memref<1000000x128xf32, #tpu.memory_space<hbm>>
      tpu.wait_indirect_dma semaphore(%arg16 : memref<!tpu.dma_semaphore, #tpu.memory_space<semaphore_mem>>) src(%dma_wait3A_329 : memref<1000000x128xf32, #tpu.memory_space<hbm>>) dst(%dma_wait3A_324 : memref<32x128xf32, #tpu.memory_space<vmem>>)
      %dma_wait3A_330 = arith.constant 8 : i32
      %dma_wait3A_331 = arith.constant 256 : i32
      %dma_wait3A_332 = arith.constant 0 : i32
      %dma_wait3A_333 = tpu.memref_slice %arg13[%dma_wait3A_331, %dma_wait3A_332] : memref<640x128xf32, #tpu.memory_space<vmem>> -> memref<32x128xf32, #tpu.memory_space<vmem>>
      %dma_wait3A_334 = tpu.memref_slice %arg10[%dma_wait3A_330, %shift_right_logical3A_56, %mul3A_59] : memref<20x4x128xi32, #tpu.memory_space<vmem>> -> memref<1x1x32xi32, #tpu.memory_space<vmem>>
      %dma_wait3A_335 = tpu.memref_squeeze %dma_wait3A_334 : memref<1x1x32xi32, #tpu.memory_space<vmem>> -> memref<32xi32, #tpu.memory_space<vmem>>
      %dma_wait3A_336 = arith.constant 0 : i32
      %dma_wait3A_337 = arith.constant 0 : i32
      %dma_wait3A_338 = tpu.memref_slice %arg5[%dma_wait3A_336, %dma_wait3A_337] : memref<1000000x128xf32, #tpu.memory_space<hbm>> -> memref<1000000x128xf32, #tpu.memory_space<hbm>>
      tpu.wait_indirect_dma semaphore(%arg16 : memref<!tpu.dma_semaphore, #tpu.memory_space<semaphore_mem>>) src(%dma_wait3A_338 : memref<1000000x128xf32, #tpu.memory_space<hbm>>) dst(%dma_wait3A_333 : memref<32x128xf32, #tpu.memory_space<vmem>>)
      %dma_wait3A_339 = arith.constant 9 : i32
      %dma_wait3A_340 = arith.constant 288 : i32
      %dma_wait3A_341 = arith.constant 0 : i32
      %dma_wait3A_342 = tpu.memref_slice %arg13[%dma_wait3A_340, %dma_wait3A_341] : memref<640x128xf32, #tpu.memory_space<vmem>> -> memref<32x128xf32, #tpu.memory_space<vmem>>
      %dma_wait3A_343 = tpu.memref_slice %arg10[%dma_wait3A_339, %shift_right_logical3A_56, %mul3A_59] : memref<20x4x128xi32, #tpu.memory_space<vmem>> -> memref<1x1x32xi32, #tpu.memory_space<vmem>>
      %dma_wait3A_344 = tpu.memref_squeeze %dma_wait3A_343 : memref<1x1x32xi32, #tpu.memory_space<vmem>> -> memref<32xi32, #tpu.memory_space<vmem>>
      %dma_wait3A_345 = arith.constant 0 : i32
      %dma_wait3A_346 = arith.constant 0 : i32
      %dma_wait3A_347 = tpu.memref_slice %arg5[%dma_wait3A_345, %dma_wait3A_346] : memref<1000000x128xf32, #tpu.memory_space<hbm>> -> memref<1000000x128xf32, #tpu.memory_space<hbm>>
      tpu.wait_indirect_dma semaphore(%arg16 : memref<!tpu.dma_semaphore, #tpu.memory_space<semaphore_mem>>) src(%dma_wait3A_347 : memref<1000000x128xf32, #tpu.memory_space<hbm>>) dst(%dma_wait3A_342 : memref<32x128xf32, #tpu.memory_space<vmem>>)
      %dma_wait3A_348 = arith.constant 10 : i32
      %dma_wait3A_349 = arith.constant 320 : i32
      %dma_wait3A_350 = arith.constant 0 : i32
      %dma_wait3A_351 = tpu.memref_slice %arg13[%dma_wait3A_349, %dma_wait3A_350] : memref<640x128xf32, #tpu.memory_space<vmem>> -> memref<32x128xf32, #tpu.memory_space<vmem>>
      %dma_wait3A_352 = tpu.memref_slice %arg10[%dma_wait3A_348, %shift_right_logical3A_56, %mul3A_59] : memref<20x4x128xi32, #tpu.memory_space<vmem>> -> memref<1x1x32xi32, #tpu.memory_space<vmem>>
      %dma_wait3A_353 = tpu.memref_squeeze %dma_wait3A_352 : memref<1x1x32xi32, #tpu.memory_space<vmem>> -> memref<32xi32, #tpu.memory_space<vmem>>
      %dma_wait3A_354 = arith.constant 0 : i32
      %dma_wait3A_355 = arith.constant 0 : i32
      %dma_wait3A_356 = tpu.memref_slice %arg5[%dma_wait3A_354, %dma_wait3A_355] : memref<1000000x128xf32, #tpu.memory_space<hbm>> -> memref<1000000x128xf32, #tpu.memory_space<hbm>>
      tpu.wait_indirect_dma semaphore(%arg16 : memref<!tpu.dma_semaphore, #tpu.memory_space<semaphore_mem>>) src(%dma_wait3A_356 : memref<1000000x128xf32, #tpu.memory_space<hbm>>) dst(%dma_wait3A_351 : memref<32x128xf32, #tpu.memory_space<vmem>>)
      %dma_wait3A_357 = arith.constant 11 : i32
      %dma_wait3A_358 = arith.constant 352 : i32
      %dma_wait3A_359 = arith.constant 0 : i32
      %dma_wait3A_360 = tpu.memref_slice %arg13[%dma_wait3A_358, %dma_wait3A_359] : memref<640x128xf32, #tpu.memory_space<vmem>> -> memref<32x128xf32, #tpu.memory_space<vmem>>
      %dma_wait3A_361 = tpu.memref_slice %arg10[%dma_wait3A_357, %shift_right_logical3A_56, %mul3A_59] : memref<20x4x128xi32, #tpu.memory_space<vmem>> -> memref<1x1x32xi32, #tpu.memory_space<vmem>>
      %dma_wait3A_362 = tpu.memref_squeeze %dma_wait3A_361 : memref<1x1x32xi32, #tpu.memory_space<vmem>> -> memref<32xi32, #tpu.memory_space<vmem>>
      %dma_wait3A_363 = arith.constant 0 : i32
      %dma_wait3A_364 = arith.constant 0 : i32
      %dma_wait3A_365 = tpu.memref_slice %arg5[%dma_wait3A_363, %dma_wait3A_364] : memref<1000000x128xf32, #tpu.memory_space<hbm>> -> memref<1000000x128xf32, #tpu.memory_space<hbm>>
      tpu.wait_indirect_dma semaphore(%arg16 : memref<!tpu.dma_semaphore, #tpu.memory_space<semaphore_mem>>) src(%dma_wait3A_365 : memref<1000000x128xf32, #tpu.memory_space<hbm>>) dst(%dma_wait3A_360 : memref<32x128xf32, #tpu.memory_space<vmem>>)
      %dma_wait3A_366 = arith.constant 12 : i32
      %dma_wait3A_367 = arith.constant 384 : i32
      %dma_wait3A_368 = arith.constant 0 : i32
      %dma_wait3A_369 = tpu.memref_slice %arg13[%dma_wait3A_367, %dma_wait3A_368] : memref<640x128xf32, #tpu.memory_space<vmem>> -> memref<32x128xf32, #tpu.memory_space<vmem>>
      %dma_wait3A_370 = tpu.memref_slice %arg10[%dma_wait3A_366, %shift_right_logical3A_56, %mul3A_59] : memref<20x4x128xi32, #tpu.memory_space<vmem>> -> memref<1x1x32xi32, #tpu.memory_space<vmem>>
      %dma_wait3A_371 = tpu.memref_squeeze %dma_wait3A_370 : memref<1x1x32xi32, #tpu.memory_space<vmem>> -> memref<32xi32, #tpu.memory_space<vmem>>
      %dma_wait3A_372 = arith.constant 0 : i32
      %dma_wait3A_373 = arith.constant 0 : i32
      %dma_wait3A_374 = tpu.memref_slice %arg5[%dma_wait3A_372, %dma_wait3A_373] : memref<1000000x128xf32, #tpu.memory_space<hbm>> -> memref<1000000x128xf32, #tpu.memory_space<hbm>>
      tpu.wait_indirect_dma semaphore(%arg16 : memref<!tpu.dma_semaphore, #tpu.memory_space<semaphore_mem>>) src(%dma_wait3A_374 : memref<1000000x128xf32, #tpu.memory_space<hbm>>) dst(%dma_wait3A_369 : memref<32x128xf32, #tpu.memory_space<vmem>>)
      %dma_wait3A_375 = arith.constant 13 : i32
      %dma_wait3A_376 = arith.constant 416 : i32
      %dma_wait3A_377 = arith.constant 0 : i32
      %dma_wait3A_378 = tpu.memref_slice %arg13[%dma_wait3A_376, %dma_wait3A_377] : memref<640x128xf32, #tpu.memory_space<vmem>> -> memref<32x128xf32, #tpu.memory_space<vmem>>
      %dma_wait3A_379 = tpu.memref_slice %arg10[%dma_wait3A_375, %shift_right_logical3A_56, %mul3A_59] : memref<20x4x128xi32, #tpu.memory_space<vmem>> -> memref<1x1x32xi32, #tpu.memory_space<vmem>>
      %dma_wait3A_380 = tpu.memref_squeeze %dma_wait3A_379 : memref<1x1x32xi32, #tpu.memory_space<vmem>> -> memref<32xi32, #tpu.memory_space<vmem>>
      %dma_wait3A_381 = arith.constant 0 : i32
      %dma_wait3A_382 = arith.constant 0 : i32
      %dma_wait3A_383 = tpu.memref_slice %arg5[%dma_wait3A_381, %dma_wait3A_382] : memref<1000000x128xf32, #tpu.memory_space<hbm>> -> memref<1000000x128xf32, #tpu.memory_space<hbm>>
      tpu.wait_indirect_dma semaphore(%arg16 : memref<!tpu.dma_semaphore, #tpu.memory_space<semaphore_mem>>) src(%dma_wait3A_383 : memref<1000000x128xf32, #tpu.memory_space<hbm>>) dst(%dma_wait3A_378 : memref<32x128xf32, #tpu.memory_space<vmem>>)
      %dma_wait3A_384 = arith.constant 14 : i32
      %dma_wait3A_385 = arith.constant 448 : i32
      %dma_wait3A_386 = arith.constant 0 : i32
      %dma_wait3A_387 = tpu.memref_slice %arg13[%dma_wait3A_385, %dma_wait3A_386] : memref<640x128xf32, #tpu.memory_space<vmem>> -> memref<32x128xf32, #tpu.memory_space<vmem>>
      %dma_wait3A_388 = tpu.memref_slice %arg10[%dma_wait3A_384, %shift_right_logical3A_56, %mul3A_59] : memref<20x4x128xi32, #tpu.memory_space<vmem>> -> memref<1x1x32xi32, #tpu.memory_space<vmem>>
      %dma_wait3A_389 = tpu.memref_squeeze %dma_wait3A_388 : memref<1x1x32xi32, #tpu.memory_space<vmem>> -> memref<32xi32, #tpu.memory_space<vmem>>
      %dma_wait3A_390 = arith.constant 0 : i32
      %dma_wait3A_391 = arith.constant 0 : i32
      %dma_wait3A_392 = tpu.memref_slice %arg5[%dma_wait3A_390, %dma_wait3A_391] : memref<1000000x128xf32, #tpu.memory_space<hbm>> -> memref<1000000x128xf32, #tpu.memory_space<hbm>>
      tpu.wait_indirect_dma semaphore(%arg16 : memref<!tpu.dma_semaphore, #tpu.memory_space<semaphore_mem>>) src(%dma_wait3A_392 : memref<1000000x128xf32, #tpu.memory_space<hbm>>) dst(%dma_wait3A_387 : memref<32x128xf32, #tpu.memory_space<vmem>>)
      %dma_wait3A_393 = arith.constant 15 : i32
      %dma_wait3A_394 = arith.constant 480 : i32
      %dma_wait3A_395 = arith.constant 0 : i32
      %dma_wait3A_396 = tpu.memref_slice %arg13[%dma_wait3A_394, %dma_wait3A_395] : memref<640x128xf32, #tpu.memory_space<vmem>> -> memref<32x128xf32, #tpu.memory_space<vmem>>
      %dma_wait3A_397 = tpu.memref_slice %arg10[%dma_wait3A_393, %shift_right_logical3A_56, %mul3A_59] : memref<20x4x128xi32, #tpu.memory_space<vmem>> -> memref<1x1x32xi32, #tpu.memory_space<vmem>>
      %dma_wait3A_398 = tpu.memref_squeeze %dma_wait3A_397 : memref<1x1x32xi32, #tpu.memory_space<vmem>> -> memref<32xi32, #tpu.memory_space<vmem>>
      %dma_wait3A_399 = arith.constant 0 : i32
      %dma_wait3A_400 = arith.constant 0 : i32
      %dma_wait3A_401 = tpu.memref_slice %arg5[%dma_wait3A_399, %dma_wait3A_400] : memref<1000000x128xf32, #tpu.memory_space<hbm>> -> memref<1000000x128xf32, #tpu.memory_space<hbm>>
      tpu.wait_indirect_dma semaphore(%arg16 : memref<!tpu.dma_semaphore, #tpu.memory_space<semaphore_mem>>) src(%dma_wait3A_401 : memref<1000000x128xf32, #tpu.memory_space<hbm>>) dst(%dma_wait3A_396 : memref<32x128xf32, #tpu.memory_space<vmem>>)
      %dma_wait3A_402 = arith.constant 16 : i32
      %dma_wait3A_403 = arith.constant 512 : i32
      %dma_wait3A_404 = arith.constant 0 : i32
      %dma_wait3A_405 = tpu.memref_slice %arg13[%dma_wait3A_403, %dma_wait3A_404] : memref<640x128xf32, #tpu.memory_space<vmem>> -> memref<32x128xf32, #tpu.memory_space<vmem>>
      %dma_wait3A_406 = tpu.memref_slice %arg10[%dma_wait3A_402, %shift_right_logical3A_56, %mul3A_59] : memref<20x4x128xi32, #tpu.memory_space<vmem>> -> memref<1x1x32xi32, #tpu.memory_space<vmem>>
      %dma_wait3A_407 = tpu.memref_squeeze %dma_wait3A_406 : memref<1x1x32xi32, #tpu.memory_space<vmem>> -> memref<32xi32, #tpu.memory_space<vmem>>
      %dma_wait3A_408 = arith.constant 0 : i32
      %dma_wait3A_409 = arith.constant 0 : i32
      %dma_wait3A_410 = tpu.memref_slice %arg5[%dma_wait3A_408, %dma_wait3A_409] : memref<1000000x128xf32, #tpu.memory_space<hbm>> -> memref<1000000x128xf32, #tpu.memory_space<hbm>>
      tpu.wait_indirect_dma semaphore(%arg16 : memref<!tpu.dma_semaphore, #tpu.memory_space<semaphore_mem>>) src(%dma_wait3A_410 : memref<1000000x128xf32, #tpu.memory_space<hbm>>) dst(%dma_wait3A_405 : memref<32x128xf32, #tpu.memory_space<vmem>>)
      %dma_wait3A_411 = arith.constant 17 : i32
      %dma_wait3A_412 = arith.constant 544 : i32
      %dma_wait3A_413 = arith.constant 0 : i32
      %dma_wait3A_414 = tpu.memref_slice %arg13[%dma_wait3A_412, %dma_wait3A_413] : memref<640x128xf32, #tpu.memory_space<vmem>> -> memref<32x128xf32, #tpu.memory_space<vmem>>
      %dma_wait3A_415 = tpu.memref_slice %arg10[%dma_wait3A_411, %shift_right_logical3A_56, %mul3A_59] : memref<20x4x128xi32, #tpu.memory_space<vmem>> -> memref<1x1x32xi32, #tpu.memory_space<vmem>>
      %dma_wait3A_416 = tpu.memref_squeeze %dma_wait3A_415 : memref<1x1x32xi32, #tpu.memory_space<vmem>> -> memref<32xi32, #tpu.memory_space<vmem>>
      %dma_wait3A_417 = arith.constant 0 : i32
      %dma_wait3A_418 = arith.constant 0 : i32
      %dma_wait3A_419 = tpu.memref_slice %arg5[%dma_wait3A_417, %dma_wait3A_418] : memref<1000000x128xf32, #tpu.memory_space<hbm>> -> memref<1000000x128xf32, #tpu.memory_space<hbm>>
      tpu.wait_indirect_dma semaphore(%arg16 : memref<!tpu.dma_semaphore, #tpu.memory_space<semaphore_mem>>) src(%dma_wait3A_419 : memref<1000000x128xf32, #tpu.memory_space<hbm>>) dst(%dma_wait3A_414 : memref<32x128xf32, #tpu.memory_space<vmem>>)
      %dma_wait3A_420 = arith.constant 18 : i32
      %dma_wait3A_421 = arith.constant 576 : i32
      %dma_wait3A_422 = arith.constant 0 : i32
      %dma_wait3A_423 = tpu.memref_slice %arg13[%dma_wait3A_421, %dma_wait3A_422] : memref<640x128xf32, #tpu.memory_space<vmem>> -> memref<32x128xf32, #tpu.memory_space<vmem>>
      %dma_wait3A_424 = tpu.memref_slice %arg10[%dma_wait3A_420, %shift_right_logical3A_56, %mul3A_59] : memref<20x4x128xi32, #tpu.memory_space<vmem>> -> memref<1x1x32xi32, #tpu.memory_space<vmem>>
      %dma_wait3A_425 = tpu.memref_squeeze %dma_wait3A_424 : memref<1x1x32xi32, #tpu.memory_space<vmem>> -> memref<32xi32, #tpu.memory_space<vmem>>
      %dma_wait3A_426 = arith.constant 0 : i32
      %dma_wait3A_427 = arith.constant 0 : i32
      %dma_wait3A_428 = tpu.memref_slice %arg5[%dma_wait3A_426, %dma_wait3A_427] : memref<1000000x128xf32, #tpu.memory_space<hbm>> -> memref<1000000x128xf32, #tpu.memory_space<hbm>>
      tpu.wait_indirect_dma semaphore(%arg16 : memref<!tpu.dma_semaphore, #tpu.memory_space<semaphore_mem>>) src(%dma_wait3A_428 : memref<1000000x128xf32, #tpu.memory_space<hbm>>) dst(%dma_wait3A_423 : memref<32x128xf32, #tpu.memory_space<vmem>>)
      %dma_wait3A_429 = arith.constant 19 : i32
      %dma_wait3A_430 = arith.constant 608 : i32
      %dma_wait3A_431 = arith.constant 0 : i32
      %dma_wait3A_432 = tpu.memref_slice %arg13[%dma_wait3A_430, %dma_wait3A_431] : memref<640x128xf32, #tpu.memory_space<vmem>> -> memref<32x128xf32, #tpu.memory_space<vmem>>
      %dma_wait3A_433 = tpu.memref_slice %arg10[%dma_wait3A_429, %shift_right_logical3A_56, %mul3A_59] : memref<20x4x128xi32, #tpu.memory_space<vmem>> -> memref<1x1x32xi32, #tpu.memory_space<vmem>>
      %dma_wait3A_434 = tpu.memref_squeeze %dma_wait3A_433 : memref<1x1x32xi32, #tpu.memory_space<vmem>> -> memref<32xi32, #tpu.memory_space<vmem>>
      %dma_wait3A_435 = arith.constant 0 : i32
      %dma_wait3A_436 = arith.constant 0 : i32
      %dma_wait3A_437 = tpu.memref_slice %arg5[%dma_wait3A_435, %dma_wait3A_436] : memref<1000000x128xf32, #tpu.memory_space<hbm>> -> memref<1000000x128xf32, #tpu.memory_space<hbm>>
      tpu.wait_indirect_dma semaphore(%arg16 : memref<!tpu.dma_semaphore, #tpu.memory_space<semaphore_mem>>) src(%dma_wait3A_437 : memref<1000000x128xf32, #tpu.memory_space<hbm>>) dst(%dma_wait3A_432 : memref<32x128xf32, #tpu.memory_space<vmem>>)
      %scan3A_438 = arith.constant 0 : i32
      %scan3A_439 = arith.constant 0 : i32
      %scan3A_440 = arith.constant 32 : i32
      %scan3A_441 = arith.addi %scan3A_439, %scan3A_440 : i32
      %scan3A_442 = arith.constant 1 : i32
      %scan3A_443 = scf.for %scan3A_446 = %scan3A_439 to %scan3A_441 step %scan3A_442 iter_args(%scan3A_447 = %scan3A_438) -> (i32)  : i32 {
        %get3A = arith.index_cast %scan3A_446 : i32 to index
        %get3A_448 = arith.constant 0 : index
        %get3A_449 = tpu.vector_load %arg11[%get3A, %get3A_448] {strides = array<i32>} : memref<32x128xf32, #tpu.memory_space<vmem>>, vector<1x16xf32>,
        %get3A_450 = vector.shape_cast %get3A_449 : vector<1x16xf32> to vector<16xf32>
        %get3A_451 = arith.index_cast %scan3A_446 : i32 to index
        %get3A_452 = arith.constant 16 : index
        %get3A_453 = tpu.vector_load %arg11[%get3A_451, %get3A_452] {strides = array<i32>} : memref<32x128xf32, #tpu.memory_space<vmem>>, vector<1x16xf32>,
        %get3A_454 = vector.shape_cast %get3A_453 : vector<1x16xf32> to vector<16xf32>
        %get3A_455 = arith.index_cast %scan3A_446 : i32 to index
        %get3A_456 = arith.constant 32 : index
        %get3A_457 = tpu.vector_load %arg11[%get3A_455, %get3A_456] {strides = array<i32>} : memref<32x128xf32, #tpu.memory_space<vmem>>, vector<1x16xf32>,
        %get3A_458 = vector.shape_cast %get3A_457 : vector<1x16xf32> to vector<16xf32>
        %get3A_459 = arith.index_cast %scan3A_446 : i32 to index
        %get3A_460 = arith.constant 48 : index
        %get3A_461 = tpu.vector_load %arg11[%get3A_459, %get3A_460] {strides = array<i32>} : memref<32x128xf32, #tpu.memory_space<vmem>>, vector<1x16xf32>,
        %get3A_462 = vector.shape_cast %get3A_461 : vector<1x16xf32> to vector<16xf32>
        %get3A_463 = arith.index_cast %scan3A_446 : i32 to index
        %get3A_464 = arith.constant 64 : index
        %get3A_465 = tpu.vector_load %arg12[%get3A_463, %get3A_464] {strides = array<i32>} : memref<32x128xf32, #tpu.memory_space<vmem>>, vector<1x16xf32>,
        %get3A_466 = vector.shape_cast %get3A_465 : vector<1x16xf32> to vector<16xf32>
        %get3A_467 = arith.index_cast %scan3A_446 : i32 to index
        %get3A_468 = arith.constant 80 : index
        %get3A_469 = tpu.vector_load %arg12[%get3A_467, %get3A_468] {strides = array<i32>} : memref<32x128xf32, #tpu.memory_space<vmem>>, vector<1x16xf32>,
        %get3A_470 = vector.shape_cast %get3A_469 : vector<1x16xf32> to vector<16xf32>
        %get3A_471 = arith.index_cast %scan3A_446 : i32 to index
        %get3A_472 = arith.constant 96 : index
        %get3A_473 = tpu.vector_load %arg12[%get3A_471, %get3A_472] {strides = array<i32>} : memref<32x128xf32, #tpu.memory_space<vmem>>, vector<1x16xf32>,
        %get3A_474 = vector.shape_cast %get3A_473 : vector<1x16xf32> to vector<16xf32>
        %get3A_475 = arith.index_cast %scan3A_446 : i32 to index
        %get3A_476 = arith.constant 112 : index
        %get3A_477 = tpu.vector_load %arg12[%get3A_475, %get3A_476] {strides = array<i32>} : memref<32x128xf32, #tpu.memory_space<vmem>>, vector<1x16xf32>,
        %get3A_478 = vector.shape_cast %get3A_477 : vector<1x16xf32> to vector<16xf32>
        %mul3A_479 = arith.mulf %get3A_450, %get3A_466 : vector<16xf32>
        %mul3A_480 = arith.mulf %get3A_454, %get3A_470 : vector<16xf32>
        %add3A_481 = arith.addf %mul3A_479, %mul3A_480 : vector<16xf32>
        %mul3A_482 = arith.mulf %get3A_458, %get3A_474 : vector<16xf32>
        %add3A_483 = arith.addf %add3A_481, %mul3A_482 : vector<16xf32>
        %mul3A_484 = arith.mulf %get3A_462, %get3A_478 : vector<16xf32>
        %add3A_485 = arith.addf %add3A_483, %mul3A_484 : vector<16xf32>
        %get3A_486 = arith.index_cast %scan3A_446 : i32 to index
        %get3A_487 = arith.constant 64 : index
        %get3A_488 = tpu.vector_load %arg13[%get3A_486, %get3A_487] {strides = array<i32>} : memref<640x128xf32, #tpu.memory_space<vmem>>, vector<1x16xf32>,
        %get3A_489 = vector.shape_cast %get3A_488 : vector<1x16xf32> to vector<16xf32>
        %mul3A_490 = arith.mulf %get3A_450, %get3A_489 : vector<16xf32>
        %get3A_491 = arith.index_cast %scan3A_446 : i32 to index
        %get3A_492 = arith.constant 80 : index
        %get3A_493 = tpu.vector_load %arg13[%get3A_491, %get3A_492] {strides = array<i32>} : memref<640x128xf32, #tpu.memory_space<vmem>>, vector<1x16xf32>,
        %get3A_494 = vector.shape_cast %get3A_493 : vector<1x16xf32> to vector<16xf32>
        %mul3A_495 = arith.mulf %get3A_454, %get3A_494 : vector<16xf32>
        %get3A_496 = arith.index_cast %scan3A_446 : i32 to index
        %get3A_497 = arith.constant 96 : index
        %get3A_498 = tpu.vector_load %arg13[%get3A_496, %get3A_497] {strides = array<i32>} : memref<640x128xf32, #tpu.memory_space<vmem>>, vector<1x16xf32>,
        %get3A_499 = vector.shape_cast %get3A_498 : vector<1x16xf32> to vector<16xf32>
        %mul3A_500 = arith.mulf %get3A_458, %get3A_499 : vector<16xf32>
        %get3A_501 = arith.index_cast %scan3A_446 : i32 to index
        %get3A_502 = arith.constant 112 : index
        %get3A_503 = tpu.vector_load %arg13[%get3A_501, %get3A_502] {strides = array<i32>} : memref<640x128xf32, #tpu.memory_space<vmem>>, vector<1x16xf32>,
        %get3A_504 = vector.shape_cast %get3A_503 : vector<1x16xf32> to vector<16xf32>
        %mul3A_505 = arith.mulf %get3A_462, %get3A_504 : vector<16xf32>
        %add3A_506 = arith.constant 32 : i32
        %add3A_507 = arith.addi %add3A_506, %scan3A_446 : i32
        %get3A_508 = arith.index_cast %add3A_507 : i32 to index
        %get3A_509 = arith.constant 64 : index
        %get3A_510 = tpu.vector_load %arg13[%get3A_508, %get3A_509] {strides = array<i32>} : memref<640x128xf32, #tpu.memory_space<vmem>>, vector<1x16xf32>,
        %get3A_511 = vector.shape_cast %get3A_510 : vector<1x16xf32> to vector<16xf32>
        %mul3A_512 = arith.mulf %get3A_450, %get3A_511 : vector<16xf32>
        %add3A_513 = arith.addf %mul3A_490, %mul3A_512 : vector<16xf32>
        %add3A_514 = arith.constant 32 : i32
        %add3A_515 = arith.addi %add3A_514, %scan3A_446 : i32
        %get3A_516 = arith.index_cast %add3A_515 : i32 to index
        %get3A_517 = arith.constant 80 : index
        %get3A_518 = tpu.vector_load %arg13[%get3A_516, %get3A_517] {strides = array<i32>} : memref<640x128xf32, #tpu.memory_space<vmem>>, vector<1x16xf32>,
        %get3A_519 = vector.shape_cast %get3A_518 : vector<1x16xf32> to vector<16xf32>
        %mul3A_520 = arith.mulf %get3A_454, %get3A_519 : vector<16xf32>
        %add3A_521 = arith.addf %mul3A_495, %mul3A_520 : vector<16xf32>
        %add3A_522 = arith.constant 32 : i32
        %add3A_523 = arith.addi %add3A_522, %scan3A_446 : i32
        %get3A_524 = arith.index_cast %add3A_523 : i32 to index
        %get3A_525 = arith.constant 96 : index
        %get3A_526 = tpu.vector_load %arg13[%get3A_524, %get3A_525] {strides = array<i32>} : memref<640x128xf32, #tpu.memory_space<vmem>>, vector<1x16xf32>,
        %get3A_527 = vector.shape_cast %get3A_526 : vector<1x16xf32> to vector<16xf32>
        %mul3A_528 = arith.mulf %get3A_458, %get3A_527 : vector<16xf32>
        %add3A_529 = arith.addf %mul3A_500, %mul3A_528 : vector<16xf32>
        %add3A_530 = arith.constant 32 : i32
        %add3A_531 = arith.addi %add3A_530, %scan3A_446 : i32
        %get3A_532 = arith.index_cast %add3A_531 : i32 to index
        %get3A_533 = arith.constant 112 : index
        %get3A_534 = tpu.vector_load %arg13[%get3A_532, %get3A_533] {strides = array<i32>} : memref<640x128xf32, #tpu.memory_space<vmem>>, vector<1x16xf32>,
        %get3A_535 = vector.shape_cast %get3A_534 : vector<1x16xf32> to vector<16xf32>
        %mul3A_536 = arith.mulf %get3A_462, %get3A_535 : vector<16xf32>
        %add3A_537 = arith.addf %mul3A_505, %mul3A_536 : vector<16xf32>
        %add3A_538 = arith.constant 64 : i32
        %add3A_539 = arith.addi %add3A_538, %scan3A_446 : i32
        %get3A_540 = arith.index_cast %add3A_539 : i32 to index
        %get3A_541 = arith.constant 64 : index
        %get3A_542 = tpu.vector_load %arg13[%get3A_540, %get3A_541] {strides = array<i32>} : memref<640x128xf32, #tpu.memory_space<vmem>>, vector<1x16xf32>,
        %get3A_543 = vector.shape_cast %get3A_542 : vector<1x16xf32> to vector<16xf32>
        %mul3A_544 = arith.mulf %get3A_450, %get3A_543 : vector<16xf32>
        %add3A_545 = arith.addf %add3A_513, %mul3A_544 : vector<16xf32>
        %add3A_546 = arith.constant 64 : i32
        %add3A_547 = arith.addi %add3A_546, %scan3A_446 : i32
        %get3A_548 = arith.index_cast %add3A_547 : i32 to index
        %get3A_549 = arith.constant 80 : index
        %get3A_550 = tpu.vector_load %arg13[%get3A_548, %get3A_549] {strides = array<i32>} : memref<640x128xf32, #tpu.memory_space<vmem>>, vector<1x16xf32>,
        %get3A_551 = vector.shape_cast %get3A_550 : vector<1x16xf32> to vector<16xf32>
        %mul3A_552 = arith.mulf %get3A_454, %get3A_551 : vector<16xf32>
        %add3A_553 = arith.addf %add3A_521, %mul3A_552 : vector<16xf32>
        %add3A_554 = arith.constant 64 : i32
        %add3A_555 = arith.addi %add3A_554, %scan3A_446 : i32
        %get3A_556 = arith.index_cast %add3A_555 : i32 to index
        %get3A_557 = arith.constant 96 : index
        %get3A_558 = tpu.vector_load %arg13[%get3A_556, %get3A_557] {strides = array<i32>} : memref<640x128xf32, #tpu.memory_space<vmem>>, vector<1x16xf32>,
        %get3A_559 = vector.shape_cast %get3A_558 : vector<1x16xf32> to vector<16xf32>
        %mul3A_560 = arith.mulf %get3A_458, %get3A_559 : vector<16xf32>
        %add3A_561 = arith.addf %add3A_529, %mul3A_560 : vector<16xf32>
        %add3A_562 = arith.constant 64 : i32
        %add3A_563 = arith.addi %add3A_562, %scan3A_446 : i32
        %get3A_564 = arith.index_cast %add3A_563 : i32 to index
        %get3A_565 = arith.constant 112 : index
        %get3A_566 = tpu.vector_load %arg13[%get3A_564, %get3A_565] {strides = array<i32>} : memref<640x128xf32, #tpu.memory_space<vmem>>, vector<1x16xf32>,
        %get3A_567 = vector.shape_cast %get3A_566 : vector<1x16xf32> to vector<16xf32>
        %mul3A_568 = arith.mulf %get3A_462, %get3A_567 : vector<16xf32>
        %add3A_569 = arith.addf %add3A_537, %mul3A_568 : vector<16xf32>
        %add3A_570 = arith.constant 96 : i32
        %add3A_571 = arith.addi %add3A_570, %scan3A_446 : i32
        %get3A_572 = arith.index_cast %add3A_571 : i32 to index
        %get3A_573 = arith.constant 64 : index
        %get3A_574 = tpu.vector_load %arg13[%get3A_572, %get3A_573] {strides = array<i32>} : memref<640x128xf32, #tpu.memory_space<vmem>>, vector<1x16xf32>,
        %get3A_575 = vector.shape_cast %get3A_574 : vector<1x16xf32> to vector<16xf32>
        %mul3A_576 = arith.mulf %get3A_450, %get3A_575 : vector<16xf32>
        %add3A_577 = arith.addf %add3A_545, %mul3A_576 : vector<16xf32>
        %add3A_578 = arith.constant 96 : i32
        %add3A_579 = arith.addi %add3A_578, %scan3A_446 : i32
        %get3A_580 = arith.index_cast %add3A_579 : i32 to index
        %get3A_581 = arith.constant 80 : index
        %get3A_582 = tpu.vector_load %arg13[%get3A_580, %get3A_581] {strides = array<i32>} : memref<640x128xf32, #tpu.memory_space<vmem>>, vector<1x16xf32>,
        %get3A_583 = vector.shape_cast %get3A_582 : vector<1x16xf32> to vector<16xf32>
        %mul3A_584 = arith.mulf %get3A_454, %get3A_583 : vector<16xf32>
        %add3A_585 = arith.addf %add3A_553, %mul3A_584 : vector<16xf32>
        %add3A_586 = arith.constant 96 : i32
        %add3A_587 = arith.addi %add3A_586, %scan3A_446 : i32
        %get3A_588 = arith.index_cast %add3A_587 : i32 to index
        %get3A_589 = arith.constant 96 : index
        %get3A_590 = tpu.vector_load %arg13[%get3A_588, %get3A_589] {strides = array<i32>} : memref<640x128xf32, #tpu.memory_space<vmem>>, vector<1x16xf32>,
        %get3A_591 = vector.shape_cast %get3A_590 : vector<1x16xf32> to vector<16xf32>
        %mul3A_592 = arith.mulf %get3A_458, %get3A_591 : vector<16xf32>
        %add3A_593 = arith.addf %add3A_561, %mul3A_592 : vector<16xf32>
        %add3A_594 = arith.constant 96 : i32
        %add3A_595 = arith.addi %add3A_594, %scan3A_446 : i32
        %get3A_596 = arith.index_cast %add3A_595 : i32 to index
        %get3A_597 = arith.constant 112 : index
        %get3A_598 = tpu.vector_load %arg13[%get3A_596, %get3A_597] {strides = array<i32>} : memref<640x128xf32, #tpu.memory_space<vmem>>, vector<1x16xf32>,
        %get3A_599 = vector.shape_cast %get3A_598 : vector<1x16xf32> to vector<16xf32>
        %mul3A_600 = arith.mulf %get3A_462, %get3A_599 : vector<16xf32>
        %add3A_601 = arith.addf %add3A_569, %mul3A_600 : vector<16xf32>
        %add3A_602 = arith.constant 128 : i32
        %add3A_603 = arith.addi %add3A_602, %scan3A_446 : i32
        %get3A_604 = arith.index_cast %add3A_603 : i32 to index
        %get3A_605 = arith.constant 64 : index
        %get3A_606 = tpu.vector_load %arg13[%get3A_604, %get3A_605] {strides = array<i32>} : memref<640x128xf32, #tpu.memory_space<vmem>>, vector<1x16xf32>,
        %get3A_607 = vector.shape_cast %get3A_606 : vector<1x16xf32> to vector<16xf32>
        %mul3A_608 = arith.mulf %get3A_450, %get3A_607 : vector<16xf32>
        %add3A_609 = arith.addf %add3A_577, %mul3A_608 : vector<16xf32>
        %add3A_610 = arith.constant 128 : i32
        %add3A_611 = arith.addi %add3A_610, %scan3A_446 : i32
        %get3A_612 = arith.index_cast %add3A_611 : i32 to index
        %get3A_613 = arith.constant 80 : index
        %get3A_614 = tpu.vector_load %arg13[%get3A_612, %get3A_613] {strides = array<i32>} : memref<640x128xf32, #tpu.memory_space<vmem>>, vector<1x16xf32>,
        %get3A_615 = vector.shape_cast %get3A_614 : vector<1x16xf32> to vector<16xf32>
        %mul3A_616 = arith.mulf %get3A_454, %get3A_615 : vector<16xf32>
        %add3A_617 = arith.addf %add3A_585, %mul3A_616 : vector<16xf32>
        %add3A_618 = arith.constant 128 : i32
        %add3A_619 = arith.addi %add3A_618, %scan3A_446 : i32
        %get3A_620 = arith.index_cast %add3A_619 : i32 to index
        %get3A_621 = arith.constant 96 : index
        %get3A_622 = tpu.vector_load %arg13[%get3A_620, %get3A_621] {strides = array<i32>} : memref<640x128xf32, #tpu.memory_space<vmem>>, vector<1x16xf32>,
        %get3A_623 = vector.shape_cast %get3A_622 : vector<1x16xf32> to vector<16xf32>
        %mul3A_624 = arith.mulf %get3A_458, %get3A_623 : vector<16xf32>
        %add3A_625 = arith.addf %add3A_593, %mul3A_624 : vector<16xf32>
        %add3A_626 = arith.constant 128 : i32
        %add3A_627 = arith.addi %add3A_626, %scan3A_446 : i32
        %get3A_628 = arith.index_cast %add3A_627 : i32 to index
        %get3A_629 = arith.constant 112 : index
        %get3A_630 = tpu.vector_load %arg13[%get3A_628, %get3A_629] {strides = array<i32>} : memref<640x128xf32, #tpu.memory_space<vmem>>, vector<1x16xf32>,
        %get3A_631 = vector.shape_cast %get3A_630 : vector<1x16xf32> to vector<16xf32>
        %mul3A_632 = arith.mulf %get3A_462, %get3A_631 : vector<16xf32>
        %add3A_633 = arith.addf %add3A_601, %mul3A_632 : vector<16xf32>
        %add3A_634 = arith.constant 160 : i32
        %add3A_635 = arith.addi %add3A_634, %scan3A_446 : i32
        %get3A_636 = arith.index_cast %add3A_635 : i32 to index
        %get3A_637 = arith.constant 64 : index
        %get3A_638 = tpu.vector_load %arg13[%get3A_636, %get3A_637] {strides = array<i32>} : memref<640x128xf32, #tpu.memory_space<vmem>>, vector<1x16xf32>,
        %get3A_639 = vector.shape_cast %get3A_638 : vector<1x16xf32> to vector<16xf32>
        %mul3A_640 = arith.mulf %get3A_450, %get3A_639 : vector<16xf32>
        %add3A_641 = arith.addf %add3A_609, %mul3A_640 : vector<16xf32>
        %add3A_642 = arith.constant 160 : i32
        %add3A_643 = arith.addi %add3A_642, %scan3A_446 : i32
        %get3A_644 = arith.index_cast %add3A_643 : i32 to index
        %get3A_645 = arith.constant 80 : index
        %get3A_646 = tpu.vector_load %arg13[%get3A_644, %get3A_645] {strides = array<i32>} : memref<640x128xf32, #tpu.memory_space<vmem>>, vector<1x16xf32>,
        %get3A_647 = vector.shape_cast %get3A_646 : vector<1x16xf32> to vector<16xf32>
        %mul3A_648 = arith.mulf %get3A_454, %get3A_647 : vector<16xf32>
        %add3A_649 = arith.addf %add3A_617, %mul3A_648 : vector<16xf32>
        %add3A_650 = arith.constant 160 : i32
        %add3A_651 = arith.addi %add3A_650, %scan3A_446 : i32
        %get3A_652 = arith.index_cast %add3A_651 : i32 to index
        %get3A_653 = arith.constant 96 : index
        %get3A_654 = tpu.vector_load %arg13[%get3A_652, %get3A_653] {strides = array<i32>} : memref<640x128xf32, #tpu.memory_space<vmem>>, vector<1x16xf32>,
        %get3A_655 = vector.shape_cast %get3A_654 : vector<1x16xf32> to vector<16xf32>
        %mul3A_656 = arith.mulf %get3A_458, %get3A_655 : vector<16xf32>
        %add3A_657 = arith.addf %add3A_625, %mul3A_656 : vector<16xf32>
        %add3A_658 = arith.constant 160 : i32
        %add3A_659 = arith.addi %add3A_658, %scan3A_446 : i32
        %get3A_660 = arith.index_cast %add3A_659 : i32 to index
        %get3A_661 = arith.constant 112 : index
        %get3A_662 = tpu.vector_load %arg13[%get3A_660, %get3A_661] {strides = array<i32>} : memref<640x128xf32, #tpu.memory_space<vmem>>, vector<1x16xf32>,
        %get3A_663 = vector.shape_cast %get3A_662 : vector<1x16xf32> to vector<16xf32>
        %mul3A_664 = arith.mulf %get3A_462, %get3A_663 : vector<16xf32>
        %add3A_665 = arith.addf %add3A_633, %mul3A_664 : vector<16xf32>
        %add3A_666 = arith.constant 192 : i32
        %add3A_667 = arith.addi %add3A_666, %scan3A_446 : i32
        %get3A_668 = arith.index_cast %add3A_667 : i32 to index
        %get3A_669 = arith.constant 64 : index
        %get3A_670 = tpu.vector_load %arg13[%get3A_668, %get3A_669] {strides = array<i32>} : memref<640x128xf32, #tpu.memory_space<vmem>>, vector<1x16xf32>,
        %get3A_671 = vector.shape_cast %get3A_670 : vector<1x16xf32> to vector<16xf32>
        %mul3A_672 = arith.mulf %get3A_450, %get3A_671 : vector<16xf32>
        %add3A_673 = arith.addf %add3A_641, %mul3A_672 : vector<16xf32>
        %add3A_674 = arith.constant 192 : i32
        %add3A_675 = arith.addi %add3A_674, %scan3A_446 : i32
        %get3A_676 = arith.index_cast %add3A_675 : i32 to index
        %get3A_677 = arith.constant 80 : index
        %get3A_678 = tpu.vector_load %arg13[%get3A_676, %get3A_677] {strides = array<i32>} : memref<640x128xf32, #tpu.memory_space<vmem>>, vector<1x16xf32>,
        %get3A_679 = vector.shape_cast %get3A_678 : vector<1x16xf32> to vector<16xf32>
        %mul3A_680 = arith.mulf %get3A_454, %get3A_679 : vector<16xf32>
        %add3A_681 = arith.addf %add3A_649, %mul3A_680 : vector<16xf32>
        %add3A_682 = arith.constant 192 : i32
        %add3A_683 = arith.addi %add3A_682, %scan3A_446 : i32
        %get3A_684 = arith.index_cast %add3A_683 : i32 to index
        %get3A_685 = arith.constant 96 : index
        %get3A_686 = tpu.vector_load %arg13[%get3A_684, %get3A_685] {strides = array<i32>} : memref<640x128xf32, #tpu.memory_space<vmem>>, vector<1x16xf32>,
        %get3A_687 = vector.shape_cast %get3A_686 : vector<1x16xf32> to vector<16xf32>
        %mul3A_688 = arith.mulf %get3A_458, %get3A_687 : vector<16xf32>
        %add3A_689 = arith.addf %add3A_657, %mul3A_688 : vector<16xf32>
        %add3A_690 = arith.constant 192 : i32
        %add3A_691 = arith.addi %add3A_690, %scan3A_446 : i32
        %get3A_692 = arith.index_cast %add3A_691 : i32 to index
        %get3A_693 = arith.constant 112 : index
        %get3A_694 = tpu.vector_load %arg13[%get3A_692, %get3A_693] {strides = array<i32>} : memref<640x128xf32, #tpu.memory_space<vmem>>, vector<1x16xf32>,
        %get3A_695 = vector.shape_cast %get3A_694 : vector<1x16xf32> to vector<16xf32>
        %mul3A_696 = arith.mulf %get3A_462, %get3A_695 : vector<16xf32>
        %add3A_697 = arith.addf %add3A_665, %mul3A_696 : vector<16xf32>
        %add3A_698 = arith.constant 224 : i32
        %add3A_699 = arith.addi %add3A_698, %scan3A_446 : i32
        %get3A_700 = arith.index_cast %add3A_699 : i32 to index
        %get3A_701 = arith.constant 64 : index
        %get3A_702 = tpu.vector_load %arg13[%get3A_700, %get3A_701] {strides = array<i32>} : memref<640x128xf32, #tpu.memory_space<vmem>>, vector<1x16xf32>,
        %get3A_703 = vector.shape_cast %get3A_702 : vector<1x16xf32> to vector<16xf32>
        %mul3A_704 = arith.mulf %get3A_450, %get3A_703 : vector<16xf32>
        %add3A_705 = arith.addf %add3A_673, %mul3A_704 : vector<16xf32>
        %add3A_706 = arith.constant 224 : i32
        %add3A_707 = arith.addi %add3A_706, %scan3A_446 : i32
        %get3A_708 = arith.index_cast %add3A_707 : i32 to index
        %get3A_709 = arith.constant 80 : index
        %get3A_710 = tpu.vector_load %arg13[%get3A_708, %get3A_709] {strides = array<i32>} : memref<640x128xf32, #tpu.memory_space<vmem>>, vector<1x16xf32>,
        %get3A_711 = vector.shape_cast %get3A_710 : vector<1x16xf32> to vector<16xf32>
        %mul3A_712 = arith.mulf %get3A_454, %get3A_711 : vector<16xf32>
        %add3A_713 = arith.addf %add3A_681, %mul3A_712 : vector<16xf32>
        %add3A_714 = arith.constant 224 : i32
        %add3A_715 = arith.addi %add3A_714, %scan3A_446 : i32
        %get3A_716 = arith.index_cast %add3A_715 : i32 to index
        %get3A_717 = arith.constant 96 : index
        %get3A_718 = tpu.vector_load %arg13[%get3A_716, %get3A_717] {strides = array<i32>} : memref<640x128xf32, #tpu.memory_space<vmem>>, vector<1x16xf32>,
        %get3A_719 = vector.shape_cast %get3A_718 : vector<1x16xf32> to vector<16xf32>
        %mul3A_720 = arith.mulf %get3A_458, %get3A_719 : vector<16xf32>
        %add3A_721 = arith.addf %add3A_689, %mul3A_720 : vector<16xf32>
        %add3A_722 = arith.constant 224 : i32
        %add3A_723 = arith.addi %add3A_722, %scan3A_446 : i32
        %get3A_724 = arith.index_cast %add3A_723 : i32 to index
        %get3A_725 = arith.constant 112 : index
        %get3A_726 = tpu.vector_load %arg13[%get3A_724, %get3A_725] {strides = array<i32>} : memref<640x128xf32, #tpu.memory_space<vmem>>, vector<1x16xf32>,
        %get3A_727 = vector.shape_cast %get3A_726 : vector<1x16xf32> to vector<16xf32>
        %mul3A_728 = arith.mulf %get3A_462, %get3A_727 : vector<16xf32>
        %add3A_729 = arith.addf %add3A_697, %mul3A_728 : vector<16xf32>
        %add3A_730 = arith.constant 256 : i32
        %add3A_731 = arith.addi %add3A_730, %scan3A_446 : i32
        %get3A_732 = arith.index_cast %add3A_731 : i32 to index
        %get3A_733 = arith.constant 64 : index
        %get3A_734 = tpu.vector_load %arg13[%get3A_732, %get3A_733] {strides = array<i32>} : memref<640x128xf32, #tpu.memory_space<vmem>>, vector<1x16xf32>,
        %get3A_735 = vector.shape_cast %get3A_734 : vector<1x16xf32> to vector<16xf32>
        %mul3A_736 = arith.mulf %get3A_450, %get3A_735 : vector<16xf32>
        %add3A_737 = arith.addf %add3A_705, %mul3A_736 : vector<16xf32>
        %add3A_738 = arith.constant 256 : i32
        %add3A_739 = arith.addi %add3A_738, %scan3A_446 : i32
        %get3A_740 = arith.index_cast %add3A_739 : i32 to index
        %get3A_741 = arith.constant 80 : index
        %get3A_742 = tpu.vector_load %arg13[%get3A_740, %get3A_741] {strides = array<i32>} : memref<640x128xf32, #tpu.memory_space<vmem>>, vector<1x16xf32>,
        %get3A_743 = vector.shape_cast %get3A_742 : vector<1x16xf32> to vector<16xf32>
        %mul3A_744 = arith.mulf %get3A_454, %get3A_743 : vector<16xf32>
        %add3A_745 = arith.addf %add3A_713, %mul3A_744 : vector<16xf32>
        %add3A_746 = arith.constant 256 : i32
        %add3A_747 = arith.addi %add3A_746, %scan3A_446 : i32
        %get3A_748 = arith.index_cast %add3A_747 : i32 to index
        %get3A_749 = arith.constant 96 : index
        %get3A_750 = tpu.vector_load %arg13[%get3A_748, %get3A_749] {strides = array<i32>} : memref<640x128xf32, #tpu.memory_space<vmem>>, vector<1x16xf32>,
        %get3A_751 = vector.shape_cast %get3A_750 : vector<1x16xf32> to vector<16xf32>
        %mul3A_752 = arith.mulf %get3A_458, %get3A_751 : vector<16xf32>
        %add3A_753 = arith.addf %add3A_721, %mul3A_752 : vector<16xf32>
        %add3A_754 = arith.constant 256 : i32
        %add3A_755 = arith.addi %add3A_754, %scan3A_446 : i32
        %get3A_756 = arith.index_cast %add3A_755 : i32 to index
        %get3A_757 = arith.constant 112 : index
        %get3A_758 = tpu.vector_load %arg13[%get3A_756, %get3A_757] {strides = array<i32>} : memref<640x128xf32, #tpu.memory_space<vmem>>, vector<1x16xf32>,
        %get3A_759 = vector.shape_cast %get3A_758 : vector<1x16xf32> to vector<16xf32>
        %mul3A_760 = arith.mulf %get3A_462, %get3A_759 : vector<16xf32>
        %add3A_761 = arith.addf %add3A_729, %mul3A_760 : vector<16xf32>
        %add3A_762 = arith.constant 288 : i32
        %add3A_763 = arith.addi %add3A_762, %scan3A_446 : i32
        %get3A_764 = arith.index_cast %add3A_763 : i32 to index
        %get3A_765 = arith.constant 64 : index
        %get3A_766 = tpu.vector_load %arg13[%get3A_764, %get3A_765] {strides = array<i32>} : memref<640x128xf32, #tpu.memory_space<vmem>>, vector<1x16xf32>,
        %get3A_767 = vector.shape_cast %get3A_766 : vector<1x16xf32> to vector<16xf32>
        %mul3A_768 = arith.mulf %get3A_450, %get3A_767 : vector<16xf32>
        %add3A_769 = arith.addf %add3A_737, %mul3A_768 : vector<16xf32>
        %add3A_770 = arith.constant 288 : i32
        %add3A_771 = arith.addi %add3A_770, %scan3A_446 : i32
        %get3A_772 = arith.index_cast %add3A_771 : i32 to index
        %get3A_773 = arith.constant 80 : index
        %get3A_774 = tpu.vector_load %arg13[%get3A_772, %get3A_773] {strides = array<i32>} : memref<640x128xf32, #tpu.memory_space<vmem>>, vector<1x16xf32>,
        %get3A_775 = vector.shape_cast %get3A_774 : vector<1x16xf32> to vector<16xf32>
        %mul3A_776 = arith.mulf %get3A_454, %get3A_775 : vector<16xf32>
        %add3A_777 = arith.addf %add3A_745, %mul3A_776 : vector<16xf32>
        %add3A_778 = arith.constant 288 : i32
        %add3A_779 = arith.addi %add3A_778, %scan3A_446 : i32
        %get3A_780 = arith.index_cast %add3A_779 : i32 to index
        %get3A_781 = arith.constant 96 : index
        %get3A_782 = tpu.vector_load %arg13[%get3A_780, %get3A_781] {strides = array<i32>} : memref<640x128xf32, #tpu.memory_space<vmem>>, vector<1x16xf32>,
        %get3A_783 = vector.shape_cast %get3A_782 : vector<1x16xf32> to vector<16xf32>
        %mul3A_784 = arith.mulf %get3A_458, %get3A_783 : vector<16xf32>
        %add3A_785 = arith.addf %add3A_753, %mul3A_784 : vector<16xf32>
        %add3A_786 = arith.constant 288 : i32
        %add3A_787 = arith.addi %add3A_786, %scan3A_446 : i32
        %get3A_788 = arith.index_cast %add3A_787 : i32 to index
        %get3A_789 = arith.constant 112 : index
        %get3A_790 = tpu.vector_load %arg13[%get3A_788, %get3A_789] {strides = array<i32>} : memref<640x128xf32, #tpu.memory_space<vmem>>, vector<1x16xf32>,
        %get3A_791 = vector.shape_cast %get3A_790 : vector<1x16xf32> to vector<16xf32>
        %mul3A_792 = arith.mulf %get3A_462, %get3A_791 : vector<16xf32>
        %add3A_793 = arith.addf %add3A_761, %mul3A_792 : vector<16xf32>
        %add3A_794 = arith.constant 320 : i32
        %add3A_795 = arith.addi %add3A_794, %scan3A_446 : i32
        %get3A_796 = arith.index_cast %add3A_795 : i32 to index
        %get3A_797 = arith.constant 64 : index
        %get3A_798 = tpu.vector_load %arg13[%get3A_796, %get3A_797] {strides = array<i32>} : memref<640x128xf32, #tpu.memory_space<vmem>>, vector<1x16xf32>,
        %get3A_799 = vector.shape_cast %get3A_798 : vector<1x16xf32> to vector<16xf32>
        %mul3A_800 = arith.mulf %get3A_450, %get3A_799 : vector<16xf32>
        %add3A_801 = arith.addf %add3A_769, %mul3A_800 : vector<16xf32>
        %add3A_802 = arith.constant 320 : i32
        %add3A_803 = arith.addi %add3A_802, %scan3A_446 : i32
        %get3A_804 = arith.index_cast %add3A_803 : i32 to index
        %get3A_805 = arith.constant 80 : index
        %get3A_806 = tpu.vector_load %arg13[%get3A_804, %get3A_805] {strides = array<i32>} : memref<640x128xf32, #tpu.memory_space<vmem>>, vector<1x16xf32>,
        %get3A_807 = vector.shape_cast %get3A_806 : vector<1x16xf32> to vector<16xf32>
        %mul3A_808 = arith.mulf %get3A_454, %get3A_807 : vector<16xf32>
        %add3A_809 = arith.addf %add3A_777, %mul3A_808 : vector<16xf32>
        %add3A_810 = arith.constant 320 : i32
        %add3A_811 = arith.addi %add3A_810, %scan3A_446 : i32
        %get3A_812 = arith.index_cast %add3A_811 : i32 to index
        %get3A_813 = arith.constant 96 : index
        %get3A_814 = tpu.vector_load %arg13[%get3A_812, %get3A_813] {strides = array<i32>} : memref<640x128xf32, #tpu.memory_space<vmem>>, vector<1x16xf32>,
        %get3A_815 = vector.shape_cast %get3A_814 : vector<1x16xf32> to vector<16xf32>
        %mul3A_816 = arith.mulf %get3A_458, %get3A_815 : vector<16xf32>
        %add3A_817 = arith.addf %add3A_785, %mul3A_816 : vector<16xf32>
        %add3A_818 = arith.constant 320 : i32
        %add3A_819 = arith.addi %add3A_818, %scan3A_446 : i32
        %get3A_820 = arith.index_cast %add3A_819 : i32 to index
        %get3A_821 = arith.constant 112 : index
        %get3A_822 = tpu.vector_load %arg13[%get3A_820, %get3A_821] {strides = array<i32>} : memref<640x128xf32, #tpu.memory_space<vmem>>, vector<1x16xf32>,
        %get3A_823 = vector.shape_cast %get3A_822 : vector<1x16xf32> to vector<16xf32>
        %mul3A_824 = arith.mulf %get3A_462, %get3A_823 : vector<16xf32>
        %add3A_825 = arith.addf %add3A_793, %mul3A_824 : vector<16xf32>
        %add3A_826 = arith.constant 352 : i32
        %add3A_827 = arith.addi %add3A_826, %scan3A_446 : i32
        %get3A_828 = arith.index_cast %add3A_827 : i32 to index
        %get3A_829 = arith.constant 64 : index
        %get3A_830 = tpu.vector_load %arg13[%get3A_828, %get3A_829] {strides = array<i32>} : memref<640x128xf32, #tpu.memory_space<vmem>>, vector<1x16xf32>,
        %get3A_831 = vector.shape_cast %get3A_830 : vector<1x16xf32> to vector<16xf32>
        %mul3A_832 = arith.mulf %get3A_450, %get3A_831 : vector<16xf32>
        %add3A_833 = arith.addf %add3A_801, %mul3A_832 : vector<16xf32>
        %add3A_834 = arith.constant 352 : i32
        %add3A_835 = arith.addi %add3A_834, %scan3A_446 : i32
        %get3A_836 = arith.index_cast %add3A_835 : i32 to index
        %get3A_837 = arith.constant 80 : index
        %get3A_838 = tpu.vector_load %arg13[%get3A_836, %get3A_837] {strides = array<i32>} : memref<640x128xf32, #tpu.memory_space<vmem>>, vector<1x16xf32>,
        %get3A_839 = vector.shape_cast %get3A_838 : vector<1x16xf32> to vector<16xf32>
        %mul3A_840 = arith.mulf %get3A_454, %get3A_839 : vector<16xf32>
        %add3A_841 = arith.addf %add3A_809, %mul3A_840 : vector<16xf32>
        %add3A_842 = arith.constant 352 : i32
        %add3A_843 = arith.addi %add3A_842, %scan3A_446 : i32
        %get3A_844 = arith.index_cast %add3A_843 : i32 to index
        %get3A_845 = arith.constant 96 : index
        %get3A_846 = tpu.vector_load %arg13[%get3A_844, %get3A_845] {strides = array<i32>} : memref<640x128xf32, #tpu.memory_space<vmem>>, vector<1x16xf32>,
        %get3A_847 = vector.shape_cast %get3A_846 : vector<1x16xf32> to vector<16xf32>
        %mul3A_848 = arith.mulf %get3A_458, %get3A_847 : vector<16xf32>
        %add3A_849 = arith.addf %add3A_817, %mul3A_848 : vector<16xf32>
        %add3A_850 = arith.constant 352 : i32
        %add3A_851 = arith.addi %add3A_850, %scan3A_446 : i32
        %get3A_852 = arith.index_cast %add3A_851 : i32 to index
        %get3A_853 = arith.constant 112 : index
        %get3A_854 = tpu.vector_load %arg13[%get3A_852, %get3A_853] {strides = array<i32>} : memref<640x128xf32, #tpu.memory_space<vmem>>, vector<1x16xf32>,
        %get3A_855 = vector.shape_cast %get3A_854 : vector<1x16xf32> to vector<16xf32>
        %mul3A_856 = arith.mulf %get3A_462, %get3A_855 : vector<16xf32>
        %add3A_857 = arith.addf %add3A_825, %mul3A_856 : vector<16xf32>
        %add3A_858 = arith.constant 384 : i32
        %add3A_859 = arith.addi %add3A_858, %scan3A_446 : i32
        %get3A_860 = arith.index_cast %add3A_859 : i32 to index
        %get3A_861 = arith.constant 64 : index
        %get3A_862 = tpu.vector_load %arg13[%get3A_860, %get3A_861] {strides = array<i32>} : memref<640x128xf32, #tpu.memory_space<vmem>>, vector<1x16xf32>,
        %get3A_863 = vector.shape_cast %get3A_862 : vector<1x16xf32> to vector<16xf32>
        %mul3A_864 = arith.mulf %get3A_450, %get3A_863 : vector<16xf32>
        %add3A_865 = arith.addf %add3A_833, %mul3A_864 : vector<16xf32>
        %add3A_866 = arith.constant 384 : i32
        %add3A_867 = arith.addi %add3A_866, %scan3A_446 : i32
        %get3A_868 = arith.index_cast %add3A_867 : i32 to index
        %get3A_869 = arith.constant 80 : index
        %get3A_870 = tpu.vector_load %arg13[%get3A_868, %get3A_869] {strides = array<i32>} : memref<640x128xf32, #tpu.memory_space<vmem>>, vector<1x16xf32>,
        %get3A_871 = vector.shape_cast %get3A_870 : vector<1x16xf32> to vector<16xf32>
        %mul3A_872 = arith.mulf %get3A_454, %get3A_871 : vector<16xf32>
        %add3A_873 = arith.addf %add3A_841, %mul3A_872 : vector<16xf32>
        %add3A_874 = arith.constant 384 : i32
        %add3A_875 = arith.addi %add3A_874, %scan3A_446 : i32
        %get3A_876 = arith.index_cast %add3A_875 : i32 to index
        %get3A_877 = arith.constant 96 : index
        %get3A_878 = tpu.vector_load %arg13[%get3A_876, %get3A_877] {strides = array<i32>} : memref<640x128xf32, #tpu.memory_space<vmem>>, vector<1x16xf32>,
        %get3A_879 = vector.shape_cast %get3A_878 : vector<1x16xf32> to vector<16xf32>
        %mul3A_880 = arith.mulf %get3A_458, %get3A_879 : vector<16xf32>
        %add3A_881 = arith.addf %add3A_849, %mul3A_880 : vector<16xf32>
        %add3A_882 = arith.constant 384 : i32
        %add3A_883 = arith.addi %add3A_882, %scan3A_446 : i32
        %get3A_884 = arith.index_cast %add3A_883 : i32 to index
        %get3A_885 = arith.constant 112 : index
        %get3A_886 = tpu.vector_load %arg13[%get3A_884, %get3A_885] {strides = array<i32>} : memref<640x128xf32, #tpu.memory_space<vmem>>, vector<1x16xf32>,
        %get3A_887 = vector.shape_cast %get3A_886 : vector<1x16xf32> to vector<16xf32>
        %mul3A_888 = arith.mulf %get3A_462, %get3A_887 : vector<16xf32>
        %add3A_889 = arith.addf %add3A_857, %mul3A_888 : vector<16xf32>
        %add3A_890 = arith.constant 416 : i32
        %add3A_891 = arith.addi %add3A_890, %scan3A_446 : i32
        %get3A_892 = arith.index_cast %add3A_891 : i32 to index
        %get3A_893 = arith.constant 64 : index
        %get3A_894 = tpu.vector_load %arg13[%get3A_892, %get3A_893] {strides = array<i32>} : memref<640x128xf32, #tpu.memory_space<vmem>>, vector<1x16xf32>,
        %get3A_895 = vector.shape_cast %get3A_894 : vector<1x16xf32> to vector<16xf32>
        %mul3A_896 = arith.mulf %get3A_450, %get3A_895 : vector<16xf32>
        %add3A_897 = arith.addf %add3A_865, %mul3A_896 : vector<16xf32>
        %add3A_898 = arith.constant 416 : i32
        %add3A_899 = arith.addi %add3A_898, %scan3A_446 : i32
        %get3A_900 = arith.index_cast %add3A_899 : i32 to index
        %get3A_901 = arith.constant 80 : index
        %get3A_902 = tpu.vector_load %arg13[%get3A_900, %get3A_901] {strides = array<i32>} : memref<640x128xf32, #tpu.memory_space<vmem>>, vector<1x16xf32>,
        %get3A_903 = vector.shape_cast %get3A_902 : vector<1x16xf32> to vector<16xf32>
        %mul3A_904 = arith.mulf %get3A_454, %get3A_903 : vector<16xf32>
        %add3A_905 = arith.addf %add3A_873, %mul3A_904 : vector<16xf32>
        %add3A_906 = arith.constant 416 : i32
        %add3A_907 = arith.addi %add3A_906, %scan3A_446 : i32
        %get3A_908 = arith.index_cast %add3A_907 : i32 to index
        %get3A_909 = arith.constant 96 : index
        %get3A_910 = tpu.vector_load %arg13[%get3A_908, %get3A_909] {strides = array<i32>} : memref<640x128xf32, #tpu.memory_space<vmem>>, vector<1x16xf32>,
        %get3A_911 = vector.shape_cast %get3A_910 : vector<1x16xf32> to vector<16xf32>
        %mul3A_912 = arith.mulf %get3A_458, %get3A_911 : vector<16xf32>
        %add3A_913 = arith.addf %add3A_881, %mul3A_912 : vector<16xf32>
        %add3A_914 = arith.constant 416 : i32
        %add3A_915 = arith.addi %add3A_914, %scan3A_446 : i32
        %get3A_916 = arith.index_cast %add3A_915 : i32 to index
        %get3A_917 = arith.constant 112 : index
        %get3A_918 = tpu.vector_load %arg13[%get3A_916, %get3A_917] {strides = array<i32>} : memref<640x128xf32, #tpu.memory_space<vmem>>, vector<1x16xf32>,
        %get3A_919 = vector.shape_cast %get3A_918 : vector<1x16xf32> to vector<16xf32>
        %mul3A_920 = arith.mulf %get3A_462, %get3A_919 : vector<16xf32>
        %add3A_921 = arith.addf %add3A_889, %mul3A_920 : vector<16xf32>
        %add3A_922 = arith.constant 448 : i32
        %add3A_923 = arith.addi %add3A_922, %scan3A_446 : i32
        %get3A_924 = arith.index_cast %add3A_923 : i32 to index
        %get3A_925 = arith.constant 64 : index
        %get3A_926 = tpu.vector_load %arg13[%get3A_924, %get3A_925] {strides = array<i32>} : memref<640x128xf32, #tpu.memory_space<vmem>>, vector<1x16xf32>,
        %get3A_927 = vector.shape_cast %get3A_926 : vector<1x16xf32> to vector<16xf32>
        %mul3A_928 = arith.mulf %get3A_450, %get3A_927 : vector<16xf32>
        %add3A_929 = arith.addf %add3A_897, %mul3A_928 : vector<16xf32>
        %add3A_930 = arith.constant 448 : i32
        %add3A_931 = arith.addi %add3A_930, %scan3A_446 : i32
        %get3A_932 = arith.index_cast %add3A_931 : i32 to index
        %get3A_933 = arith.constant 80 : index
        %get3A_934 = tpu.vector_load %arg13[%get3A_932, %get3A_933] {strides = array<i32>} : memref<640x128xf32, #tpu.memory_space<vmem>>, vector<1x16xf32>,
        %get3A_935 = vector.shape_cast %get3A_934 : vector<1x16xf32> to vector<16xf32>
        %mul3A_936 = arith.mulf %get3A_454, %get3A_935 : vector<16xf32>
        %add3A_937 = arith.addf %add3A_905, %mul3A_936 : vector<16xf32>
        %add3A_938 = arith.constant 448 : i32
        %add3A_939 = arith.addi %add3A_938, %scan3A_446 : i32
        %get3A_940 = arith.index_cast %add3A_939 : i32 to index
        %get3A_941 = arith.constant 96 : index
        %get3A_942 = tpu.vector_load %arg13[%get3A_940, %get3A_941] {strides = array<i32>} : memref<640x128xf32, #tpu.memory_space<vmem>>, vector<1x16xf32>,
        %get3A_943 = vector.shape_cast %get3A_942 : vector<1x16xf32> to vector<16xf32>
        %mul3A_944 = arith.mulf %get3A_458, %get3A_943 : vector<16xf32>
        %add3A_945 = arith.addf %add3A_913, %mul3A_944 : vector<16xf32>
        %add3A_946 = arith.constant 448 : i32
        %add3A_947 = arith.addi %add3A_946, %scan3A_446 : i32
        %get3A_948 = arith.index_cast %add3A_947 : i32 to index
        %get3A_949 = arith.constant 112 : index
        %get3A_950 = tpu.vector_load %arg13[%get3A_948, %get3A_949] {strides = array<i32>} : memref<640x128xf32, #tpu.memory_space<vmem>>, vector<1x16xf32>,
        %get3A_951 = vector.shape_cast %get3A_950 : vector<1x16xf32> to vector<16xf32>
        %mul3A_952 = arith.mulf %get3A_462, %get3A_951 : vector<16xf32>
        %add3A_953 = arith.addf %add3A_921, %mul3A_952 : vector<16xf32>
        %add3A_954 = arith.constant 480 : i32
        %add3A_955 = arith.addi %add3A_954, %scan3A_446 : i32
        %get3A_956 = arith.index_cast %add3A_955 : i32 to index
        %get3A_957 = arith.constant 64 : index
        %get3A_958 = tpu.vector_load %arg13[%get3A_956, %get3A_957] {strides = array<i32>} : memref<640x128xf32, #tpu.memory_space<vmem>>, vector<1x16xf32>,
        %get3A_959 = vector.shape_cast %get3A_958 : vector<1x16xf32> to vector<16xf32>
        %mul3A_960 = arith.mulf %get3A_450, %get3A_959 : vector<16xf32>
        %add3A_961 = arith.addf %add3A_929, %mul3A_960 : vector<16xf32>
        %add3A_962 = arith.constant 480 : i32
        %add3A_963 = arith.addi %add3A_962, %scan3A_446 : i32
        %get3A_964 = arith.index_cast %add3A_963 : i32 to index
        %get3A_965 = arith.constant 80 : index
        %get3A_966 = tpu.vector_load %arg13[%get3A_964, %get3A_965] {strides = array<i32>} : memref<640x128xf32, #tpu.memory_space<vmem>>, vector<1x16xf32>,
        %get3A_967 = vector.shape_cast %get3A_966 : vector<1x16xf32> to vector<16xf32>
        %mul3A_968 = arith.mulf %get3A_454, %get3A_967 : vector<16xf32>
        %add3A_969 = arith.addf %add3A_937, %mul3A_968 : vector<16xf32>
        %add3A_970 = arith.constant 480 : i32
        %add3A_971 = arith.addi %add3A_970, %scan3A_446 : i32
        %get3A_972 = arith.index_cast %add3A_971 : i32 to index
        %get3A_973 = arith.constant 96 : index
        %get3A_974 = tpu.vector_load %arg13[%get3A_972, %get3A_973] {strides = array<i32>} : memref<640x128xf32, #tpu.memory_space<vmem>>, vector<1x16xf32>,
        %get3A_975 = vector.shape_cast %get3A_974 : vector<1x16xf32> to vector<16xf32>
        %mul3A_976 = arith.mulf %get3A_458, %get3A_975 : vector<16xf32>
        %add3A_977 = arith.addf %add3A_945, %mul3A_976 : vector<16xf32>
        %add3A_978 = arith.constant 480 : i32
        %add3A_979 = arith.addi %add3A_978, %scan3A_446 : i32
        %get3A_980 = arith.index_cast %add3A_979 : i32 to index
        %get3A_981 = arith.constant 112 : index
        %get3A_982 = tpu.vector_load %arg13[%get3A_980, %get3A_981] {strides = array<i32>} : memref<640x128xf32, #tpu.memory_space<vmem>>, vector<1x16xf32>,
        %get3A_983 = vector.shape_cast %get3A_982 : vector<1x16xf32> to vector<16xf32>
        %mul3A_984 = arith.mulf %get3A_462, %get3A_983 : vector<16xf32>
        %add3A_985 = arith.addf %add3A_953, %mul3A_984 : vector<16xf32>
        %add3A_986 = arith.constant 512 : i32
        %add3A_987 = arith.addi %add3A_986, %scan3A_446 : i32
        %get3A_988 = arith.index_cast %add3A_987 : i32 to index
        %get3A_989 = arith.constant 64 : index
        %get3A_990 = tpu.vector_load %arg13[%get3A_988, %get3A_989] {strides = array<i32>} : memref<640x128xf32, #tpu.memory_space<vmem>>, vector<1x16xf32>,
        %get3A_991 = vector.shape_cast %get3A_990 : vector<1x16xf32> to vector<16xf32>
        %mul3A_992 = arith.mulf %get3A_450, %get3A_991 : vector<16xf32>
        %add3A_993 = arith.addf %add3A_961, %mul3A_992 : vector<16xf32>
        %add3A_994 = arith.constant 512 : i32
        %add3A_995 = arith.addi %add3A_994, %scan3A_446 : i32
        %get3A_996 = arith.index_cast %add3A_995 : i32 to index
        %get3A_997 = arith.constant 80 : index
        %get3A_998 = tpu.vector_load %arg13[%get3A_996, %get3A_997] {strides = array<i32>} : memref<640x128xf32, #tpu.memory_space<vmem>>, vector<1x16xf32>,
        %get3A_999 = vector.shape_cast %get3A_998 : vector<1x16xf32> to vector<16xf32>
        %mul3A_1000 = arith.mulf %get3A_454, %get3A_999 : vector<16xf32>
        %add3A_1001 = arith.addf %add3A_969, %mul3A_1000 : vector<16xf32>
        %add3A_1002 = arith.constant 512 : i32
        %add3A_1003 = arith.addi %add3A_1002, %scan3A_446 : i32
        %get3A_1004 = arith.index_cast %add3A_1003 : i32 to index
        %get3A_1005 = arith.constant 96 : index
        %get3A_1006 = tpu.vector_load %arg13[%get3A_1004, %get3A_1005] {strides = array<i32>} : memref<640x128xf32, #tpu.memory_space<vmem>>, vector<1x16xf32>,
        %get3A_1007 = vector.shape_cast %get3A_1006 : vector<1x16xf32> to vector<16xf32>
        %mul3A_1008 = arith.mulf %get3A_458, %get3A_1007 : vector<16xf32>
        %add3A_1009 = arith.addf %add3A_977, %mul3A_1008 : vector<16xf32>
        %add3A_1010 = arith.constant 512 : i32
        %add3A_1011 = arith.addi %add3A_1010, %scan3A_446 : i32
        %get3A_1012 = arith.index_cast %add3A_1011 : i32 to index
        %get3A_1013 = arith.constant 112 : index
        %get3A_1014 = tpu.vector_load %arg13[%get3A_1012, %get3A_1013] {strides = array<i32>} : memref<640x128xf32, #tpu.memory_space<vmem>>, vector<1x16xf32>,
        %get3A_1015 = vector.shape_cast %get3A_1014 : vector<1x16xf32> to vector<16xf32>
        %mul3A_1016 = arith.mulf %get3A_462, %get3A_1015 : vector<16xf32>
        %add3A_1017 = arith.addf %add3A_985, %mul3A_1016 : vector<16xf32>
        %add3A_1018 = arith.constant 544 : i32
        %add3A_1019 = arith.addi %add3A_1018, %scan3A_446 : i32
        %get3A_1020 = arith.index_cast %add3A_1019 : i32 to index
        %get3A_1021 = arith.constant 64 : index
        %get3A_1022 = tpu.vector_load %arg13[%get3A_1020, %get3A_1021] {strides = array<i32>} : memref<640x128xf32, #tpu.memory_space<vmem>>, vector<1x16xf32>,
        %get3A_1023 = vector.shape_cast %get3A_1022 : vector<1x16xf32> to vector<16xf32>
        %mul3A_1024 = arith.mulf %get3A_450, %get3A_1023 : vector<16xf32>
        %add3A_1025 = arith.addf %add3A_993, %mul3A_1024 : vector<16xf32>
        %add3A_1026 = arith.constant 544 : i32
        %add3A_1027 = arith.addi %add3A_1026, %scan3A_446 : i32
        %get3A_1028 = arith.index_cast %add3A_1027 : i32 to index
        %get3A_1029 = arith.constant 80 : index
        %get3A_1030 = tpu.vector_load %arg13[%get3A_1028, %get3A_1029] {strides = array<i32>} : memref<640x128xf32, #tpu.memory_space<vmem>>, vector<1x16xf32>,
        %get3A_1031 = vector.shape_cast %get3A_1030 : vector<1x16xf32> to vector<16xf32>
        %mul3A_1032 = arith.mulf %get3A_454, %get3A_1031 : vector<16xf32>
        %add3A_1033 = arith.addf %add3A_1001, %mul3A_1032 : vector<16xf32>
        %add3A_1034 = arith.constant 544 : i32
        %add3A_1035 = arith.addi %add3A_1034, %scan3A_446 : i32
        %get3A_1036 = arith.index_cast %add3A_1035 : i32 to index
        %get3A_1037 = arith.constant 96 : index
        %get3A_1038 = tpu.vector_load %arg13[%get3A_1036, %get3A_1037] {strides = array<i32>} : memref<640x128xf32, #tpu.memory_space<vmem>>, vector<1x16xf32>,
        %get3A_1039 = vector.shape_cast %get3A_1038 : vector<1x16xf32> to vector<16xf32>
        %mul3A_1040 = arith.mulf %get3A_458, %get3A_1039 : vector<16xf32>
        %add3A_1041 = arith.addf %add3A_1009, %mul3A_1040 : vector<16xf32>
        %add3A_1042 = arith.constant 544 : i32
        %add3A_1043 = arith.addi %add3A_1042, %scan3A_446 : i32
        %get3A_1044 = arith.index_cast %add3A_1043 : i32 to index
        %get3A_1045 = arith.constant 112 : index
        %get3A_1046 = tpu.vector_load %arg13[%get3A_1044, %get3A_1045] {strides = array<i32>} : memref<640x128xf32, #tpu.memory_space<vmem>>, vector<1x16xf32>,
        %get3A_1047 = vector.shape_cast %get3A_1046 : vector<1x16xf32> to vector<16xf32>
        %mul3A_1048 = arith.mulf %get3A_462, %get3A_1047 : vector<16xf32>
        %add3A_1049 = arith.addf %add3A_1017, %mul3A_1048 : vector<16xf32>
        %add3A_1050 = arith.constant 576 : i32
        %add3A_1051 = arith.addi %add3A_1050, %scan3A_446 : i32
        %get3A_1052 = arith.index_cast %add3A_1051 : i32 to index
        %get3A_1053 = arith.constant 64 : index
        %get3A_1054 = tpu.vector_load %arg13[%get3A_1052, %get3A_1053] {strides = array<i32>} : memref<640x128xf32, #tpu.memory_space<vmem>>, vector<1x16xf32>,
        %get3A_1055 = vector.shape_cast %get3A_1054 : vector<1x16xf32> to vector<16xf32>
        %mul3A_1056 = arith.mulf %get3A_450, %get3A_1055 : vector<16xf32>
        %add3A_1057 = arith.addf %add3A_1025, %mul3A_1056 : vector<16xf32>
        %add3A_1058 = arith.constant 576 : i32
        %add3A_1059 = arith.addi %add3A_1058, %scan3A_446 : i32
        %get3A_1060 = arith.index_cast %add3A_1059 : i32 to index
        %get3A_1061 = arith.constant 80 : index
        %get3A_1062 = tpu.vector_load %arg13[%get3A_1060, %get3A_1061] {strides = array<i32>} : memref<640x128xf32, #tpu.memory_space<vmem>>, vector<1x16xf32>,
        %get3A_1063 = vector.shape_cast %get3A_1062 : vector<1x16xf32> to vector<16xf32>
        %mul3A_1064 = arith.mulf %get3A_454, %get3A_1063 : vector<16xf32>
        %add3A_1065 = arith.addf %add3A_1033, %mul3A_1064 : vector<16xf32>
        %add3A_1066 = arith.constant 576 : i32
        %add3A_1067 = arith.addi %add3A_1066, %scan3A_446 : i32
        %get3A_1068 = arith.index_cast %add3A_1067 : i32 to index
        %get3A_1069 = arith.constant 96 : index
        %get3A_1070 = tpu.vector_load %arg13[%get3A_1068, %get3A_1069] {strides = array<i32>} : memref<640x128xf32, #tpu.memory_space<vmem>>, vector<1x16xf32>,
        %get3A_1071 = vector.shape_cast %get3A_1070 : vector<1x16xf32> to vector<16xf32>
        %mul3A_1072 = arith.mulf %get3A_458, %get3A_1071 : vector<16xf32>
        %add3A_1073 = arith.addf %add3A_1041, %mul3A_1072 : vector<16xf32>
        %add3A_1074 = arith.constant 576 : i32
        %add3A_1075 = arith.addi %add3A_1074, %scan3A_446 : i32
        %get3A_1076 = arith.index_cast %add3A_1075 : i32 to index
        %get3A_1077 = arith.constant 112 : index
        %get3A_1078 = tpu.vector_load %arg13[%get3A_1076, %get3A_1077] {strides = array<i32>} : memref<640x128xf32, #tpu.memory_space<vmem>>, vector<1x16xf32>,
        %get3A_1079 = vector.shape_cast %get3A_1078 : vector<1x16xf32> to vector<16xf32>
        %mul3A_1080 = arith.mulf %get3A_462, %get3A_1079 : vector<16xf32>
        %add3A_1081 = arith.addf %add3A_1049, %mul3A_1080 : vector<16xf32>
        %add3A_1082 = arith.constant 608 : i32
        %add3A_1083 = arith.addi %add3A_1082, %scan3A_446 : i32
        %get3A_1084 = arith.index_cast %add3A_1083 : i32 to index
        %get3A_1085 = arith.constant 64 : index
        %get3A_1086 = tpu.vector_load %arg13[%get3A_1084, %get3A_1085] {strides = array<i32>} : memref<640x128xf32, #tpu.memory_space<vmem>>, vector<1x16xf32>,
        %get3A_1087 = vector.shape_cast %get3A_1086 : vector<1x16xf32> to vector<16xf32>
        %mul3A_1088 = arith.mulf %get3A_450, %get3A_1087 : vector<16xf32>
        %add3A_1089 = arith.addf %add3A_1057, %mul3A_1088 : vector<16xf32>
        %add3A_1090 = arith.constant 608 : i32
        %add3A_1091 = arith.addi %add3A_1090, %scan3A_446 : i32
        %get3A_1092 = arith.index_cast %add3A_1091 : i32 to index
        %get3A_1093 = arith.constant 80 : index
        %get3A_1094 = tpu.vector_load %arg13[%get3A_1092, %get3A_1093] {strides = array<i32>} : memref<640x128xf32, #tpu.memory_space<vmem>>, vector<1x16xf32>,
        %get3A_1095 = vector.shape_cast %get3A_1094 : vector<1x16xf32> to vector<16xf32>
        %mul3A_1096 = arith.mulf %get3A_454, %get3A_1095 : vector<16xf32>
        %add3A_1097 = arith.addf %add3A_1065, %mul3A_1096 : vector<16xf32>
        %add3A_1098 = arith.constant 608 : i32
        %add3A_1099 = arith.addi %add3A_1098, %scan3A_446 : i32
        %get3A_1100 = arith.index_cast %add3A_1099 : i32 to index
        %get3A_1101 = arith.constant 96 : index
        %get3A_1102 = tpu.vector_load %arg13[%get3A_1100, %get3A_1101] {strides = array<i32>} : memref<640x128xf32, #tpu.memory_space<vmem>>, vector<1x16xf32>,
        %get3A_1103 = vector.shape_cast %get3A_1102 : vector<1x16xf32> to vector<16xf32>
        %mul3A_1104 = arith.mulf %get3A_458, %get3A_1103 : vector<16xf32>
        %add3A_1105 = arith.addf %add3A_1073, %mul3A_1104 : vector<16xf32>
        %add3A_1106 = arith.constant 608 : i32
        %add3A_1107 = arith.addi %add3A_1106, %scan3A_446 : i32
        %get3A_1108 = arith.index_cast %add3A_1107 : i32 to index
        %get3A_1109 = arith.constant 112 : index
        %get3A_1110 = tpu.vector_load %arg13[%get3A_1108, %get3A_1109] {strides = array<i32>} : memref<640x128xf32, #tpu.memory_space<vmem>>, vector<1x16xf32>,
        %get3A_1111 = vector.shape_cast %get3A_1110 : vector<1x16xf32> to vector<16xf32>
        %mul3A_1112 = arith.mulf %get3A_462, %get3A_1111 : vector<16xf32>
        %add3A_1113 = arith.addf %add3A_1081, %mul3A_1112 : vector<16xf32>
        %add3A_1114 = arith.addf %add3A_1089, %add3A_1097 : vector<16xf32>
        %add3A_1115 = arith.addf %add3A_1105, %add3A_1113 : vector<16xf32>
        %add3A_1116 = arith.addf %add3A_1114, %add3A_1115 : vector<16xf32>
        %add3A_1117 = arith.addi %mul3A_55, %scan3A_446 : i32
        %shift_right_logical3A_1118 = arith.constant 3 : i32
        %shift_right_logical3A_1119 = arith.shrui %add3A_1117, %shift_right_logical3A_1118 : i32
        %rem3A_1120 = arith.constant 8 : i32
        %rem3A_1121 = arith.remsi %add3A_1117, %rem3A_1120 : i32
        %mul3A_1122 = arith.constant 16 : i32
        %mul3A_1123 = arith.muli %rem3A_1121, %mul3A_1122 : i32
        %swap3A = arith.index_cast %shift_right_logical3A_1119 : i32 to index
        %swap3A_1124 = arith.index_cast %mul3A_1123 : i32 to index
        %swap3A_1125 = tpu.vector_load %arg14[%swap3A, %swap3A_1124] {strides = array<i32>} : memref<64x128xf32, #tpu.memory_space<vmem>>, vector<1x16xf32>,
        %swap3A_1126 = vector.shape_cast %swap3A_1125 : vector<1x16xf32> to vector<16xf32>
        %swap3A_1127 = vector.shape_cast %add3A_485 : vector<16xf32> to vector<1x16xf32>
        tpu.vector_store %arg14[%swap3A, %swap3A_1124], %swap3A_1127 {strides = array<i32>} : memref<64x128xf32, #tpu.memory_space<vmem>>, vector<1x16xf32>,
        %swap3A_1128 = arith.index_cast %shift_right_logical3A_1119 : i32 to index
        %swap3A_1129 = arith.index_cast %mul3A_1123 : i32 to index
        %swap3A_1130 = tpu.vector_load %arg15[%swap3A_1128, %swap3A_1129] {strides = array<i32>} : memref<64x128xf32, #tpu.memory_space<vmem>>, vector<1x16xf32>,
        %swap3A_1131 = vector.shape_cast %swap3A_1130 : vector<1x16xf32> to vector<16xf32>
        %swap3A_1132 = vector.shape_cast %add3A_1116 : vector<16xf32> to vector<1x16xf32>
        tpu.vector_store %arg15[%swap3A_1128, %swap3A_1129], %swap3A_1132 {strides = array<i32>} : memref<64x128xf32, #tpu.memory_space<vmem>>, vector<1x16xf32>,
        %scan3A_1133 = arith.constant 0 : i32
        scf.yield %scan3A_1133 : i32
      }
      %scan3A_444 = arith.constant 32 : i32
      %scan3A_445 = arith.constant 0 : i32
      scf.yield %scan3A_445 : i32
    }
    %scan3A_47 = arith.constant 16 : i32
    %mul3A_48 = arith.constant 64 : i32
    %mul3A_49 = arith.muli %add3A, %mul3A_48 : i32
    "tpu.region"() ({
      %run_scoped3A_52 = tpu.sem_alloc : memref<!tpu.dma_semaphore, #tpu.memory_space<semaphore_mem>>
      %dma_start3A = arith.constant 0 : i32
      %dma_start3A_53 = tpu.memref_slice %arg6[%mul3A_49, %dma_start3A] : memref<2048x128xf32, #tpu.memory_space<hbm>> -> memref<64x128xf32, #tpu.memory_space<hbm>>
      %dma_start3A_54 = arith.constant 0 : i32
      %dma_start3A_55 = tpu.memref_slice %arg6[%mul3A_49, %dma_start3A_54] : memref<2048x128xf32, #tpu.memory_space<hbm>> -> memref<64x128xf32, #tpu.memory_space<hbm>>
      tpu.enqueue_dma source(%arg14 : memref<64x128xf32, #tpu.memory_space<vmem>>) target(%dma_start3A_55 : memref<64x128xf32, #tpu.memory_space<hbm>>) target_semaphore(%run_scoped3A_52 : memref<!tpu.dma_semaphore, #tpu.memory_space<semaphore_mem>>)
      %dma_wait3A = arith.constant 0 : i32
      %dma_wait3A_56 = tpu.memref_slice %arg6[%mul3A_49, %dma_wait3A] : memref<2048x128xf32, #tpu.memory_space<hbm>> -> memref<64x128xf32, #tpu.memory_space<hbm>>
      %dma_wait3A_57 = arith.constant 0 : i32
      %dma_wait3A_58 = tpu.memref_slice %arg6[%mul3A_49, %dma_wait3A_57] : memref<2048x128xf32, #tpu.memory_space<hbm>> -> memref<64x128xf32, #tpu.memory_space<hbm>>
      tpu.wait_dma2 semaphore(%run_scoped3A_52 : memref<!tpu.dma_semaphore, #tpu.memory_space<semaphore_mem>>) src(%arg14 : memref<64x128xf32, #tpu.memory_space<vmem>>) dst(%dma_wait3A_58 : memref<64x128xf32, #tpu.memory_space<hbm>>)
      tpu.yield
    }) : () -> ()
    %mul3A_50 = arith.constant 64 : i32
    %mul3A_51 = arith.muli %add3A, %mul3A_50 : i32
    "tpu.region"() ({
      %run_scoped3A_52 = tpu.sem_alloc : memref<!tpu.dma_semaphore, #tpu.memory_space<semaphore_mem>>
      %dma_start3A = arith.constant 0 : i32
      %dma_start3A_53 = tpu.memref_slice %arg7[%mul3A_51, %dma_start3A] : memref<2048x128xf32, #tpu.memory_space<hbm>> -> memref<64x128xf32, #tpu.memory_space<hbm>>
      %dma_start3A_54 = arith.constant 0 : i32
      %dma_start3A_55 = tpu.memref_slice %arg7[%mul3A_51, %dma_start3A_54] : memref<2048x128xf32, #tpu.memory_space<hbm>> -> memref<64x128xf32, #tpu.memory_space<hbm>>
      tpu.enqueue_dma source(%arg15 : memref<64x128xf32, #tpu.memory_space<vmem>>) target(%dma_start3A_55 : memref<64x128xf32, #tpu.memory_space<hbm>>) target_semaphore(%run_scoped3A_52 : memref<!tpu.dma_semaphore, #tpu.memory_space<semaphore_mem>>)
      %dma_wait3A = arith.constant 0 : i32
      %dma_wait3A_56 = tpu.memref_slice %arg7[%mul3A_51, %dma_wait3A] : memref<2048x128xf32, #tpu.memory_space<hbm>> -> memref<64x128xf32, #tpu.memory_space<hbm>>
      %dma_wait3A_57 = arith.constant 0 : i32
      %dma_wait3A_58 = tpu.memref_slice %arg7[%mul3A_51, %dma_wait3A_57] : memref<2048x128xf32, #tpu.memory_space<hbm>> -> memref<64x128xf32, #tpu.memory_space<hbm>>
      tpu.wait_dma2 semaphore(%run_scoped3A_52 : memref<!tpu.dma_semaphore, #tpu.memory_space<semaphore_mem>>) src(%arg15 : memref<64x128xf32, #tpu.memory_space<vmem>>) dst(%dma_wait3A_58 : memref<64x128xf32, #tpu.memory_space<hbm>>)
      tpu.yield
    }) : () -> ()
    return
  }
}

module attributes {stable_mosaic.version = 14 : i64} {
  func.func @_loss_body(%arg0: memref<2048x128xf32, #tpu.memory_space<vmem>>, %arg1: memref<2048x128xf32, #tpu.memory_space<vmem>>, %arg2: memref<1x1xf32, #tpu.memory_space<smem>>) attributes {dimension_semantics = [], scalar_prefetch = 0 : i64, scratch_operands = 0 : i64, tpu.core_type = #tpu.core_type<tc>} {
    %iota3A = tpu.iota {dimensions = array<i32: 0>} : vector<128x8xi32>
    %jit3A = arith.constant 16 : i32
    %div3A = vector.broadcast %jit3A : i32 to vector<128x8xi32>
    %div3A_0 = arith.divsi %iota3A, %div3A : vector<128x8xi32>
    %sign3A = arith.constant 0 : i32
    %sign3A_1 = vector.broadcast %sign3A : i32 to vector<128x8xi32>
    %sign3A_2 = arith.cmpi sgt, %iota3A, %sign3A_1 : vector<128x8xi32>
    %sign3A_3 = arith.extui %sign3A_2 : vector<128x8xi1> to vector<128x8xi32>
    %sign3A_4 = arith.constant 0 : i32
    %sign3A_5 = vector.broadcast %sign3A_4 : i32 to vector<128x8xi32>
    %sign3A_6 = arith.cmpi slt, %iota3A, %sign3A_5 : vector<128x8xi32>
    %sign3A_7 = arith.extui %sign3A_6 : vector<128x8xi1> to vector<128x8xi32>
    %sign3A_8 = arith.subi %sign3A_3, %sign3A_7 : vector<128x8xi32>
    %sign3A_9 = arith.constant 0 : i32
    %sign3A_10 = arith.cmpi sgt, %jit3A, %sign3A_9 : i32
    %sign3A_11 = arith.extui %sign3A_10 : i1 to i32
    %sign3A_12 = arith.constant 0 : i32
    %sign3A_13 = arith.cmpi slt, %jit3A, %sign3A_12 : i32
    %sign3A_14 = arith.extui %sign3A_13 : i1 to i32
    %sign3A_15 = arith.subi %sign3A_11, %sign3A_14 : i32
    %ne3A = vector.broadcast %sign3A_15 : i32 to vector<128x8xi32>
    %ne3A_16 = arith.cmpi ne, %sign3A_8, %ne3A : vector<128x8xi32>
    %rem3A = vector.broadcast %jit3A : i32 to vector<128x8xi32>
    %rem3A_17 = arith.remsi %iota3A, %rem3A : vector<128x8xi32>
    %ne3A_18 = arith.constant 0 : i32
    %ne3A_19 = vector.broadcast %ne3A_18 : i32 to vector<128x8xi32>
    %ne3A_20 = arith.cmpi ne, %rem3A_17, %ne3A_19 : vector<128x8xi32>
    %and3A = arith.andi %ne3A_16, %ne3A_20 : vector<128x8xi1>
    %sub3A = arith.constant 1 : i32
    %sub3A_21 = vector.broadcast %sub3A : i32 to vector<128x8xi32>
    %sub3A_22 = arith.subi %div3A_0, %sub3A_21 : vector<128x8xi32>
    %select_n3A = arith.select %and3A, %sub3A_22, %div3A_0 : vector<128x8xi1>, vector<128x8xi32>
    %iota3A_23 = tpu.iota {dimensions = array<i32: 1>} : vector<128x8xi32>
    %eq3A = arith.cmpi eq, %select_n3A, %iota3A_23 : vector<128x8xi32>
    %convert_element_type3A = arith.extui %eq3A : vector<128x8xi1> to vector<128x8xi32>
    %convert_element_type3A_24 = arith.sitofp %convert_element_type3A : vector<128x8xi32> to vector<128x8xf32>
    %mul3A = arith.constant 1.000000e+00 : f32
    %mul3A_25 = vector.broadcast %mul3A : f32 to vector<128x8xf32>
    %mul3A_26 = arith.mulf %mul3A_25, %convert_element_type3A_24 : vector<128x8xf32>
    %get3A = arith.constant 0 : index
    %get3A_27 = arith.constant 0 : index
    %get3A_28 = vector.load %arg0[%get3A, %get3A_27] : memref<2048x128xf32, #tpu.memory_space<vmem>>, vector<2048x128xf32>
    %dot_general3A = arith.constant dense<0.000000e+00> : vector<2048x8xf32>
    %dot_general3A_29 = tpu.matmul %get3A_28, %mul3A_26, %dot_general3A {dimension_numbers = #tpu.dot_dimension_numbers<[1], [0], [0], [1], [0, 0, 1, 1], [], []>, transpose_lhs_hint = false} : vector<2048x128xf32>, vector<128x8xf32>, vector<2048x8xf32> -> vector<2048x8xf32>
    %get3A_30 = arith.constant 0 : index
    %get3A_31 = arith.constant 0 : index
    %get3A_32 = vector.load %arg1[%get3A_30, %get3A_31] : memref<2048x128xf32, #tpu.memory_space<vmem>>, vector<2048x128xf32>
    %dot_general3A_33 = arith.constant dense<0.000000e+00> : vector<2048x8xf32>
    %dot_general3A_34 = tpu.matmul %get3A_32, %mul3A_26, %dot_general3A_33 {dimension_numbers = #tpu.dot_dimension_numbers<[1], [0], [0], [1], [0, 0, 1, 1], [], []>, transpose_lhs_hint = false} : vector<2048x128xf32>, vector<128x8xf32>, vector<2048x8xf32> -> vector<2048x8xf32>
    %min3A = arith.constant 0.000000e+00 : f32
    %min3A_35 = vector.broadcast %min3A : f32 to vector<2048x8xf32>
    %min3A_36 = arith.minimumf %dot_general3A_29, %min3A_35 : vector<2048x8xf32>
    %abs3A = math.absf %dot_general3A_29 : vector<2048x8xf32>
    %neg3A = arith.constant 0.000000e+00 : f32
    %neg3A_37 = vector.broadcast %neg3A : f32 to vector<2048x8xf32>
    %neg3A_38 = arith.subf %neg3A_37, %abs3A : vector<2048x8xf32>
    %exp3A = math.exp %neg3A_38 : vector<2048x8xf32>
    %log1p3A = math.log1p %exp3A : vector<2048x8xf32>
    %sub3A_39 = arith.subf %min3A_36, %log1p3A : vector<2048x8xf32>
    %neg3A_40 = arith.constant 0.000000e+00 : f32
    %neg3A_41 = vector.broadcast %neg3A_40 : f32 to vector<2048x8xf32>
    %neg3A_42 = arith.subf %neg3A_41, %dot_general3A_34 : vector<2048x8xf32>
    %min3A_43 = arith.constant 0.000000e+00 : f32
    %min3A_44 = vector.broadcast %min3A_43 : f32 to vector<2048x8xf32>
    %min3A_45 = arith.minimumf %neg3A_42, %min3A_44 : vector<2048x8xf32>
    %abs3A_46 = math.absf %neg3A_42 : vector<2048x8xf32>
    %neg3A_47 = arith.constant 0.000000e+00 : f32
    %neg3A_48 = vector.broadcast %neg3A_47 : f32 to vector<2048x8xf32>
    %neg3A_49 = arith.subf %neg3A_48, %abs3A_46 : vector<2048x8xf32>
    %exp3A_50 = math.exp %neg3A_49 : vector<2048x8xf32>
    %log1p3A_51 = math.log1p %exp3A_50 : vector<2048x8xf32>
    %sub3A_52 = arith.subf %min3A_45, %log1p3A_51 : vector<2048x8xf32>
    %add3A = arith.addf %sub3A_39, %sub3A_52 : vector<2048x8xf32>
    %reduce_sum3A = vector.shape_cast %add3A : vector<2048x8xf32> to vector<1x2048x8xf32>
    %reduce_sum3A_53 = arith.constant dense<0.000000e+00> : vector<1xf32>
    %reduce_sum3A_54 = vector.multi_reduction <add>, %reduce_sum3A, %reduce_sum3A_53 [1, 2] : vector<1x2048x8xf32> to vector<1xf32>
    %reduce_sum3A_55 = vector.shape_cast %reduce_sum3A_54 : vector<1xf32> to vector<1x1x1xf32>
    %reduce_sum3A_56 = vector.extract %reduce_sum3A_55[0, 0, 0] : f32 from vector<1x1x1xf32>
    %neg3A_57 = arith.constant 0.000000e+00 : f32
    %neg3A_58 = arith.subf %neg3A_57, %reduce_sum3A_56 : f32
    %div3A_59 = arith.constant 1.638400e+04 : f32
    %div3A_60 = arith.divf %neg3A_58, %div3A_59 : f32
    %swap3A = arith.constant 0 : index
    %swap3A_61 = arith.constant 0 : index
    %swap3A_62 = memref.load %arg2[%swap3A, %swap3A_61] : memref<1x1xf32, #tpu.memory_space<smem>>
    memref.store %div3A_60, %arg2[%swap3A, %swap3A_61] : memref<1x1xf32, #tpu.memory_space<smem>>
    return
  }
}

module attributes {stable_mosaic.version = 14 : i64} {
  func.func @_fuse_body(%arg0: i32, %arg1: memref<64x16384xf32, #tpu.memory_space<vmem>>, %arg2: memref<64x16384xf32, #tpu.memory_space<vmem>>, %arg3: memref<16384x128xf32, #tpu.memory_space<vmem>>) attributes {dimension_semantics = [#tpu.dimension_semantics<arbitrary>], iteration_bounds = array<i64: 62>, scalar_prefetch = 0 : i64, scratch_operands = 0 : i64, tpu.core_type = #tpu.core_type<tc>, window_params = [{transform_indices = @transform_0, window_bounds = array<i64: 64, 16384>}, {transform_indices = @transform_1, window_bounds = array<i64: 64, 16384>}, {transform_indices = @transform_2, window_bounds = array<i64: 16384, 128>}]} {
    %get3A = arith.constant 0 : index
    %get3A_0 = arith.constant 0 : index
    %get3A_1 = vector.load %arg1[%get3A, %get3A_0] : memref<64x16384xf32, #tpu.memory_space<vmem>>, vector<64x16384xf32>
    %get3A_2 = arith.constant 0 : index
    %get3A_3 = arith.constant 0 : index
    %get3A_4 = vector.load %arg2[%get3A_2, %get3A_3] : memref<64x16384xf32, #tpu.memory_space<vmem>>, vector<64x16384xf32>
    %concatenate3A = tpu.concatenate %get3A_1, %get3A_4 in 0 : vector<64x16384xf32>, vector<64x16384xf32> -> vector<128x16384xf32>
    %transpose3A = tpu.transpose %concatenate3A, [1, 0] : vector<128x16384xf32> -> vector<16384x128xf32>
    %swap3A = arith.constant 0 : index
    %swap3A_5 = arith.constant 0 : index
    %swap3A_6 = vector.load %arg3[%swap3A, %swap3A_5] : memref<16384x128xf32, #tpu.memory_space<vmem>>, vector<16384x128xf32>
    tpu.vector_store %arg3[%swap3A, %swap3A_5], %transpose3A {strides = array<i32>} : memref<16384x128xf32, #tpu.memory_space<vmem>>, vector<16384x128xf32>,
    return
  }
  func.func @transform_0(%arg0: i32) -> (i32, i32) {
    %c0_i32 = arith.constant 0 : i32
    %c0_i32_0 = arith.constant 0 : i32
    return %c0_i32, %arg0 : i32, i32
  }
  func.func @transform_1(%arg0: i32) -> (i32, i32) {
    %c0_i32 = arith.constant 0 : i32
    %c0_i32_0 = arith.constant 0 : i32
    return %c0_i32, %arg0 : i32, i32
  }
  func.func @transform_2(%arg0: i32) -> (i32, i32) {
    %c0_i32 = arith.constant 0 : i32
    %c0_i32_0 = arith.constant 0 : i32
    return %arg0, %c0_i32 : i32, i32
  }
}

</mosaic_0001>

<sc_bundles>
// kernel: kernel.5.cloned.1.call-start
scs
__scs_entry_jumppad:
0x0: {  	(pc) =	sbr.rel $0x88, $3  }
0x1: {  	(tag) =	ssettag $0x0;
	lr =	simm.s32 $0x1  }
0x2: {  	[smem:$0x3F9C] =	sst lr;
	_ =	strace $0xD0000000  }
0x3: {  	_ = 	snop  }
0x4: {  	_ = 	snop  }
0x5: {  	_ = 	snop  }
0x6: {  	_ = 	snop  }
0x7: {  	_ = 	snop  }
__scs_overlays_trampoline_lowered:
0x8: {  	[smem:$0x3FAB] =	sst s0  }
0x9: {  	[smem:$0x3FAC] =	sst s1  }
0xa: {  	[smem:$0x3FAD] =	sst s2  }
0xb: {  	[smem:$0x3FAE] =	sst s3  }
0xc: {  	[smem:$0x3FAF] =	sst s4  }
0xd: {  	[smem:$0x3FB0] =	sst s5  }
0xe: {  	[smem:$0x3FB1] =	sst s6  }
0xf: {  	[smem:$0x3FB2] =	sst s7  }
0x10: {  	[smem:$0x3FB3] =	sst s8  }
0x11: {  	[smem:$0x3FB4] =	sst s9;
	s0 =	simm.s32 @!p0 $0x0  }
0x12: {  	s1 =	sld [smem:$0x3F9A];
	s0 =	simm.s32 @p0 $0x1  }
0x13: {  	[smem:$0x3FB5] =	sst s0;
	s0 =	simm.s32 @!p1 $0x0  }
0x14: {  	s2 =	sld [smem:$0x3F99];
	s0 =	simm.s32 @p1 $0x1  }
0x15: {  	[smem:$0x3FB6] =	sst s0;
	s0 =	simm.s32 @!p2 $0x0  }
0x16: {  	s3 =	sld [smem:$0x3FDB];
	s0 =	simm.s32 @p2 $0x1  }
0x17: {  	s4 =	simm.s32 $0x1BF5;
	[smem:$0x3FB8] =	sst s0  }
0x18: {  	s0 =	sld [smem:$0x3F9B];
	_ =	swait.ge [sflag:s4], $0x0  }
0x19: {  	s7 =	sld [smem:$0x3F9C]  }
0x1a: {  	s8 =	sadd.s32 $0xFFFFE003, lr  }
0x1b: {  	s9 =	sadd.s32 $0xFFFFFEF7, lr;
	s5 =	simm.s32 $0xFFFFFFFF;
	p2 =	slt.u32 s8, $0xFFFFF086  }
0x1c: {  	p1 =	slt.u32 s9, $0xF7A;
	s5 =	simm.s32 @!p2 $0x0  }
0x1d: {  	s5 =	simm.s32 @p1 $0x1;
	p0 =	seq.s32 s7, s2  }
0x1e: {  	s7 =	smul.u32 @!p0 $0xF7A, s2;
	p2 =	seq.s32 @!p0 s5, $0x0  }
0x1f: {  	s9 =	smul.u32 $0xF7A, s1;
	s8 =	simm.s32 @!p0 $0x1BF5;
	p2 =	por !p2, p0  }
0x20: {  	[sflag:s8] =	ssyncset.s32 @!p0 $0xFFFFF086;
	s6 =	sadd.s32 @!p0 s3, s7;
	s7 =	simm.s32 @!p0 $0x108  }
0x21: {  	s3 =	sadd.s32 s3, s9;
	s6 =	sadd.s32 @!p0 $0x88, s6;
	s7 =	simm.s32 @p2 $0x1082  }
0x22: {  	[simem:s7], [sflag:s8] =	dma.local @!p0 [hbm:s6], $0xF7A  }
0x23: {  	s9 =	sor.u32 $0xD0000000, s2;
	s6 =	simm.s32 $0x108;
	_ =	swait.ge @!p0 [sflag:s8], $0x0  }
0x24: {  	s3 =	sadd.s32 $0x88, s3;
	s6 =	simm.s32 @!p1 $0x1082;
	[sflag:s4] =	ssyncset.s32 $0xFFFFF086  }
0x25: {  	[simem:s6], [sflag:s4] =	dma.local [hbm:s3], $0xF7A  }
0x26: {  	[smem:$0x3F9C] =	sst s1;
	(tag) =	ssettag s2;
	_ =	strace s9  }
0x27: {  	s1 =	sld [smem:$0x3FAC]  }
0x28: {  	s2 =	sld [smem:$0x3FAD]  }
0x29: {  	s4 =	sld [smem:$0x3FAF]  }
0x2a: {  	p0 =	seq.s32 s5, $0x0;
	s5 =	sld [smem:$0x3FB0]  }
0x2b: {  	s6 =	sld [smem:$0x3FB1]  }
0x2c: {  	s7 =	sld [smem:$0x3FB2]  }
0x2d: {  	s3 =	simm.s32 $0x108;
	s8 =	sld [smem:$0x3FB3]  }
0x2e: {  	s3 =	simm.s32 @!p0 $0x1082;
	s9 =	sld [smem:$0x3FB4]  }
0x2f: {  	lr =	sadd.s32 s0, s3;
	s0 =	sld [smem:$0x3FAB]  }
0x30: {  	s3 =	sld [smem:$0x3FAE]  }
0x31: {  	[smem:$0x3FB7] =	sst s10  }
0x32: {  	s10 =	sld [smem:$0x3FB5];
	_ =	sdelay $0x3  }
0x33: {  	p0 =	seq.s32 s10, $0x1;
	s10 =	sld [smem:$0x3FB7];
	_ =	sdelay $0x3  }
0x34: {  	[smem:$0x3FB7] =	sst s10  }
0x35: {  	s10 =	sld [smem:$0x3FB6];
	_ =	sdelay $0x3  }
0x36: {  	p1 =	seq.s32 s10, $0x1;
	s10 =	sld [smem:$0x3FB7];
	_ =	sdelay $0x3  }
0x37: {  	[smem:$0x3FB7] =	sst s10  }
0x38: {  	s10 =	sld [smem:$0x3FB8]  }
0x39: {  	_ = 	snop;
	(pc) =	sbr.ind lr, $3  }
0x3a: {  	_ = 	snop  }
0x3b: {  	_ = 	snop  }
0x3c: {  	p2 =	seq.s32 s10, $0x1;
	s10 =	sld [smem:$0x3FB7]  }
0x3d: {  	_ =	shalt  }
0x3e: {  	_ =	shalt  }
0x3f: {  	_ =	shalt  }
0x40: {  	_ =	shalt  }
0x41: {  	_ =	shalt  }
0x42: {  	_ =	shalt  }
0x43: {  	_ =	shalt  }
0x44: {  	_ =	shalt  }
0x45: {  	_ =	shalt  }
0x46: {  	_ =	shalt  }
0x47: {  	_ =	shalt  }
0x48: {  	_ =	shalt  }
0x49: {  	_ =	shalt  }
0x4a: {  	_ =	shalt  }
0x4b: {  	_ =	shalt  }
0x4c: {  	_ =	shalt  }
0x4d: {  	_ =	shalt  }
0x4e: {  	_ =	shalt  }
0x4f: {  	_ =	shalt  }
0x50: {  	_ =	shalt  }
0x51: {  	_ =	shalt  }
0x52: {  	_ =	shalt  }
0x53: {  	_ =	shalt  }
0x54: {  	_ =	shalt  }
0x55: {  	_ =	shalt  }
0x56: {  	_ =	shalt  }
0x57: {  	_ =	shalt  }
0x58: {  	_ =	shalt  }
0x59: {  	_ =	shalt  }
0x5a: {  	_ =	shalt  }
0x5b: {  	_ =	shalt  }
0x5c: {  	_ =	shalt  }
0x5d: {  	_ =	shalt  }
0x5e: {  	_ =	shalt  }
0x5f: {  	_ =	shalt  }
0x60: {  	_ =	shalt  }
0x61: {  	_ =	shalt  }
0x62: {  	_ =	shalt  }
0x63: {  	_ =	shalt  }
0x64: {  	_ =	shalt  }
0x65: {  	_ =	shalt  }
0x66: {  	_ =	shalt  }
0x67: {  	_ =	shalt  }
0x68: {  	_ =	shalt  }
0x69: {  	_ =	shalt  }
0x6a: {  	_ =	shalt  }
0x6b: {  	_ =	shalt  }
0x6c: {  	_ =	shalt  }
0x6d: {  	_ =	shalt  }
0x6e: {  	_ =	shalt  }
0x6f: {  	_ =	shalt  }
0x70: {  	_ =	shalt  }
0x71: {  	_ =	shalt  }
0x72: {  	_ =	shalt  }
0x73: {  	_ =	shalt  }
0x74: {  	_ =	shalt  }
0x75: {  	_ =	shalt  }
0x76: {  	_ =	shalt  }
0x77: {  	_ =	shalt  }
0x78: {  	_ =	shalt  }
0x79: {  	_ =	shalt  }
0x7a: {  	_ =	shalt  }
0x7b: {  	_ =	shalt  }
0x7c: {  	_ =	shalt  }
0x7d: {  	_ =	shalt  }
0x7e: {  	_ =	shalt  }
0x7f: {  	_ =	shalt  }
0x80: {  	_ =	shalt  }
0x81: {  	_ =	shalt  }
0x82: {  	_ =	shalt  }
0x83: {  	_ =	shalt  }
0x84: {  	_ =	shalt  }
0x85: {  	_ =	shalt  }
0x86: {  	_ =	shalt  }
0x87: {  	_ =	shalt  }
.Lfunc_end0:
.L_simem_size_0:
called_computation_lowered:
.L_overlay_start_0:
0x88: {  	s2 =	sld [smem:$0x3FD9]  }
0x89: {  	s3 =	sld [smem:$0x3FFE];
	_ =	sdelay $0x1  }
0x8a: {  	s1 =	srdreg.scid  }
0x8b: {  	s0 =	sand.u32 $0x1, s1  }
0x8c: {  	s17 =	sshll.u32 s0, $0xA;
	s2 =	sadd.s32 s3, s2  }
0x8d: {  	s2 =	sadd.s32 s2, s17  }
0x8e: {  	[smem:$0x3FC3] =	sst s2  }
0x8f: {  	_ = 	snop  }
0x90: {  	s2 =	sld [smem:$0x3FC9]  }
0x91: {  	s18 =	sld [smem:$0x3FC8];
	(tm) =	ssettm $0x1  }
0x92: {  	s4 =	sld [smem:$0x3FFB];
	_ =	sdelay $0x3  }
0x93: {  	_ =	strace s4  }
0x94: {  	s4 =	sld [smem:$0x3FFC];
	_ =	sdelay $0x3  }
0x95: {  	_ =	strace s4  }
0x96: {  	s4 =	sld [smem:$0x3FFD];
	_ =	sdelay $0x3  }
0x97: {  	_ =	strace s4  }
0x98: {  	_ =	strace $0x8FFFFFFF  }
0x99: {  	s19 =	sld [smem:$0x3FDB];
	_ =	sdelay $0x1  }
0x9a: {  	s5 =	simm.s32 $_scs_section_size  }
0x9b: {  	s6 =	simm.s32 $_size__tile_overlayer_lowered;
	s7 =	simm.s32 $_tile_overlayer_lowered  }
0x9c: {  	s22 =	simm.s32 $0x1BFF;
	s21 =	sshll.u32 s7, $0x1;
	s4 =	sadd.s32 s5, s19  }
0x9d: {  	s8 =	simm.s32 $0x0;
	s20 =	sshll.u32 s6, $0x1;
	s6 =	sadd.s32 s21, s4  }
0x9e: {  	[timem:s8], [sflag:s22] =	dma.local [hbm:s6], s20  }
0x9f: {  	_ =	swait.ge [sflag:s22], s20  }
0xa0: {  	s5 =	ssub.s32 $0x0, s20;
	[sflag:s22] =	ssyncset.done $0x0  }
0xa1: {  	[sflag:s22] =	ssyncadd.s32 s5;
	_ =	sdelay $0x1  }
0xa2: {  	s23 =	simm.s32 $0x1B8B  }
0xa3: {  	_ =	swait.ge [sflag:s23], $0x1  }
0xa4: {  	[sflag:s23] =	ssyncset.done $0x0  }
0xa5: {  	s25 =	simm.s32 $0x1B8E;
	s24 =	sld [smem:$0x3FFE];
	[sflag:s23] =	ssyncadd.s32 $0xFFFFFFFF  }
0xa6: {  	s26 =	simm.s32 $execute0_lowered;
	[smem:$0x3FD2] =	sst s25  }
0xa7: {  	s6 =	sshll.u32 s26, $0x1;
	_ =	strace $0x80000046;
	[dreg:$0x1] =	wrdreg $0xFFFFFFFF  }
0xa8: {  	s28 =	simm.s32 $_size_execute0_lowered;
	s4 =	sadd.s32 s4, s6;
	[dreg:$0x0] =	wrdreg $0x0  }
0xa9: {  	s6 =	sshll.u32 s28, $0x1;
	[dreg:$0x2] =	wrdreg s4  }
0xaa: {  	[dreg:$0x3] =	wrdreg s6  }
0xab: {  	[dreg:$0x4] =	wrdreg $0xC0  }
0xac: {  	_ =	task [dreg:s8], $0x5FFFF  }
0xad: {  	[dreg:$0x1] =	wrdreg $0xFFFFFFFF  }
0xae: {  	[dreg:$0x0] =	wrdreg $0x60  }
0xaf: {  	[dreg:$0x2] =	wrdreg s2  }
0xb0: {  	[dreg:$0x3] =	wrdreg s18  }
0xb1: {  	[dreg:$0x4] =	wrdreg s24  }
0xb2: {  	[dreg:$0x5] =	wrdreg $0x9  }
0xb3: {  	_ =	task.clear_ibuf [dreg:s8], $0x6FFFF;
	_ =	strace $0x90000046  }
0xb4: {  	s29 =	simm.s32 $0x9;
	_ =	strace $0x80000048  }
0xb5: {  	_ =	swait.ge [sflag:s29], $0x1  }
0xb6: {  	[sflag:s29] =	ssyncadd.s32 $0xFFFFFFFF  }
0xb7: {  	_ =	strace $0x90000048  }
0xb8: {  	_ =	sfence  }
0xb9: {  	s30 =	sld [smem:$0x0];
	_ =	sdelay $0x2  }
0xba: {  	s31 =	sshll.u32 s1, $0xD;
	s1 =	sshrl.u32 s1, $0x2  }
0xbb: {  	s3 =	sand.u32 $0x4000, s31;
	s1 =	sadd.s32 s1, s30  }
0xbc: {  	s0 =	sor.u32 s3, s0;
	s1 =	sshll.u32 s1, $0x11  }
0xbd: {  	s0 =	sor.u32 s1, s0  }
0xbe: {  	s0 =	sadd.s32 $0x8F2B, s0  }
0xbf: {  	[sflag:s0] =	ssyncadd.remote.s32 $0x1  }
0xc0: {  	_ =	sfence.sel $0xFFFF  }
0xc1: {  	[dreg:$0x0] =	wrdreg $0xFFFFFFFF;
	(pc) =	sbr.abs _section_cstart, $3  }
0xc2: {  	[dreg:$0x1] =	wrdreg $0xFFFFFFFF  }
0xc3: {  	_ =	task.clear_ibuf [dreg:s8], $0x2FFFF;
	_ =	strace $0x9FFFFFFF  }
0xc4: {  	(tm) =	ssettm $0x7FFFFFFF  }
0xc5: {  	_ =	shalt  }
tec
execute0_lowered:
.L_overlay_start_1:
0x0: {  	(tag) =	ssettag $0x1  }
0x1: {  	s0 =	rddreg [dreg:$0x0]  }
0x2: {  	s1 =	rddreg [dreg:$0x1]  }
0x3: {  	s2 =	rddreg [dreg:$0x2]  }
0x4: {  	s3 =	srdreg.scid;
	s4 =	stileid.u32  }
0x5: {  	s25 =	simm.s32 $0x0;
	s3 =	sand.u32 $0x1, s3;
	s4 =	sshll.u32 s4, $0x1  }
0x6: {  	[smem:$0x7FF] =	sst s25;
	s4 =	sor.u32 s3, s4  }
0x7: {  	_ =	strace $0x80000047;
	s7 =	ssub.s32 $0x2, s3;
	s5 =	sshll.u32 s4, $0x6  }
0x8: {  	s3 =	sadd.s32 $0xAC00, s2;
	s4 =	sshll.u32 s4, $0xA;
	s0 =	sadd.s32 s0, s5  }
0x9: {  	s6 =	sadd.s32 s5, s2;
	s29 =	sadd.s32 s1, s5;
	[dreg:$0x4] =	wrdreg s0  }
0xa: {  	s28 =	sshrl.u32 s7, $0x1;
	[dreg:$0x5] =	wrdreg s29;
	s1 =	sadd.s32 $0xC00, s6  }
0xb: {  	s2 =	sadd.s32 s4, s2;
	s5 =	sadd.s32 $0x1400, s6;
	[dreg:$0x6] =	wrdreg s1  }
0xc: {  	s4 =	ssub.s32 s7, s28;
	s7 =	sadd.s32 $0x1C00, s6;
	[dreg:$0x7] =	wrdreg s5  }
0xd: {  	s8 =	sadd.s32 $0x2400, s6;
	[dreg:$0x8] =	wrdreg s7  }
0xe: {  	s9 =	sadd.s32 $0x2C00, s6;
	[dreg:$0x9] =	wrdreg s8  }
0xf: {  	s10 =	sadd.s32 $0x3400, s6;
	[dreg:$0xa] =	wrdreg s9  }
0x10: {  	s11 =	sadd.s32 $0x3C00, s6;
	[dreg:$0xb] =	wrdreg s10  }
0x11: {  	s12 =	sadd.s32 $0x4400, s6;
	[dreg:$0xc] =	wrdreg s11  }
0x12: {  	s13 =	sadd.s32 $0x4C00, s6;
	[dreg:$0xd] =	wrdreg s12  }
0x13: {  	s14 =	sadd.s32 $0x5400, s6;
	[dreg:$0xe] =	wrdreg s13  }
0x14: {  	s15 =	sadd.s32 $0x5C00, s6;
	[dreg:$0xf] =	wrdreg s14  }
0x15: {  	s16 =	sadd.s32 $0x6400, s6;
	[dreg:$0x10] =	wrdreg s15  }
0x16: {  	s17 =	sadd.s32 $0x6C00, s6;
	[dreg:$0x11] =	wrdreg s16  }
0x17: {  	s18 =	sadd.s32 $0x7400, s6;
	[dreg:$0x12] =	wrdreg s17  }
0x18: {  	s19 =	sadd.s32 $0x7C00, s6;
	[dreg:$0x13] =	wrdreg s18  }
0x19: {  	s20 =	sadd.s32 $0x8400, s6;
	[dreg:$0x14] =	wrdreg s19  }
0x1a: {  	s21 =	sadd.s32 $0x8C00, s6;
	[dreg:$0x15] =	wrdreg s20  }
0x1b: {  	s22 =	sadd.s32 $0x9400, s6;
	[dreg:$0x16] =	wrdreg s21  }
0x1c: {  	s23 =	sadd.s32 $0x9C00, s6;
	[dreg:$0x17] =	wrdreg s22  }
0x1d: {  	s30 =	simm.s32 $0x2;
	s24 =	sadd.s32 $0xA400, s6;
	[dreg:$0x18] =	wrdreg s23  }
0x1e: {  	s31 =	simm.s32 $0x20;
	s26 =	sadd.s32 $0xF4D000, s2;
	[dreg:$0x19] =	wrdreg s24  }
0x1f: {  	s28 =	sadd.s32 $0xF55000, s2;
	s29 =	smax.u32 s4, $0x1;
	[dreg:$0x1a] =	wrdreg s26  }
0x20: {  	s4 =	simm.s32 $0x4C00;
	s6 =	simm.s32 $0x6C00;
	[dreg:$0x1b] =	wrdreg s28  }
0x21: {  	[dreg:$0x1c] =	wrdreg s29;
	s5 =	simm.s32 $0x5C00;
	s7 =	simm.s32 $0x7C00  }
0x22: {  	s8 =	simm.s32 $0x8C00;
	s9 =	simm.s32 $0x9C00;
	s10 =	simm.s32 $0xAC00  }
0x23: {  	s11 =	simm.s32 $0xBC00;
	s12 =	simm.s32 $0xCC00;
	s13 =	simm.s32 $0xDC00  }
0x24: {  	s14 =	simm.s32 $0xEC00;
	s15 =	simm.s32 $0xFC00;
	s16 =	simm.s32 $0x10C00  }
0x25: {  	s17 =	simm.s32 $0x11C00;
	s18 =	simm.s32 $0x12C00;
	s19 =	simm.s32 $0x13C00  }
0x26: {  	s20 =	simm.s32 $0x14C00;
	s21 =	simm.s32 $0x15C00;
	s22 =	simm.s32 $0x16C00  }
0x27: {  	s23 =	simm.s32 $0x17C00;
	s24 =	simm.s32 $0x1;
	s1 =	simm.s32 $0x0  }
.LBB2_1:
0x28: {  	[dreg:$0x1d] =	wrdreg s1  }
0x29: {  	s0 =	rddreg [dreg:$0x4]  }
0x2a: {  	[tilespmem:s25], [sflag:$0x2] =	stream.linear.gather [hbm4b:s0+s25], $0x200, $0x38;
	[tilespmem:$0x1CC00] =	vst v63  }
0x2b: {  	_ =	swait.ge [sflag:s30], $0x200  }
0x2c: {  	[sflag:s30] =	ssyncset.done $0x0  }
0x2d: {  	s28 =	simm.s32 $0x200;
	s26 =	rddreg [dreg:$0x5];
	[sflag:s30] =	ssyncadd.s32 $0xFFFFFE00  }
0x2e: {  	[tilespmem:s28], [sflag:$0x2] =	stream.linear.gather [hbm4b:s26+s25], $0x200, $0x38;
	[tilespmem:$0x1CC00] =	vst v63  }
0x2f: {  	_ =	swait.ge [sflag:s30], $0x200  }
0x30: {  	[sflag:s30] =	ssyncset.done $0x0  }
0x31: {  	s2 =	simm.s32 $0x400;
	s1 =	rddreg [dreg:$0x6];
	[sflag:s30] =	ssyncadd.s32 $0xFFFFFE00  }
0x32: {  	[tilespmem:s2], [sflag:$0x2] =	stream.linear.gather [hbm4b:s1+s25], $0x200, $0x38;
	[tilespmem:$0x1CC00] =	vst v63  }
0x33: {  	_ =	swait.ge [sflag:s30], $0x200  }
0x34: {  	[sflag:s30] =	ssyncset.done $0x0  }
0x35: {  	s28 =	simm.s32 $0x600;
	s26 =	rddreg [dreg:$0x7];
	[sflag:s30] =	ssyncadd.s32 $0xFFFFFE00  }
0x36: {  	[tilespmem:s28], [sflag:$0x2] =	stream.linear.gather [hbm4b:s26+s25], $0x200, $0x38;
	[tilespmem:$0x1CC00] =	vst v63  }
0x37: {  	_ =	swait.ge [sflag:s30], $0x200  }
0x38: {  	[sflag:s30] =	ssyncset.done $0x0  }
0x39: {  	s2 =	simm.s32 $0x800;
	s1 =	rddreg [dreg:$0x8];
	[sflag:s30] =	ssyncadd.s32 $0xFFFFFE00  }
0x3a: {  	[tilespmem:s2], [sflag:$0x2] =	stream.linear.gather [hbm4b:s1+s25], $0x200, $0x38;
	[tilespmem:$0x1CC00] =	vst v63  }
0x3b: {  	_ =	swait.ge [sflag:s30], $0x200  }
0x3c: {  	[sflag:s30] =	ssyncset.done $0x0  }
0x3d: {  	s28 =	simm.s32 $0xA00;
	s26 =	rddreg [dreg:$0x9];
	[sflag:s30] =	ssyncadd.s32 $0xFFFFFE00  }
0x3e: {  	[tilespmem:s28], [sflag:$0x2] =	stream.linear.gather [hbm4b:s26+s25], $0x200, $0x38;
	[tilespmem:$0x1CC00] =	vst v63  }
0x3f: {  	_ =	swait.ge [sflag:s30], $0x200  }
0x40: {  	[sflag:s30] =	ssyncset.done $0x0  }
0x41: {  	s2 =	simm.s32 $0xC00;
	s1 =	rddreg [dreg:$0xa];
	[sflag:s30] =	ssyncadd.s32 $0xFFFFFE00  }
0x42: {  	[tilespmem:s2], [sflag:$0x2] =	stream.linear.gather [hbm4b:s1+s25], $0x200, $0x38;
	[tilespmem:$0x1CC00] =	vst v63  }
0x43: {  	_ =	swait.ge [sflag:s30], $0x200  }
0x44: {  	[sflag:s30] =	ssyncset.done $0x0  }
0x45: {  	s28 =	simm.s32 $0xE00;
	s26 =	rddreg [dreg:$0xb];
	[sflag:s30] =	ssyncadd.s32 $0xFFFFFE00  }
0x46: {  	[tilespmem:s28], [sflag:$0x2] =	stream.linear.gather [hbm4b:s26+s25], $0x200, $0x38;
	[tilespmem:$0x1CC00] =	vst v63  }
0x47: {  	_ =	swait.ge [sflag:s30], $0x200  }
0x48: {  	[sflag:s30] =	ssyncset.done $0x0  }
0x49: {  	s2 =	simm.s32 $0x1000;
	s1 =	rddreg [dreg:$0xc];
	[sflag:s30] =	ssyncadd.s32 $0xFFFFFE00  }
0x4a: {  	[tilespmem:s2], [sflag:$0x2] =	stream.linear.gather [hbm4b:s1+s25], $0x200, $0x38;
	[tilespmem:$0x1CC00] =	vst v63  }
0x4b: {  	_ =	swait.ge [sflag:s30], $0x200  }
0x4c: {  	[sflag:s30] =	ssyncset.done $0x0  }
0x4d: {  	s28 =	simm.s32 $0x1200;
	s26 =	rddreg [dreg:$0xd];
	[sflag:s30] =	ssyncadd.s32 $0xFFFFFE00  }
0x4e: {  	[tilespmem:s28], [sflag:$0x2] =	stream.linear.gather [hbm4b:s26+s25], $0x200, $0x38;
	[tilespmem:$0x1CC00] =	vst v63  }
0x4f: {  	_ =	swait.ge [sflag:s30], $0x200  }
0x50: {  	[sflag:s30] =	ssyncset.done $0x0  }
0x51: {  	s2 =	simm.s32 $0x1400;
	s1 =	rddreg [dreg:$0xe];
	[sflag:s30] =	ssyncadd.s32 $0xFFFFFE00  }
0x52: {  	[tilespmem:s2], [sflag:$0x2] =	stream.linear.gather [hbm4b:s1+s25], $0x200, $0x38;
	[tilespmem:$0x1CC00] =	vst v63  }
0x53: {  	_ =	swait.ge [sflag:s30], $0x200  }
0x54: {  	[sflag:s30] =	ssyncset.done $0x0  }
0x55: {  	s28 =	simm.s32 $0x1600;
	s26 =	rddreg [dreg:$0xf];
	[sflag:s30] =	ssyncadd.s32 $0xFFFFFE00  }
0x56: {  	[tilespmem:s28], [sflag:$0x2] =	stream.linear.gather [hbm4b:s26+s25], $0x200, $0x38;
	[tilespmem:$0x1CC00] =	vst v63  }
0x57: {  	_ =	swait.ge [sflag:s30], $0x200  }
0x58: {  	[sflag:s30] =	ssyncset.done $0x0  }
0x59: {  	s2 =	simm.s32 $0x1800;
	s1 =	rddreg [dreg:$0x10];
	[sflag:s30] =	ssyncadd.s32 $0xFFFFFE00  }
0x5a: {  	[tilespmem:s2], [sflag:$0x2] =	stream.linear.gather [hbm4b:s1+s25], $0x200, $0x38;
	[tilespmem:$0x1CC00] =	vst v63  }
0x5b: {  	_ =	swait.ge [sflag:s30], $0x200  }
0x5c: {  	[sflag:s30] =	ssyncset.done $0x0  }
0x5d: {  	s28 =	simm.s32 $0x1A00;
	s26 =	rddreg [dreg:$0x11];
	[sflag:s30] =	ssyncadd.s32 $0xFFFFFE00  }
0x5e: {  	[tilespmem:s28], [sflag:$0x2] =	stream.linear.gather [hbm4b:s26+s25], $0x200, $0x38;
	[tilespmem:$0x1CC00] =	vst v63  }
0x5f: {  	_ =	swait.ge [sflag:s30], $0x200  }
0x60: {  	[sflag:s30] =	ssyncset.done $0x0  }
0x61: {  	s2 =	simm.s32 $0x1C00;
	s1 =	rddreg [dreg:$0x12];
	[sflag:s30] =	ssyncadd.s32 $0xFFFFFE00  }
0x62: {  	[tilespmem:s2], [sflag:$0x2] =	stream.linear.gather [hbm4b:s1+s25], $0x200, $0x38;
	[tilespmem:$0x1CC00] =	vst v63  }
0x63: {  	_ =	swait.ge [sflag:s30], $0x200  }
0x64: {  	[sflag:s30] =	ssyncset.done $0x0  }
0x65: {  	s28 =	simm.s32 $0x1E00;
	s26 =	rddreg [dreg:$0x13];
	[sflag:s30] =	ssyncadd.s32 $0xFFFFFE00  }
0x66: {  	[tilespmem:s28], [sflag:$0x2] =	stream.linear.gather [hbm4b:s26+s25], $0x200, $0x38;
	[tilespmem:$0x1CC00] =	vst v63  }
0x67: {  	_ =	swait.ge [sflag:s30], $0x200  }
0x68: {  	[sflag:s30] =	ssyncset.done $0x0  }
0x69: {  	s2 =	simm.s32 $0x2000;
	s1 =	rddreg [dreg:$0x14];
	[sflag:s30] =	ssyncadd.s32 $0xFFFFFE00  }
0x6a: {  	[tilespmem:s2], [sflag:$0x2] =	stream.linear.gather [hbm4b:s1+s25], $0x200, $0x38;
	[tilespmem:$0x1CC00] =	vst v63  }
0x6b: {  	_ =	swait.ge [sflag:s30], $0x200  }
0x6c: {  	[sflag:s30] =	ssyncset.done $0x0  }
0x6d: {  	s28 =	simm.s32 $0x2200;
	s26 =	rddreg [dreg:$0x15];
	[sflag:s30] =	ssyncadd.s32 $0xFFFFFE00  }
0x6e: {  	[tilespmem:s28], [sflag:$0x2] =	stream.linear.gather [hbm4b:s26+s25], $0x200, $0x38;
	[tilespmem:$0x1CC00] =	vst v63  }
0x6f: {  	_ =	swait.ge [sflag:s30], $0x200  }
0x70: {  	[sflag:s30] =	ssyncset.done $0x0  }
0x71: {  	s2 =	simm.s32 $0x2400;
	s1 =	rddreg [dreg:$0x16];
	[sflag:s30] =	ssyncadd.s32 $0xFFFFFE00  }
0x72: {  	[tilespmem:s2], [sflag:$0x2] =	stream.linear.gather [hbm4b:s1+s25], $0x200, $0x38;
	[tilespmem:$0x1CC00] =	vst v63  }
0x73: {  	_ =	swait.ge [sflag:s30], $0x200  }
0x74: {  	[sflag:s30] =	ssyncset.done $0x0  }
0x75: {  	s28 =	simm.s32 $0x2600;
	s26 =	rddreg [dreg:$0x17];
	[sflag:s30] =	ssyncadd.s32 $0xFFFFFE00  }
0x76: {  	[tilespmem:s28], [sflag:$0x2] =	stream.linear.gather [hbm4b:s26+s25], $0x200, $0x38;
	[tilespmem:$0x1CC00] =	vst v63  }
0x77: {  	_ =	swait.ge [sflag:s30], $0x200  }
0x78: {  	[sflag:s30] =	ssyncset.done $0x0  }
0x79: {  	s2 =	simm.s32 $0x2800;
	s1 =	rddreg [dreg:$0x18];
	[sflag:s30] =	ssyncadd.s32 $0xFFFFFE00  }
0x7a: {  	[tilespmem:s2], [sflag:$0x2] =	stream.linear.gather [hbm4b:s1+s25], $0x200, $0x38;
	[tilespmem:$0x1CC00] =	vst v63  }
0x7b: {  	_ =	swait.ge [sflag:s30], $0x200  }
0x7c: {  	[sflag:s30] =	ssyncset.done $0x0  }
0x7d: {  	s28 =	simm.s32 $0x2A00;
	s26 =	rddreg [dreg:$0x19];
	[sflag:s30] =	ssyncadd.s32 $0xFFFFFE00  }
0x7e: {  	[tilespmem:s28], [sflag:$0x2] =	stream.linear.gather [hbm4b:s26+s25], $0x200, $0x38;
	[tilespmem:$0x1CC00] =	vst v63  }
0x7f: {  	_ =	swait.ge [sflag:s30], $0x200  }
0x80: {  	s29 =	simm.s32 $0x0;
	[sflag:s30] =	ssyncset.done $0x0  }
0x81: {  	s0 =	simm.s32 $0x18C00;
	s2 =	simm.s32 $0x1AC00;
	[sflag:s30] =	ssyncadd.s32 $0xFFFFFE00  }
.LBB2_2:
0x82: {  	s1 =	sshll.u32 s29, $0x5;
	s25 =	simm.s32 $0x2C00  }
0x83: {  	[tilespmem:s25], [sflag:$0x1] =	stream.indirect.gather [hbm4b:s3+s31], $0x80, s1, s31, $0xb8;
	[tilespmem:$0x1CC00] =	vst v63  }
0x84: {  	s26 =	simm.s32 $0x3C00;
	s25 =	sadd.s32 $0x200, s1  }
0x85: {  	[tilespmem:s26], [sflag:$0x1] =	stream.indirect.gather [hbm4b:s3+s31], $0x80, s25, s31, $0xb8;
	[tilespmem:$0x1CC00] =	vst v63  }
0x86: {  	s26 =	sadd.s32 $0x400, s1  }
0x87: {  	[tilespmem:s4], [sflag:$0x1] =	stream.indirect.gather [hbm4b:s3+s31], $0x80, s26, s31, $0xb8;
	[tilespmem:$0x1CC00] =	vst v63  }
0x88: {  	s26 =	sadd.s32 $0x600, s1  }
0x89: {  	[tilespmem:s5], [sflag:$0x1] =	stream.indirect.gather [hbm4b:s3+s31], $0x80, s26, s31, $0xb8;
	[tilespmem:$0x1CC00] =	vst v63  }
0x8a: {  	s26 =	sadd.s32 $0x800, s1  }
0x8b: {  	[tilespmem:s6], [sflag:$0x1] =	stream.indirect.gather [hbm4b:s3+s31], $0x80, s26, s31, $0xb8;
	[tilespmem:$0x1CC00] =	vst v63  }
0x8c: {  	s26 =	sadd.s32 $0xA00, s1  }
0x8d: {  	[tilespmem:s7], [sflag:$0x1] =	stream.indirect.gather [hbm4b:s3+s31], $0x80, s26, s31, $0xb8;
	[tilespmem:$0x1CC00] =	vst v63  }
0x8e: {  	s26 =	sadd.s32 $0xC00, s1  }
0x8f: {  	[tilespmem:s8], [sflag:$0x1] =	stream.indirect.gather [hbm4b:s3+s31], $0x80, s26, s31, $0xb8;
	[tilespmem:$0x1CC00] =	vst v63  }
0x90: {  	s26 =	sadd.s32 $0xE00, s1  }
0x91: {  	[tilespmem:s9], [sflag:$0x1] =	stream.indirect.gather [hbm4b:s3+s31], $0x80, s26, s31, $0xb8;
	[tilespmem:$0x1CC00] =	vst v63  }
0x92: {  	s26 =	sadd.s32 $0x1000, s1  }
0x93: {  	[tilespmem:s10], [sflag:$0x1] =	stream.indirect.gather [hbm4b:s3+s31], $0x80, s26, s31, $0xb8;
	[tilespmem:$0x1CC00] =	vst v63  }
0x94: {  	s26 =	sadd.s32 $0x1200, s1  }
0x95: {  	[tilespmem:s11], [sflag:$0x1] =	stream.indirect.gather [hbm4b:s3+s31], $0x80, s26, s31, $0xb8;
	[tilespmem:$0x1CC00] =	vst v63  }
0x96: {  	s26 =	sadd.s32 $0x1400, s1  }
0x97: {  	[tilespmem:s12], [sflag:$0x1] =	stream.indirect.gather [hbm4b:s3+s31], $0x80, s26, s31, $0xb8;
	[tilespmem:$0x1CC00] =	vst v63  }
0x98: {  	s26 =	sadd.s32 $0x1600, s1  }
0x99: {  	[tilespmem:s13], [sflag:$0x1] =	stream.indirect.gather [hbm4b:s3+s31], $0x80, s26, s31, $0xb8;
	[tilespmem:$0x1CC00] =	vst v63  }
0x9a: {  	s26 =	sadd.s32 $0x1800, s1  }
0x9b: {  	[tilespmem:s14], [sflag:$0x1] =	stream.indirect.gather [hbm4b:s3+s31], $0x80, s26, s31, $0xb8;
	[tilespmem:$0x1CC00] =	vst v63  }
0x9c: {  	s26 =	sadd.s32 $0x1A00, s1  }
0x9d: {  	[tilespmem:s15], [sflag:$0x1] =	stream.indirect.gather [hbm4b:s3+s31], $0x80, s26, s31, $0xb8;
	[tilespmem:$0x1CC00] =	vst v63  }
0x9e: {  	s26 =	sadd.s32 $0x1C00, s1  }
0x9f: {  	[tilespmem:s16], [sflag:$0x1] =	stream.indirect.gather [hbm4b:s3+s31], $0x80, s26, s31, $0xb8;
	[tilespmem:$0x1CC00] =	vst v63  }
0xa0: {  	s26 =	sadd.s32 $0x1E00, s1  }
0xa1: {  	[tilespmem:s17], [sflag:$0x1] =	stream.indirect.gather [hbm4b:s3+s31], $0x80, s26, s31, $0xb8;
	[tilespmem:$0x1CC00] =	vst v63  }
0xa2: {  	s26 =	sadd.s32 $0x2000, s1  }
0xa3: {  	[tilespmem:s18], [sflag:$0x1] =	stream.indirect.gather [hbm4b:s3+s31], $0x80, s26, s31, $0xb8;
	[tilespmem:$0x1CC00] =	vst v63  }
0xa4: {  	s26 =	sadd.s32 $0x2200, s1  }
0xa5: {  	[tilespmem:s19], [sflag:$0x1] =	stream.indirect.gather [hbm4b:s3+s31], $0x80, s26, s31, $0xb8;
	[tilespmem:$0x1CC00] =	vst v63  }
0xa6: {  	s26 =	sadd.s32 $0x2400, s1  }
0xa7: {  	[tilespmem:s20], [sflag:$0x1] =	stream.indirect.gather [hbm4b:s3+s31], $0x80, s26, s31, $0xb8;
	[tilespmem:$0x1CC00] =	vst v63  }
0xa8: {  	s26 =	sadd.s32 $0x2600, s1  }
0xa9: {  	[tilespmem:s21], [sflag:$0x1] =	stream.indirect.gather [hbm4b:s3+s31], $0x80, s26, s31, $0xb8;
	[tilespmem:$0x1CC00] =	vst v63  }
0xaa: {  	s26 =	sadd.s32 $0x2800, s1  }
0xab: {  	[tilespmem:s22], [sflag:$0x1] =	stream.indirect.gather [hbm4b:s3+s31], $0x80, s26, s31, $0xb8;
	[tilespmem:$0x1CC00] =	vst v63  }
0xac: {  	s1 =	sadd.s32 $0x2A00, s1  }
0xad: {  	[tilespmem:s23], [sflag:$0x1] =	stream.indirect.gather [hbm4b:s3+s31], $0x80, s1, s31, $0xb8;
	[tilespmem:$0x1CC00] =	vst v63  }
0xae: {  	_ =	swait.ge [sflag:s24], $0x1000  }
0xaf: {  	[sflag:s24] =	ssyncset.done $0x0  }
0xb0: {  	[sflag:s24] =	ssyncadd.s32 $0xFFFFF000  }
0xb1: {  	_ =	swait.ge [sflag:s24], $0x1000  }
0xb2: {  	[sflag:s24] =	ssyncset.done $0x0  }
0xb3: {  	[sflag:s24] =	ssyncadd.s32 $0xFFFFF000  }
0xb4: {  	_ =	swait.ge [sflag:s24], $0x1000  }
0xb5: {  	[sflag:s24] =	ssyncset.done $0x0  }
0xb6: {  	[sflag:s24] =	ssyncadd.s32 $0xFFFFF000  }
0xb7: {  	_ =	swait.ge [sflag:s24], $0x1000  }
0xb8: {  	[sflag:s24] =	ssyncset.done $0x0  }
0xb9: {  	[sflag:s24] =	ssyncadd.s32 $0xFFFFF000  }
0xba: {  	_ =	swait.ge [sflag:s24], $0x1000  }
0xbb: {  	[sflag:s24] =	ssyncset.done $0x0  }
0xbc: {  	[sflag:s24] =	ssyncadd.s32 $0xFFFFF000  }
0xbd: {  	_ =	swait.ge [sflag:s24], $0x1000  }
0xbe: {  	[sflag:s24] =	ssyncset.done $0x0  }
0xbf: {  	[sflag:s24] =	ssyncadd.s32 $0xFFFFF000  }
0xc0: {  	_ =	swait.ge [sflag:s24], $0x1000  }
0xc1: {  	[sflag:s24] =	ssyncset.done $0x0  }
0xc2: {  	[sflag:s24] =	ssyncadd.s32 $0xFFFFF000  }
0xc3: {  	_ =	swait.ge [sflag:s24], $0x1000  }
0xc4: {  	[sflag:s24] =	ssyncset.done $0x0  }
0xc5: {  	[sflag:s24] =	ssyncadd.s32 $0xFFFFF000  }
0xc6: {  	_ =	swait.ge [sflag:s24], $0x1000  }
0xc7: {  	[sflag:s24] =	ssyncset.done $0x0  }
0xc8: {  	[sflag:s24] =	ssyncadd.s32 $0xFFFFF000  }
0xc9: {  	_ =	swait.ge [sflag:s24], $0x1000  }
0xca: {  	[sflag:s24] =	ssyncset.done $0x0  }
0xcb: {  	[sflag:s24] =	ssyncadd.s32 $0xFFFFF000  }
0xcc: {  	_ =	swait.ge [sflag:s24], $0x1000  }
0xcd: {  	[sflag:s24] =	ssyncset.done $0x0  }
0xce: {  	[sflag:s24] =	ssyncadd.s32 $0xFFFFF000  }
0xcf: {  	_ =	swait.ge [sflag:s24], $0x1000  }
0xd0: {  	[sflag:s24] =	ssyncset.done $0x0  }
0xd1: {  	[sflag:s24] =	ssyncadd.s32 $0xFFFFF000  }
0xd2: {  	_ =	swait.ge [sflag:s24], $0x1000  }
0xd3: {  	[sflag:s24] =	ssyncset.done $0x0  }
0xd4: {  	[sflag:s24] =	ssyncadd.s32 $0xFFFFF000  }
0xd5: {  	_ =	swait.ge [sflag:s24], $0x1000  }
0xd6: {  	[sflag:s24] =	ssyncset.done $0x0  }
0xd7: {  	[sflag:s24] =	ssyncadd.s32 $0xFFFFF000  }
0xd8: {  	_ =	swait.ge [sflag:s24], $0x1000  }
0xd9: {  	[sflag:s24] =	ssyncset.done $0x0  }
0xda: {  	[sflag:s24] =	ssyncadd.s32 $0xFFFFF000  }
0xdb: {  	_ =	swait.ge [sflag:s24], $0x1000  }
0xdc: {  	[sflag:s24] =	ssyncset.done $0x0  }
0xdd: {  	[sflag:s24] =	ssyncadd.s32 $0xFFFFF000  }
0xde: {  	_ =	swait.ge [sflag:s24], $0x1000  }
0xdf: {  	[sflag:s24] =	ssyncset.done $0x0  }
0xe0: {  	[sflag:s24] =	ssyncadd.s32 $0xFFFFF000  }
0xe1: {  	_ =	swait.ge [sflag:s24], $0x1000  }
0xe2: {  	[sflag:s24] =	ssyncset.done $0x0  }
0xe3: {  	[sflag:s24] =	ssyncadd.s32 $0xFFFFF000  }
0xe4: {  	_ =	swait.ge [sflag:s24], $0x1000  }
0xe5: {  	[sflag:s24] =	ssyncset.done $0x0  }
0xe6: {  	[sflag:s24] =	ssyncadd.s32 $0xFFFFF000  }
0xe7: {  	_ =	swait.ge [sflag:s24], $0x1000  }
0xe8: {  	[sflag:s24] =	ssyncset.done $0x0  }
0xe9: {  	[sflag:s24] =	ssyncadd.s32 $0xFFFFF000  }
0xea: {  	_ =	swait.ge [sflag:s24], $0x1000  }
0xeb: {  	[sflag:s24] =	ssyncset.done $0x0  }
0xec: {  	[sflag:s24] =	ssyncadd.s32 $0xFFFFF000  }
0xed: {  	_ =	swait.ge [sflag:s24], $0x1000  }
0xee: {  	[sflag:s24] =	ssyncset.done $0x0  }
0xef: {  	s26 =	simm.s32 $0x0;
	[sflag:s24] =	ssyncadd.s32 $0xFFFFF000  }
0xf0: {  	v0 =	vld [tilespmem:s26+$0x17C40]  }
0xf1: {  	v11 =	vld [tilespmem:s26+$0x17C60]  }
0xf2: {  	v12 =	vld [tilespmem:s26+$0x17C70]  }
0xf3: {  	v2 =	vld [tilespmem:s26+$0x3C40]  }
0xf4: {  	v13 =	vld [tilespmem:s26+$0x16C60]  }
0xf5: {  	v16 =	vld [tilespmem:s26+$0x16C70]  }
0xf6: {  	v3 =	vld [tilespmem:s26+$0x15C40]  }
0xf7: {  	v10 =	vld [tilespmem:s26+$0x15C70]  }
0xf8: {  	v4 =	vld [tilespmem:s26+$0x14C40]  }
0xf9: {  	v6 =	vld [tilespmem:s26+$0x4C70]  }
0xfa: {  	v7 =	vld [tilespmem:s26+$0x5C70]  }
0xfb: {  	v1 =	vld [tilespmem:s26+$0x2C30]  }
0xfc: {  	v9 =	vld [tilespmem:s26+$0x14C70]  }
0xfd: {  	v8 =	vld [tilespmem:s26+$0x6C70]  }
0xfe: {  	v5 =	vld [tilespmem:s26+$0x13C40]  }
0xff: {  	v14 =	vld [tilespmem:s26+$0x7C70]  }
0x100: {  	v17 =	vld [tilespmem:s26+$0x13C70]  }
0x101: {  	v15 =	vld [tilespmem:s26+$0x8C70];
	v6 =	vmul.f32 v6, v1;
	v7 =	vmul.f32 v7, v1  }
0x102: {  	v18 =	vld [tilespmem:s26+$0x9C70]  }
0x103: {  	v19 =	vld [tilespmem:s26+$0x12C70];
	v8 =	vmul.f32 v8, v1;
	v7 =	vadd.f32 v7, v6  }
0x104: {  	v20 =	vld [tilespmem:s26+$0xBC70]  }
0x105: {  	v21 =	vld [tilespmem:s26+$0xCC70];
	v7 =	vadd.f32 v8, v7;
	v8 =	vmul.f32 v14, v1  }
0x106: {  	v14 =	vld [tilespmem:s26+$0xAC70]  }
0x107: {  	v22 =	vld [tilespmem:s26+$0xDC70];
	v15 =	vmul.f32 v15, v1;
	v7 =	vadd.f32 v8, v7  }
0x108: {  	v23 =	vld [tilespmem:s26+$0xEC70]  }
0x109: {  	v24 =	vld [tilespmem:s26+$0xFC70];
	v7 =	vadd.f32 v15, v7;
	v15 =	vmul.f32 v18, v1  }
0x10a: {  	v25 =	vld [tilespmem:s26+$0xDC40]  }
0x10b: {  	v26 =	vld [tilespmem:s26+$0xCC40];
	v7 =	vadd.f32 v15, v7;
	v15 =	vmul.f32 v14, v1  }
0x10c: {  	v27 =	vld [tilespmem:s26+$0xAC40]  }
0x10d: {  	v28 =	vld [tilespmem:s26+$0x8C40];
	v7 =	vadd.f32 v15, v7;
	v15 =	vmul.f32 v20, v1  }
0x10e: {  	v29 =	vld [tilespmem:s26+$0x6C40]  }
0x10f: {  	v30 =	vld [tilespmem:s26+$0x5C40];
	v21 =	vmul.f32 v21, v1;
	v7 =	vadd.f32 v15, v7  }
0x110: {  	v31 =	vld [tilespmem:s26+$0x5C50]  }
0x111: {  	v32 =	vld [tilespmem:s26+$0x4C60];
	v7 =	vadd.f32 v21, v7;
	v21 =	vmul.f32 v22, v1  }
0x112: {  	v20 =	vld [tilespmem:s26+$0x10C70]  }
0x113: {  	v33 =	vld [tilespmem:s26+$0x5C60];
	v7 =	vadd.f32 v21, v7;
	v21 =	vmul.f32 v23, v1  }
0x114: {  	v18 =	vld [tilespmem:s26+$0x11C70]  }
0x115: {  	v34 =	vld [tilespmem:s26+$0x6C60];
	v7 =	vadd.f32 v21, v7;
	v21 =	vmul.f32 v24, v1  }
0x116: {  	v35 =	vld [tilespmem:s26+$0x7C60]  }
0x117: {  	v36 =	vld [tilespmem:s26+$0x8C60];
	v20 =	vmul.f32 v20, v1;
	v7 =	vadd.f32 v21, v7  }
0x118: {  	v60 =	vld [tilespmem:s26+$0x8C50]  }
0x119: {  	v61 =	vld [tilespmem:s26+$0x9C50];
	v18 =	vmul.f32 v18, v1;
	v7 =	vadd.f32 v20, v7  }
0x11a: {  	v6 =	vld [tilespmem:s26+$0x12C40]  }
0x11b: {  	v8 =	vld [tilespmem:s26+$0x11C40];
	v7 =	vadd.f32 v18, v7;
	v18 =	vmul.f32 v19, v1  }
0x11c: {  	v14 =	vld [tilespmem:s26+$0x10C40]  }
0x11d: {  	v17 =	vmul.f32 v17, v1;
	v18 =	vadd.f32 v18, v7;
	v7 =	vld [tilespmem:s26+$0x2C20]  }
0x11e: {  	v20 =	vld [tilespmem:s26+$0x4C40]  }
0x11f: {  	v19 =	vld [tilespmem:s26+$0x4C50];
	v17 =	vadd.f32 v17, v18;
	v18 =	vmul.f32 v9, v1  }
0x120: {  	v9 =	vld [tilespmem:s26+$0x2C00]  }
0x121: {  	v16 =	vmul.f32 v16, v1;
	v17 =	vadd.f32 v18, v17;
	v18 =	vmul.f32 v10, v1;
	v10 =	vld [tilespmem:s26+$0x2C10]  }
0x122: {  	v12 =	vmul.f32 v12, v1;
	v15 =	vld [tilespmem:s26+$0xFC40];
	v13 =	vmul.f32 v13, v7  }
0x123: {  	v11 =	vmul.f32 v11, v7;
	v32 =	vmul.f32 v32, v7;
	v17 =	vadd.f32 v18, v17;
	v18 =	vld [tilespmem:s26+$0x6C50]  }
0x124: {  	v21 =	vld [tilespmem:s26+$0x7C40];
	v33 =	vmul.f32 v33, v7;
	v59 =	vmul.f32 v34, v7  }
0x125: {  	v16 =	vadd.f32 v16, v17;
	v17 =	vmul.f32 v20, v9;
	v20 =	vmul.f32 v30, v9;
	v30 =	vld [tilespmem:s26+$0x7C50]  }
0x126: {  	v22 =	vld [tilespmem:s26+$0xEC40];
	v19 =	vmul.f32 v19, v10;
	v31 =	vmul.f32 v31, v10  }
0x127: {  	v24 =	vld [tilespmem:s26+$0x9C40];
	v29 =	vmul.f32 v29, v9;
	v12 =	vadd.f32 v12, v16;
	v16 =	vadd.f32 v33, v32  }
0x128: {  	v17 =	vadd.f32 v20, v17;
	v20 =	vld [tilespmem:s26+$0x9C60];
	v19 =	vadd.f32 v31, v19;
	v18 =	vmul.f32 v18, v10  }
0x129: {  	v23 =	vld [tilespmem:s26+$0xBC40];
	v21 =	vmul.f32 v21, v9;
	v31 =	vmul.f32 v35, v7;
	v16 =	vadd.f32 v59, v16  }
0x12a: {  	v17 =	vadd.f32 v29, v17;
	v29 =	vld [tilespmem:s26+$0xAC60];
	v18 =	vadd.f32 v18, v19;
	v19 =	vmul.f32 v30, v10  }
0x12b: {  	v28 =	vmul.f32 v28, v9;
	v30 =	vmul.f32 v36, v7;
	v16 =	vadd.f32 v31, v16;
	v31 =	vld [tilespmem:s26+$0xAC50]  }
0x12c: {  	v17 =	vadd.f32 v21, v17;
	v21 =	vld [tilespmem:s26+$0xBC60];
	v18 =	vadd.f32 v19, v18;
	v19 =	vmul.f32 v60, v10  }
0x12d: {  	v24 =	vmul.f32 v24, v9;
	v20 =	vmul.f32 v20, v7;
	v16 =	vadd.f32 v30, v16;
	v30 =	vld [tilespmem:s26+$0xBC50]  }
0x12e: {  	v17 =	vadd.f32 v28, v17;
	v28 =	vld [tilespmem:s26+$0xCC60];
	v18 =	vadd.f32 v19, v18;
	v19 =	vmul.f32 v61, v10  }
0x12f: {  	v16 =	vadd.f32 v20, v16;
	v20 =	vmul.f32 v27, v9;
	v27 =	vmul.f32 v29, v7;
	v29 =	vld [tilespmem:s26+$0xCC50]  }
0x130: {  	v17 =	vadd.f32 v24, v17;
	v24 =	vld [tilespmem:s26+$0xDC60];
	v18 =	vadd.f32 v19, v18;
	v19 =	vmul.f32 v31, v10  }
0x131: {  	v23 =	vmul.f32 v23, v9;
	v21 =	vmul.f32 v21, v7;
	v16 =	vadd.f32 v27, v16;
	v27 =	vld [tilespmem:s26+$0xDC50]  }
0x132: {  	v17 =	vadd.f32 v20, v17;
	v20 =	vld [tilespmem:s26+$0xEC60];
	v18 =	vadd.f32 v19, v18;
	v19 =	vmul.f32 v30, v10  }
0x133: {  	v16 =	vadd.f32 v21, v16;
	v21 =	vmul.f32 v26, v9;
	v26 =	vmul.f32 v28, v7;
	v28 =	vld [tilespmem:s26+$0xEC50]  }
0x134: {  	v17 =	vadd.f32 v23, v17;
	v23 =	vld [tilespmem:s26+$0xFC60];
	v18 =	vadd.f32 v19, v18;
	v19 =	vmul.f32 v29, v10  }
0x135: {  	v25 =	vmul.f32 v25, v9;
	v24 =	vmul.f32 v24, v7;
	v16 =	vadd.f32 v26, v16;
	v26 =	vld [tilespmem:s26+$0xFC50]  }
0x136: {  	v17 =	vadd.f32 v21, v17;
	v21 =	vld [tilespmem:s26+$0x10C60];
	v18 =	vadd.f32 v19, v18;
	v19 =	vmul.f32 v27, v10  }
0x137: {  	v22 =	vmul.f32 v22, v9;
	v20 =	vmul.f32 v20, v7;
	v16 =	vadd.f32 v24, v16;
	v24 =	vld [tilespmem:s26+$0x10C50]  }
0x138: {  	v17 =	vadd.f32 v25, v17;
	v25 =	vld [tilespmem:s26+$0x11C60];
	v18 =	vadd.f32 v19, v18;
	v19 =	vmul.f32 v28, v10  }
0x139: {  	v15 =	vmul.f32 v15, v9;
	v16 =	vadd.f32 v20, v16;
	v20 =	vmul.f32 v23, v7;
	v23 =	vld [tilespmem:s26+$0x11C50]  }
0x13a: {  	v17 =	vadd.f32 v22, v17;
	v22 =	vld [tilespmem:s26+$0x12C60];
	v18 =	vadd.f32 v19, v18;
	v19 =	vmul.f32 v26, v10  }
0x13b: {  	v14 =	vmul.f32 v14, v9;
	v16 =	vadd.f32 v20, v16;
	v20 =	vmul.f32 v21, v7;
	v21 =	vld [tilespmem:s26+$0x12C50]  }
0x13c: {  	v15 =	vadd.f32 v15, v17;
	v17 =	vadd.f32 v19, v18;
	v18 =	vmul.f32 v24, v10;
	v19 =	vld [tilespmem:s26+$0x13C60]  }
0x13d: {  	v8 =	vmul.f32 v8, v9;
	v24 =	vld [tilespmem:s26+$0x13C50];
	v16 =	vadd.f32 v20, v16;
	v20 =	vmul.f32 v25, v7  }
0x13e: {  	v14 =	vadd.f32 v14, v15;
	v15 =	vadd.f32 v18, v17;
	v17 =	vmul.f32 v23, v10;
	v18 =	vld [tilespmem:s26+$0x14C60]  }
0x13f: {  	v6 =	vmul.f32 v6, v9;
	v16 =	vadd.f32 v20, v16;
	v20 =	vmul.f32 v22, v7;
	v22 =	vld [tilespmem:s26+$0x14C50]  }
0x140: {  	v8 =	vadd.f32 v8, v14;
	v14 =	vadd.f32 v17, v15;
	v15 =	vmul.f32 v21, v10;
	v17 =	vld [tilespmem:s26+$0x15C60]  }
0x141: {  	v5 =	vmul.f32 v5, v9;
	v16 =	vadd.f32 v20, v16;
	v19 =	vmul.f32 v19, v7;
	v20 =	vld [tilespmem:s26+$0x15C50]  }
0x142: {  	v6 =	vadd.f32 v6, v8;
	v8 =	vadd.f32 v15, v14;
	v14 =	vmul.f32 v24, v10;
	v15 =	vld [tilespmem:s26+$0x16C40]  }
0x143: {  	v4 =	vmul.f32 v4, v9;
	v16 =	vadd.f32 v19, v16;
	v18 =	vmul.f32 v18, v7;
	v19 =	vld [tilespmem:s26+$0x16C50]  }
0x144: {  	v21 =	vld [tilespmem:s26+$0x3C50];
	v5 =	vadd.f32 v5, v6;
	v6 =	vadd.f32 v14, v8;
	v8 =	vmul.f32 v22, v10  }
0x145: {  	v3 =	vmul.f32 v3, v9;
	v14 =	vadd.f32 v18, v16;
	v16 =	vmul.f32 v17, v7;
	v17 =	vld [tilespmem:s26+$0x17C50]  }
0x146: {  	v18 =	vld [tilespmem:s26+$0x3C60];
	v4 =	vadd.f32 v4, v5;
	v5 =	vadd.f32 v8, v6;
	v6 =	vmul.f32 v20, v10  }
0x147: {  	v2 =	vmul.f32 v2, v9;
	v8 =	vadd.f32 v16, v14;
	v14 =	vmul.f32 v15, v9  }
0x148: {  	v15 =	vld [tilespmem:s26+$0x3C70];
	v3 =	vadd.f32 v3, v4;
	v4 =	vadd.f32 v6, v5;
	v5 =	vmul.f32 v19, v10  }
0x149: {  	v0 =	vmul.f32 v0, v9;
	v6 =	vmul.f32 v21, v10;
	v8 =	vadd.f32 v13, v8  }
0x14a: {  	v3 =	vadd.f32 v14, v3;
	v4 =	vadd.f32 v5, v4;
	v5 =	vmul.f32 v17, v10  }
0x14b: {  	v2 =	vadd.f32 v6, v2;
	v6 =	vmul.f32 v18, v7;
	v7 =	vadd.f32 v11, v8  }
0x14c: {  	v0 =	vadd.f32 v0, v3;
	v3 =	vadd.f32 v5, v4  }
0x14d: {  	v2 =	vadd.f32 v6, v2;
	v1 =	vmul.f32 v15, v1  }
0x14e: {  	v0 =	vadd.f32 v3, v0;
	v3 =	vadd.f32 v12, v7  }
0x14f: {  	v1 =	vadd.f32 v1, v2  }
0x150: {  	v0 =	vadd.f32 v3, v0  }
0x151: {  	[tilespmem:s0+$0x0] =	vst v1  }
0x152: {  	s25 =	simm.s32 $0x80;
	[tilespmem:s2+$0x0] =	vst v0  }
0x153: {  	v0 =	vld [tilespmem:s25+$0x17C40]  }
0x154: {  	v15 =	vld [tilespmem:s25+$0x17C60]  }
0x155: {  	v16 =	vld [tilespmem:s25+$0x17C70]  }
0x156: {  	v2 =	vld [tilespmem:s25+$0x3C40]  }
0x157: {  	v17 =	vld [tilespmem:s25+$0x16C60]  }
0x158: {  	v18 =	vld [tilespmem:s25+$0x16C70]  }
0x159: {  	v3 =	vld [tilespmem:s25+$0x15C40]  }
0x15a: {  	v20 =	vld [tilespmem:s25+$0x15C70]  }
0x15b: {  	v4 =	vld [tilespmem:s25+$0x14C40]  }
0x15c: {  	v6 =	vld [tilespmem:s25+$0x4C70]  }
0x15d: {  	v7 =	vld [tilespmem:s25+$0x5C70]  }
0x15e: {  	v1 =	vld [tilespmem:s25+$0x2C30]  }
0x15f: {  	v9 =	vld [tilespmem:s25+$0x14C70]  }
0x160: {  	v8 =	vld [tilespmem:s25+$0x6C70]  }
0x161: {  	v5 =	vld [tilespmem:s25+$0x13C40]  }
0x162: {  	v10 =	vld [tilespmem:s25+$0x7C70]  }
0x163: {  	v30 =	vld [tilespmem:s25+$0x13C70];
	v6 =	vmul.f32 v6, v1;
	v7 =	vmul.f32 v7, v1  }
0x164: {  	v11 =	vld [tilespmem:s25+$0x8C70]  }
0x165: {  	v12 =	vld [tilespmem:s25+$0x9C70];
	v8 =	vmul.f32 v8, v1;
	v7 =	vadd.f32 v7, v6  }
0x166: {  	v28 =	vld [tilespmem:s25+$0x12C70]  }
0x167: {  	v13 =	vld [tilespmem:s25+$0xBC70];
	v7 =	vadd.f32 v8, v7;
	v8 =	vmul.f32 v10, v1  }
0x168: {  	v10 =	vld [tilespmem:s25+$0xAC70]  }
0x169: {  	v14 =	vld [tilespmem:s25+$0xDC70];
	v11 =	vmul.f32 v11, v1;
	v7 =	vadd.f32 v8, v7  }
0x16a: {  	v19 =	vld [tilespmem:s25+$0xEC70]  }
0x16b: {  	v22 =	vld [tilespmem:s25+$0xFC70];
	v7 =	vadd.f32 v11, v7;
	v11 =	vmul.f32 v12, v1  }
0x16c: {  	v12 =	vld [tilespmem:s25+$0xCC70]  }
0x16d: {  	v24 =	vld [tilespmem:s25+$0x10C70];
	v7 =	vadd.f32 v11, v7;
	v11 =	vmul.f32 v10, v1  }
0x16e: {  	v26 =	vld [tilespmem:s25+$0x11C70]  }
0x16f: {  	v21 =	vmul.f32 v14, v1;
	v14 =	vld [tilespmem:s25+$0xCC40];
	v7 =	vadd.f32 v11, v7;
	v11 =	vmul.f32 v13, v1  }
0x170: {  	v23 =	vmul.f32 v19, v1;
	v19 =	vld [tilespmem:s25+$0xBC40]  }
0x171: {  	v25 =	vmul.f32 v22, v1;
	v22 =	vld [tilespmem:s25+$0x9C40];
	v12 =	vmul.f32 v12, v1;
	v7 =	vadd.f32 v11, v7  }
0x172: {  	v27 =	vmul.f32 v24, v1;
	v24 =	vld [tilespmem:s25+$0x7C40]  }
0x173: {  	v29 =	vmul.f32 v26, v1;
	v26 =	vld [tilespmem:s25+$0x4C40];
	v7 =	vadd.f32 v12, v7  }
0x174: {  	v31 =	vmul.f32 v28, v1;
	v28 =	vld [tilespmem:s25+$0x4C50]  }
0x175: {  	v62 =	vmul.f32 v30, v1;
	v30 =	vld [tilespmem:s25+$0x4C60];
	v7 =	vadd.f32 v21, v7  }
0x176: {  	v63 =	vmul.f32 v9, v1;
	v9 =	vld [tilespmem:s25+$0x2C00]  }
0x177: {  	v6 =	vld [tilespmem:s25+$0x12C40];
	v7 =	vadd.f32 v23, v7  }
0x178: {  	v8 =	vld [tilespmem:s25+$0x11C40]  }
0x179: {  	v10 =	vld [tilespmem:s25+$0x10C40];
	v7 =	vadd.f32 v25, v7  }
0x17a: {  	v13 =	vld [tilespmem:s25+$0xDC40]  }
0x17b: {  	v11 =	vld [tilespmem:s25+$0xFC40];
	v7 =	vadd.f32 v27, v7  }
0x17c: {  	v12 =	vld [tilespmem:s25+$0xEC40]  }
0x17d: {  	v21 =	vld [tilespmem:s25+$0xAC40];
	v7 =	vadd.f32 v29, v7  }
0x17e: {  	v23 =	vld [tilespmem:s25+$0x8C40]  }
0x17f: {  	v25 =	vld [tilespmem:s25+$0x6C40];
	v31 =	vadd.f32 v31, v7  }
0x180: {  	v27 =	vld [tilespmem:s25+$0x5C40]  }
0x181: {  	v7 =	vld [tilespmem:s25+$0x2C20];
	v32 =	vadd.f32 v62, v31  }
0x182: {  	v31 =	vld [tilespmem:s25+$0x5C60]  }
0x183: {  	s28 =	smov.u32 s2;
	s1 =	simm.s32 $0x400;
	s26 =	smov.u32 s0;
	v33 =	vmul.f32 v20, v1;
	v29 =	vld [tilespmem:s25+$0x5C50];
	v32 =	vadd.f32 v63, v32  }
.LBB2_3:
0x184: {  	p0 =	sne.s32 s1, $0x3E00;
	v20 =	vld [tilespmem:s25+$0x2C10]  }
0x185: {  	v18 =	vmul.f32 v18, v1;
	v16 =	vmul.f32 v16, v1;
	v34 =	vld [tilespmem:s25+$0x6C60];
	v32 =	vadd.f32 v33, v32  }
0x186: {  	v33 =	vld [tilespmem:s25+$0x6C50];
	v17 =	vmul.f32 v17, v7;
	v15 =	vmul.f32 v15, v7  }
0x187: {  	v30 =	vmul.f32 v30, v7;
	v31 =	vmul.f32 v31, v7;
	v35 =	vld [tilespmem:s25+$0x7C60];
	v18 =	vadd.f32 v18, v32  }
0x188: {  	v26 =	vmul.f32 v26, v9;
	v27 =	vmul.f32 v27, v9;
	v32 =	vld [tilespmem:s25+$0x7C50]  }
0x189: {  	v28 =	vmul.f32 v28, v20;
	v29 =	vmul.f32 v29, v20;
	v36 =	vld [tilespmem:s25+$0x8C60];
	v16 =	vadd.f32 v16, v18  }
0x18a: {  	v25 =	vmul.f32 v25, v9;
	v18 =	vadd.f32 v31, v30;
	v30 =	vmul.f32 v34, v7;
	v31 =	vld [tilespmem:s25+$0x8C50]  }
0x18b: {  	v26 =	vadd.f32 v27, v26;
	v27 =	vadd.f32 v29, v28;
	v28 =	vmul.f32 v33, v20;
	v29 =	vld [tilespmem:s25+$0x9C60]  }
0x18c: {  	v24 =	vmul.f32 v24, v9;
	v18 =	vadd.f32 v30, v18;
	v30 =	vmul.f32 v35, v7;
	v33 =	vld [tilespmem:s25+$0x9C50]  }
0x18d: {  	v25 =	vadd.f32 v25, v26;
	v26 =	vadd.f32 v28, v27;
	v27 =	vmul.f32 v32, v20;
	v28 =	vld [tilespmem:s25+$0xAC60]  }
0x18e: {  	v23 =	vmul.f32 v23, v9;
	v18 =	vadd.f32 v30, v18;
	v30 =	vmul.f32 v36, v7;
	v32 =	vld [tilespmem:s25+$0xAC50]  }
0x18f: {  	v24 =	vadd.f32 v24, v25;
	v25 =	vadd.f32 v27, v26;
	v26 =	vmul.f32 v31, v20;
	v27 =	vld [tilespmem:s25+$0xBC60]  }
0x190: {  	v22 =	vmul.f32 v22, v9;
	v18 =	vadd.f32 v30, v18;
	v29 =	vmul.f32 v29, v7;
	v30 =	vld [tilespmem:s25+$0xBC50]  }
0x191: {  	v23 =	vadd.f32 v23, v24;
	v24 =	vadd.f32 v26, v25;
	v25 =	vmul.f32 v33, v20;
	v26 =	vld [tilespmem:s25+$0xCC60]  }
0x192: {  	v21 =	vmul.f32 v21, v9;
	v18 =	vadd.f32 v29, v18;
	v28 =	vmul.f32 v28, v7;
	v29 =	vld [tilespmem:s25+$0xCC50]  }
0x193: {  	v22 =	vadd.f32 v22, v23;
	v23 =	vadd.f32 v25, v24;
	v24 =	vmul.f32 v32, v20;
	v25 =	vld [tilespmem:s25+$0xDC60]  }
0x194: {  	v19 =	vmul.f32 v19, v9;
	v18 =	vadd.f32 v28, v18;
	v27 =	vmul.f32 v27, v7;
	v28 =	vld [tilespmem:s25+$0xDC50]  }
0x195: {  	v21 =	vadd.f32 v21, v22;
	v22 =	vadd.f32 v24, v23;
	v23 =	vmul.f32 v30, v20;
	v24 =	vld [tilespmem:s25+$0xEC60]  }
0x196: {  	v14 =	vmul.f32 v14, v9;
	v18 =	vadd.f32 v27, v18;
	v26 =	vmul.f32 v26, v7;
	v27 =	vld [tilespmem:s25+$0xEC50]  }
0x197: {  	v19 =	vadd.f32 v19, v21;
	v21 =	vadd.f32 v23, v22;
	v22 =	vmul.f32 v29, v20;
	v23 =	vld [tilespmem:s25+$0xFC60]  }
0x198: {  	v13 =	vmul.f32 v13, v9;
	v18 =	vadd.f32 v26, v18;
	v25 =	vmul.f32 v25, v7;
	v26 =	vld [tilespmem:s25+$0xFC50]  }
0x199: {  	v14 =	vadd.f32 v14, v19;
	v19 =	vadd.f32 v22, v21;
	v21 =	vmul.f32 v28, v20;
	v22 =	vld [tilespmem:s25+$0x10C60]  }
0x19a: {  	v12 =	vmul.f32 v12, v9;
	v18 =	vadd.f32 v25, v18;
	v24 =	vmul.f32 v24, v7;
	v25 =	vld [tilespmem:s25+$0x10C50]  }
0x19b: {  	v13 =	vadd.f32 v13, v14;
	v14 =	vadd.f32 v21, v19;
	v19 =	vmul.f32 v27, v20;
	v21 =	vld [tilespmem:s25+$0x11C60]  }
0x19c: {  	v11 =	vmul.f32 v11, v9;
	v18 =	vadd.f32 v24, v18;
	v23 =	vmul.f32 v23, v7;
	v24 =	vld [tilespmem:s25+$0x11C50]  }
0x19d: {  	v12 =	vadd.f32 v12, v13;
	v13 =	vadd.f32 v19, v14;
	v14 =	vmul.f32 v26, v20;
	v19 =	vld [tilespmem:s25+$0x12C60]  }
0x19e: {  	v10 =	vmul.f32 v10, v9;
	v18 =	vadd.f32 v23, v18;
	v22 =	vmul.f32 v22, v7;
	v23 =	vld [tilespmem:s25+$0x12C50]  }
0x19f: {  	v11 =	vadd.f32 v11, v12;
	v12 =	vadd.f32 v14, v13;
	v13 =	vmul.f32 v25, v20;
	v14 =	vld [tilespmem:s25+$0x13C60]  }
0x1a0: {  	v8 =	vmul.f32 v8, v9;
	v18 =	vadd.f32 v22, v18;
	v21 =	vmul.f32 v21, v7;
	v22 =	vld [tilespmem:s25+$0x13C50]  }
0x1a1: {  	v10 =	vadd.f32 v10, v11;
	v11 =	vadd.f32 v13, v12;
	v12 =	vmul.f32 v24, v20;
	v13 =	vld [tilespmem:s25+$0x14C60]  }
0x1a2: {  	v6 =	vmul.f32 v6, v9;
	v18 =	vadd.f32 v21, v18;
	v19 =	vmul.f32 v19, v7;
	v21 =	vld [tilespmem:s25+$0x14C50]  }
0x1a3: {  	v8 =	vadd.f32 v8, v10;
	v10 =	vadd.f32 v12, v11;
	v11 =	vmul.f32 v23, v20;
	v12 =	vld [tilespmem:s25+$0x15C60]  }
0x1a4: {  	v5 =	vmul.f32 v5, v9;
	v18 =	vadd.f32 v19, v18;
	v14 =	vmul.f32 v14, v7;
	v19 =	vld [tilespmem:s25+$0x15C50]  }
0x1a5: {  	v6 =	vadd.f32 v6, v8;
	v8 =	vadd.f32 v11, v10;
	v10 =	vmul.f32 v22, v20;
	v11 =	vld [tilespmem:s25+$0x16C40]  }
0x1a6: {  	v4 =	vmul.f32 v4, v9;
	v14 =	vadd.f32 v14, v18;
	v13 =	vmul.f32 v13, v7;
	v18 =	vld [tilespmem:s25+$0x16C50]  }
0x1a7: {  	v5 =	vadd.f32 v5, v6;
	v22 =	vld [tilespmem:s25+$0x3C50];
	v6 =	vadd.f32 v10, v8;
	v8 =	vmul.f32 v21, v20  }
0x1a8: {  	v3 =	vmul.f32 v3, v9;
	v10 =	vadd.f32 v13, v14;
	v12 =	vmul.f32 v12, v7;
	v13 =	vld [tilespmem:s25+$0x17C50]  }
0x1a9: {  	v4 =	vadd.f32 v4, v5;
	v14 =	vld [tilespmem:s25+$0x3C60];
	v5 =	vadd.f32 v8, v6;
	v6 =	vmul.f32 v19, v20  }
0x1aa: {  	v2 =	vmul.f32 v2, v9;
	v8 =	vadd.f32 v12, v10;
	v10 =	vmul.f32 v11, v9  }
0x1ab: {  	v3 =	vadd.f32 v3, v4;
	v11 =	vld [tilespmem:s25+$0x3C70];
	v4 =	vadd.f32 v6, v5;
	v5 =	vmul.f32 v18, v20  }
0x1ac: {  	v0 =	vmul.f32 v0, v9;
	v6 =	vmul.f32 v22, v20;
	v8 =	vadd.f32 v17, v8  }
0x1ad: {  	v3 =	vadd.f32 v10, v3;
	v4 =	vadd.f32 v5, v4;
	v5 =	vmul.f32 v13, v20  }
0x1ae: {  	v2 =	vadd.f32 v6, v2;
	v6 =	vmul.f32 v14, v7;
	v7 =	vadd.f32 v15, v8  }
0x1af: {  	v0 =	vadd.f32 v0, v3;
	v3 =	vadd.f32 v5, v4  }
0x1b0: {  	v2 =	vadd.f32 v6, v2;
	v1 =	vmul.f32 v11, v1  }
0x1b1: {  	v0 =	vadd.f32 v3, v0;
	v3 =	vadd.f32 v16, v7  }
0x1b2: {  	v1 =	vadd.f32 v1, v2  }
0x1b3: {  	s26 =	sadd.s32 $0x10, s26;
	v0 =	vadd.f32 v3, v0  }
0x1b4: {  	s28 =	sadd.s32 $0x10, s28;
	[tilespmem:s26+$0x0] =	vst v1  }
0x1b5: {  	s25 =	sshra.s32 s1, $0x2;
	[tilespmem:s28+$0x0] =	vst v0  }
0x1b6: {  	v0 =	vld [tilespmem:s25+$0x17C40]  }
0x1b7: {  	v15 =	vld [tilespmem:s25+$0x17C60]  }
0x1b8: {  	v16 =	vld [tilespmem:s25+$0x17C70]  }
0x1b9: {  	v2 =	vld [tilespmem:s25+$0x3C40]  }
0x1ba: {  	v17 =	vld [tilespmem:s25+$0x16C60]  }
0x1bb: {  	v18 =	vld [tilespmem:s25+$0x16C70]  }
0x1bc: {  	v3 =	vld [tilespmem:s25+$0x15C40]  }
0x1bd: {  	v20 =	vld [tilespmem:s25+$0x15C70]  }
0x1be: {  	v4 =	vld [tilespmem:s25+$0x14C40]  }
0x1bf: {  	v6 =	vld [tilespmem:s25+$0x4C70]  }
0x1c0: {  	v7 =	vld [tilespmem:s25+$0x5C70]  }
0x1c1: {  	v1 =	vld [tilespmem:s25+$0x2C30]  }
0x1c2: {  	v9 =	vld [tilespmem:s25+$0x14C70]  }
0x1c3: {  	v8 =	vld [tilespmem:s25+$0x6C70]  }
0x1c4: {  	v5 =	vld [tilespmem:s25+$0x13C40]  }
0x1c5: {  	v10 =	vld [tilespmem:s25+$0x7C70]  }
0x1c6: {  	v6 =	vmul.f32 v6, v1;
	v7 =	vmul.f32 v7, v1;
	v30 =	vld [tilespmem:s25+$0x13C70]  }
0x1c7: {  	v11 =	vld [tilespmem:s25+$0x8C70]  }
0x1c8: {  	v7 =	vadd.f32 v7, v6;
	v8 =	vmul.f32 v8, v1;
	v6 =	vld [tilespmem:s25+$0x12C40]  }
0x1c9: {  	v12 =	vld [tilespmem:s25+$0x9C70]  }
0x1ca: {  	v7 =	vadd.f32 v8, v7;
	v8 =	vmul.f32 v10, v1;
	v28 =	vld [tilespmem:s25+$0x12C70]  }
0x1cb: {  	v10 =	vld [tilespmem:s25+$0xAC70]  }
0x1cc: {  	v7 =	vadd.f32 v8, v7;
	v11 =	vmul.f32 v11, v1;
	v8 =	vld [tilespmem:s25+$0x11C40]  }
0x1cd: {  	v13 =	vld [tilespmem:s25+$0xBC70]  }
0x1ce: {  	v7 =	vadd.f32 v11, v7;
	v11 =	vmul.f32 v12, v1;
	v26 =	vld [tilespmem:s25+$0x11C70]  }
0x1cf: {  	v12 =	vld [tilespmem:s25+$0xCC70]  }
0x1d0: {  	v7 =	vadd.f32 v11, v7;
	v11 =	vmul.f32 v10, v1;
	v10 =	vld [tilespmem:s25+$0x10C40]  }
0x1d1: {  	v14 =	vld [tilespmem:s25+$0xDC70]  }
0x1d2: {  	v7 =	vadd.f32 v11, v7;
	v11 =	vmul.f32 v13, v1;
	v24 =	vld [tilespmem:s25+$0x10C70]  }
0x1d3: {  	v19 =	vld [tilespmem:s25+$0xEC70]  }
0x1d4: {  	v7 =	vadd.f32 v11, v7;
	v12 =	vmul.f32 v12, v1;
	v11 =	vld [tilespmem:s25+$0xFC40]  }
0x1d5: {  	v22 =	vld [tilespmem:s25+$0xFC70]  }
0x1d6: {  	v7 =	vadd.f32 v12, v7;
	v21 =	vmul.f32 v14, v1;
	v12 =	vld [tilespmem:s25+$0xEC40]  }
0x1d7: {  	v13 =	vld [tilespmem:s25+$0xDC40]  }
0x1d8: {  	v14 =	vld [tilespmem:s25+$0xCC40];
	v7 =	vadd.f32 v21, v7;
	v23 =	vmul.f32 v19, v1  }
0x1d9: {  	v19 =	vld [tilespmem:s25+$0xBC40]  }
0x1da: {  	v21 =	vld [tilespmem:s25+$0xAC40];
	v7 =	vadd.f32 v23, v7;
	v25 =	vmul.f32 v22, v1  }
0x1db: {  	v22 =	vld [tilespmem:s25+$0x9C40]  }
0x1dc: {  	v27 =	vmul.f32 v24, v1;
	v23 =	vld [tilespmem:s25+$0x8C40];
	v7 =	vadd.f32 v25, v7  }
0x1dd: {  	v24 =	vld [tilespmem:s25+$0x7C40]  }
0x1de: {  	v29 =	vmul.f32 v26, v1;
	v25 =	vld [tilespmem:s25+$0x6C40];
	v7 =	vadd.f32 v27, v7  }
0x1df: {  	v26 =	vld [tilespmem:s25+$0x4C40]  }
0x1e0: {  	v31 =	vmul.f32 v28, v1;
	v27 =	vld [tilespmem:s25+$0x5C40];
	v7 =	vadd.f32 v29, v7  }
0x1e1: {  	v28 =	vld [tilespmem:s25+$0x4C50]  }
.Ltmp0:
0x1e2: {  	v32 =	vmul.f32 v30, v1;
	v29 =	vld [tilespmem:s25+$0x5C50];
	v31 =	vadd.f32 v31, v7;
	(pc) =	sbr.rel @p0 .LBB2_3-.Ltmp0, $4  }
0x1e3: {  	v30 =	vld [tilespmem:s25+$0x4C60]  }
0x1e4: {  	v33 =	vmul.f32 v9, v1;
	v7 =	vld [tilespmem:s25+$0x2C20];
	v32 =	vadd.f32 v32, v31  }
0x1e5: {  	v31 =	vld [tilespmem:s25+$0x5C60]  }
0x1e6: {  	s1 =	sadd.s32 $0x200, s1;
	v9 =	vld [tilespmem:s25+$0x2C00];
	v32 =	vadd.f32 v33, v32;
	v33 =	vmul.f32 v20, v1  }
0x1e7: {  	_ = 	snop  }
0x1e8: {  	v20 =	vld [tilespmem:s25+$0x2C10];
	v18 =	vmul.f32 v18, v1  }
0x1e9: {  	v34 =	vld [tilespmem:s25+$0x6C60];
	v16 =	vmul.f32 v16, v1;
	v17 =	vmul.f32 v17, v7  }
0x1ea: {  	v49 =	vld [tilespmem:s25+$0x6C50];
	v15 =	vmul.f32 v15, v7;
	v30 =	vmul.f32 v30, v7  }
0x1eb: {  	v35 =	vld [tilespmem:s25+$0x7C60];
	v32 =	vadd.f32 v33, v32;
	v31 =	vmul.f32 v31, v7;
	v26 =	vmul.f32 v26, v9  }
0x1ec: {  	v50 =	vld [tilespmem:s25+$0x7C50];
	v27 =	vmul.f32 v27, v9;
	v25 =	vmul.f32 v25, v9  }
0x1ed: {  	v36 =	vld [tilespmem:s25+$0x8C60];
	v18 =	vadd.f32 v18, v32;
	v28 =	vmul.f32 v28, v20;
	v29 =	vmul.f32 v29, v20  }
0x1ee: {  	v53 =	vld [tilespmem:s25+$0x8C50];
	v24 =	vmul.f32 v24, v9;
	v51 =	vadd.f32 v31, v30;
	v52 =	vmul.f32 v34, v7  }
0x1ef: {  	v56 =	vld [tilespmem:s25+$0x9C60];
	v55 =	vmul.f32 v49, v20;
	v26 =	vadd.f32 v27, v26;
	v54 =	vadd.f32 v29, v28  }
0x1f0: {  	v58 =	vld [tilespmem:s25+$0x9C50];
	v16 =	vadd.f32 v16, v18;
	v57 =	vmul.f32 v35, v7;
	v18 =	vadd.f32 v52, v51  }
0x1f1: {  	v61 =	vld [tilespmem:s25+$0xAC60];
	v60 =	vmul.f32 v50, v20;
	v25 =	vadd.f32 v25, v26;
	v59 =	vadd.f32 v55, v54  }
0x1f2: {  	v63 =	vld [tilespmem:s25+$0xAC50];
	v23 =	vmul.f32 v23, v9;
	v62 =	vmul.f32 v36, v7;
	v18 =	vadd.f32 v57, v18  }
0x1f3: {  	v35 =	vmul.f32 v53, v20;
	v36 =	vld [tilespmem:s25+$0xBC60];
	v24 =	vadd.f32 v24, v25;
	v34 =	vadd.f32 v60, v59  }
0x1f4: {  	v37 =	vld [tilespmem:s25+$0xBC50];
	v22 =	vmul.f32 v22, v9;
	v29 =	vmul.f32 v56, v7;
	v18 =	vadd.f32 v62, v18  }
0x1f5: {  	v40 =	vld [tilespmem:s25+$0xCC60];
	v39 =	vmul.f32 v58, v20;
	v23 =	vadd.f32 v23, v24;
	v38 =	vadd.f32 v35, v34  }
0x1f6: {  	v41 =	vld [tilespmem:s25+$0xCC50];
	v21 =	vmul.f32 v21, v9;
	v28 =	vmul.f32 v61, v7;
	v18 =	vadd.f32 v29, v18  }
0x1f7: {  	v44 =	vld [tilespmem:s25+$0xDC60];
	v43 =	vmul.f32 v63, v20;
	v22 =	vadd.f32 v22, v23;
	v42 =	vadd.f32 v39, v38  }
0x1f8: {  	v45 =	vld [tilespmem:s25+$0xDC50];
	v19 =	vmul.f32 v19, v9;
	v27 =	vmul.f32 v36, v7;
	v18 =	vadd.f32 v28, v18  }
0x1f9: {  	v48 =	vld [tilespmem:s25+$0xEC60];
	v47 =	vmul.f32 v37, v20;
	v21 =	vadd.f32 v21, v22;
	v46 =	vadd.f32 v43, v42  }
0x1fa: {  	v14 =	vmul.f32 v14, v9;
	v49 =	vld [tilespmem:s25+$0xEC50];
	v26 =	vmul.f32 v40, v7;
	v18 =	vadd.f32 v27, v18  }
0x1fb: {  	v51 =	vmul.f32 v41, v20;
	v52 =	vld [tilespmem:s25+$0xFC60];
	v19 =	vadd.f32 v19, v21;
	v50 =	vadd.f32 v47, v46  }
0x1fc: {  	v13 =	vmul.f32 v13, v9;
	v53 =	vld [tilespmem:s25+$0xFC50];
	v25 =	vmul.f32 v44, v7;
	v18 =	vadd.f32 v26, v18  }
0x1fd: {  	v56 =	vld [tilespmem:s25+$0x10C60];
	v55 =	vmul.f32 v45, v20;
	v14 =	vadd.f32 v14, v19;
	v54 =	vadd.f32 v51, v50  }
0x1fe: {  	v12 =	vmul.f32 v12, v9;
	v57 =	vld [tilespmem:s25+$0x10C50];
	v24 =	vmul.f32 v48, v7;
	v18 =	vadd.f32 v25, v18  }
0x1ff: {  	v59 =	vmul.f32 v49, v20;
	v60 =	vld [tilespmem:s25+$0x11C60];
	v13 =	vadd.f32 v13, v14;
	v58 =	vadd.f32 v55, v54  }
0x200: {  	v11 =	vmul.f32 v11, v9;
	v61 =	vld [tilespmem:s25+$0x11C50];
	v23 =	vmul.f32 v52, v7;
	v18 =	vadd.f32 v24, v18  }
0x201: {  	v63 =	vmul.f32 v53, v20;
	v26 =	vld [tilespmem:s25+$0x12C60];
	v12 =	vadd.f32 v12, v13;
	v62 =	vadd.f32 v59, v58  }
0x202: {  	v10 =	vmul.f32 v10, v9;
	v22 =	vmul.f32 v56, v7;
	v27 =	vld [tilespmem:s25+$0x12C50];
	v18 =	vadd.f32 v23, v18  }
0x203: {  	v30 =	vld [tilespmem:s25+$0x13C60];
	v29 =	vmul.f32 v57, v20;
	v11 =	vadd.f32 v11, v12;
	v28 =	vadd.f32 v63, v62  }
0x204: {  	v8 =	vmul.f32 v8, v9;
	v31 =	vld [tilespmem:s25+$0x13C50];
	v21 =	vmul.f32 v60, v7;
	v18 =	vadd.f32 v22, v18  }
0x205: {  	v33 =	vmul.f32 v61, v20;
	v34 =	vld [tilespmem:s25+$0x14C60];
	v10 =	vadd.f32 v10, v11;
	v32 =	vadd.f32 v29, v28  }
0x206: {  	v6 =	vmul.f32 v6, v9;
	v35 =	vld [tilespmem:s25+$0x14C50];
	v19 =	vmul.f32 v26, v7;
	v18 =	vadd.f32 v21, v18  }
0x207: {  	v38 =	vld [tilespmem:s25+$0x15C60];
	v37 =	vmul.f32 v27, v20;
	v8 =	vadd.f32 v8, v10;
	v36 =	vadd.f32 v33, v32  }
0x208: {  	v5 =	vmul.f32 v5, v9;
	v39 =	vld [tilespmem:s25+$0x15C50];
	v14 =	vmul.f32 v30, v7;
	v18 =	vadd.f32 v19, v18  }
0x209: {  	v41 =	vmul.f32 v31, v20;
	v42 =	vld [tilespmem:s25+$0x16C40];
	v6 =	vadd.f32 v6, v8;
	v40 =	vadd.f32 v37, v36  }
0x20a: {  	v4 =	vmul.f32 v4, v9;
	v43 =	vld [tilespmem:s25+$0x16C50];
	v13 =	vmul.f32 v34, v7;
	v14 =	vadd.f32 v14, v18  }
0x20b: {  	v44 =	vld [tilespmem:s25+$0x3C50];
	v46 =	vmul.f32 v35, v20;
	v5 =	vadd.f32 v5, v6;
	v45 =	vadd.f32 v41, v40  }
0x20c: {  	v3 =	vmul.f32 v3, v9;
	v48 =	vld [tilespmem:s25+$0x17C50];
	v12 =	vmul.f32 v38, v7;
	v47 =	vadd.f32 v13, v14  }
0x20d: {  	v49 =	vld [tilespmem:s25+$0x3C60];
	v51 =	vmul.f32 v39, v20;
	v4 =	vadd.f32 v4, v5;
	v50 =	vadd.f32 v46, v45  }
0x20e: {  	v2 =	vmul.f32 v2, v9;
	v53 =	vmul.f32 v42, v9;
	v52 =	vadd.f32 v12, v47  }
0x20f: {  	v56 =	vmul.f32 v43, v20;
	v54 =	vld [tilespmem:s25+$0x3C70];
	v3 =	vadd.f32 v3, v4;
	v55 =	vadd.f32 v51, v50  }
0x210: {  	v0 =	vmul.f32 v0, v9;
	v57 =	vmul.f32 v44, v20;
	v8 =	vadd.f32 v17, v52  }
0x211: {  	v58 =	vmul.f32 v48, v20;
	v3 =	vadd.f32 v53, v3;
	v4 =	vadd.f32 v56, v55  }
0x212: {  	v2 =	vadd.f32 v57, v2;
	v59 =	vmul.f32 v49, v7;
	v60 =	vadd.f32 v15, v8  }
0x213: {  	s29 =	sadd.s32 $0x1, s29;
	v0 =	vadd.f32 v0, v3;
	v61 =	vadd.f32 v58, v4  }
0x214: {  	p0 =	sne.s32 s29, $0x10;
	v2 =	vadd.f32 v59, v2;
	v62 =	vmul.f32 v54, v1  }
.Ltmp1:
0x215: {  	v63 =	vadd.f32 v16, v60;
	v0 =	vadd.f32 v61, v0;
	(pc) =	sbr.rel @p0 .LBB2_2-.Ltmp1, $4  }
0x216: {  	v1 =	vadd.f32 v62, v2  }
0x217: {  	s1 =	sadd.s32 $0x10, s26;
	v0 =	vadd.f32 v63, v0  }
0x218: {  	s28 =	sadd.s32 $0x10, s28;
	[tilespmem:s1+$0x0] =	vst v1  }
0x219: {  	s2 =	sadd.s32 $0x200, s2;
	s0 =	sadd.s32 $0x200, s0;
	[tilespmem:s28+$0x0] =	vst v0  }
0x21a: {  	s25 =	simm.s32 $0x0;
	s0 =	rddreg [dreg:$0x1a];
	s1 =	simm.s32 $0x18C00  }
0x21b: {  	[hbm4b:s0+s25] =	stream.linear.scatter [tilespmem:s1], [sflag:$0x2], $0x2000, $0x38;
	[tilespmem:$0x1CC00] =	vst v63  }
0x21c: {  	_ =	swait.ge [sflag:s30], $0x2000  }
0x21d: {  	[sflag:s30] =	ssyncset.done $0x0  }
0x21e: {  	s26 =	simm.s32 $0x1AC00;
	s2 =	rddreg [dreg:$0x1b];
	[sflag:s30] =	ssyncadd.s32 $0xFFFFE000  }
0x21f: {  	[hbm4b:s2+s25] =	stream.linear.scatter [tilespmem:s26], [sflag:$0x2], $0x2000, $0x38;
	[tilespmem:$0x1CC00] =	vst v63  }
0x220: {  	_ =	swait.ge [sflag:s30], $0x2000  }
0x221: {  	s28 =	rddreg [dreg:$0x1d]  }
0x222: {  	s29 =	rddreg [dreg:$0x1c];
	s1 =	sadd.s32 $0x1, s28  }
0x223: {  	p0 =	sne.s32 s1, s29  }
.Ltmp2:
0x224: {  	_ = 	snop;
	(pc) =	sbr.rel @p0 .LBB2_1-.Ltmp2, $3  }
0x225: {  	_ =	sdelay $0x1  }
0x226: {  	[sflag:s30] =	ssyncset.done $0x0  }
0x227: {  	[sflag:s30] =	ssyncadd.s32 $0xFFFFE000  }
0x228: {  	_ =	sfence.sel $0x180000  }
0x229: {  	[bflag:$0x0] =	sbarrier.arrive $0xFFFF  }
0x22a: {  	_ =	strace $0x90000047  }
0x22b: {  	s0 =	stileid.u32;
	[bflag:$0x2] =	sbarrier.arrive $0xFFFF  }
0x22c: {  	p0 =	sne.s32 s0, $0x0;
	s0 =	rddreg [dreg:$0x3]  }
0x22d: {  	s0 =	sadd.s32 @!p0 $0x100000, s0  }
0x22e: {  	[sflag:s0] =	ssyncadd.tile.s32 @!p0 $0x1;
	_ =	shalt  }
.Lfunc_end2:
_tile_overlayer_lowered:
.L_overlay_start_2:
0x22f: {  	(tag) =	ssettag $0x2  }
0x230: {  	s0 =	rddreg [dreg:$0x0];
	s2 =	stileid.u32  }
0x231: {  	s1 =	rddreg [dreg:$0x1];
	p0 =	sne.s32 s2, $0x0  }
0x232: {  	s3 =	rddreg [dreg:$0x2];
	[bflag:$0x3] =	sbarrier.arrive $0xFFFF;
	s2 =	simm.s32 @!p0 $0x1C02  }
0x233: {  	[timem:s3], [sflag:s2] =	dma.local @!p0 [hbm:s0], s1  }
0x234: {  	s0 =	simm.s32 @!p0 $0x2  }
0x235: {  	_ =	swait.ge @!p0 [sflag:s0], s1  }
0x236: {  	s1 =	ssub.s32 @!p0 $0x0, s1;
	[sflag:s0] =	ssyncset.done @!p0 $0x0  }
0x237: {  	[sflag:s0] =	ssyncadd.s32 @!p0 s1  }
0x238: {  	[bflag:$0x3] =	sbarrier.arrive $0xFFFF  }
0x239: {  	_ =	shalt  }

</sc_bundles>
